<compile_context>
chip_gen: v7x
topology: tpu7x:2x2x1
jax: 0.10.2.dev20260603
libtpu: 0.0.44.dev20260713+nightly
codegen_flags: <defaults>
</compile_context>

<pallas_src>
import functools

import jax
import jax.numpy as jnp
from jax import lax
from jax.experimental import pallas as pl
from jax.experimental.pallas import tpu as pltpu
from jax.experimental.pallas import tpu_sc as plsc

BATCH = 16384
F = 512
LANES = 16
NC = 2
NS = 16
NW = NC * NS
ROWS_PER_W = BATCH // NW
R = 32
NCHUNK = ROWS_PER_W // R
NJ = F // LANES

_mesh = plsc.VectorSubcoreMesh(core_axis_name="c", subcore_axis_name="s")


@functools.partial(
    pl.kernel,
    out_type=jax.ShapeDtypeStruct((BATCH, F), jnp.float32),
    mesh=_mesh,
    compiler_params=pltpu.CompilerParams(needs_layout_passes=False),
    scratch_types=[
        pltpu.VMEM((F,), jnp.int32),
        pltpu.VMEM((2 * R, F), jnp.float32),
        pltpu.VMEM((2 * R, F), jnp.float32),
        pltpu.SemaphoreType.DMA,
        pltpu.SemaphoreType.DMA,
        pltpu.SemaphoreType.DMA,
        pltpu.SemaphoreType.DMA,
        pltpu.SemaphoreType.DMA,
        pltpu.SemaphoreType.DMA,
        pltpu.SemaphoreType.DMA,
        pltpu.SemaphoreType.DMA,
    ],
)
def _sc_gather(x_hbm, idx_hbm, out_hbm, idx_v, xb, ob, si0, si1, so0, so1,
               sc4, sc5, sc6, sc7):
    wid = lax.axis_index("s") * NC + lax.axis_index("c")
    base = wid * ROWS_PER_W

    pltpu.sync_copy(idx_hbm, idx_v)
    cols = [idx_v[pl.ds(j * LANES, LANES)] for j in range(NJ)]

    lane = lax.iota(jnp.int32, LANES)
    diff = jnp.zeros((LANES,), jnp.int32)
    for j in range(NJ):
        diff = diff | (cols[j] ^ (lane + j * LANES))
    is_identity = jnp.all(diff == 0)

    def start_in(ci, par, sem):
        pltpu.async_copy(x_hbm.at[pl.ds(base + ci * R, R)],
                         xb.at[pl.ds(par * R, R)], sem)

    def start_out(ci, par, sem):
        pltpu.async_copy(ob.at[pl.ds(par * R, R)],
                         out_hbm.at[pl.ds(base + ci * R, R)], sem)

    def wait_in(sem):
        pltpu.make_async_copy(x_hbm.at[pl.ds(base, R)],
                              xb.at[pl.ds(0, R)], sem).wait()

    def wait_out(sem):
        pltpu.make_async_copy(ob.at[pl.ds(0, R)],
                              out_hbm.at[pl.ds(base, R)], sem).wait()

    @pl.when(is_identity)
    def _():
        RS = R // 2
        NSLOT = 8
        NC2 = ROWS_PER_W // RS
        NG = NC2 // NSLOT
        slots = ((xb, 0, si0), (xb, 1, si1), (xb, 2, so0), (xb, 3, so1),
                 (ob, 0, sc4), (ob, 1, sc5), (ob, 2, sc6), (ob, 3, sc7))

        def slot_in(ci, buf, q, sem):
            pltpu.async_copy(x_hbm.at[pl.ds(base + ci * RS, RS)],
                             buf.at[pl.ds(q * RS, RS)], sem)

        def slot_out(ci, buf, q, sem):
            pltpu.async_copy(buf.at[pl.ds(q * RS, RS)],
                             out_hbm.at[pl.ds(base + ci * RS, RS)], sem)

        def slot_wait(buf, sem):
            pltpu.make_async_copy(x_hbm.at[pl.ds(base, RS)],
                                  buf.at[pl.ds(0, RS)], sem).wait()

        for s, (buf, q, sem) in enumerate(slots):
            slot_in(s, buf, q, sem)

        def copy_body(g, carry):
            for s, (buf, q, sem) in enumerate(slots):
                ci = NSLOT * g + s
                slot_wait(buf, sem)
                slot_out(ci, buf, q, sem)
                t = (s + 6) % NSLOT
                tbuf, tq, tsem = slots[t]
                ct = ci + 6

                @pl.when(jnp.logical_and(ct >= NSLOT, ct < NC2))
                def _():
                    slot_wait(tbuf, tsem)
                    slot_in(ct, tbuf, tq, tsem)
            return carry

        lax.fori_loop(0, NG, copy_body, 0)

        for buf, q, sem in slots:
            slot_wait(buf, sem)

    @pl.when(~is_identity)
    def _():
        start_in(0, 0, si0)
        start_in(1, 1, si1)

        def chunk_body(ci, carry):
            par = lax.rem(ci, 2)
            even = par == 0

            @pl.when(even)
            def _():
                wait_in(si0)

            @pl.when(~even)
            def _():
                wait_in(si1)

            @pl.when(jnp.logical_and(even, ci >= 2))
            def _():
                wait_out(so0)

            @pl.when(jnp.logical_and(~even, ci >= 2))
            def _():
                wait_out(so1)

            row0 = par * R

            @plsc.parallel_loop(0, R, unroll=1)
            def _row(r):
                row = jnp.full((LANES,), row0 + r, dtype=jnp.int32)
                for j in range(NJ):
                    vals = plsc.load_gather(xb, [row, cols[j]])
                    ob[row0 + r, pl.ds(j * LANES, LANES)] = vals

            @pl.when(even)
            def _():
                start_out(ci, 0, so0)

            @pl.when(~even)
            def _():
                start_out(ci, 1, so1)

            @pl.when(jnp.logical_and(even, ci + 2 < NCHUNK))
            def _():
                start_in(ci + 2, 0, si0)

            @pl.when(jnp.logical_and(~even, ci + 2 < NCHUNK))
            def _():
                start_in(ci + 2, 1, si1)

            return carry

        lax.fori_loop(0, NCHUNK, chunk_body, 0)

        wait_out(so0)
        wait_out(so1)


def kernel(x, sparse_index):
    return _sc_gather(x, sparse_index.astype(jnp.int32))

# --- scband reference (transcript-rebuilt; emitter-appended) ---
"""Pipeline reference for scband-sparse-precomputed-features-3650722201685 (READ-ONLY COPY).

The authoritative reference and input builder live on the scoring server;
editing this copy changes nothing except your own understanding.
"""

import jax, jax.numpy as jnp
import numpy as np

NUM_FEATURES = 512
BATCH = 16384

def setup_inputs(seed: int = 0) -> dict:
    key = jax.random.key(seed)
    kx, = jax.random.split(key, 1)
    x = jax.random.normal(kx, (BATCH, NUM_FEATURES), dtype=jnp.float32)
    # module buffer: default sparse_index = arange(num_features)
    sparse_index = jnp.arange(NUM_FEATURES, dtype=jnp.int64)
    return {"x": x, "sparse_index": sparse_index}

def reference(x, sparse_index):
    # SparsePrecomputedFeatures.forward: return x[..., self.sparse_index]
    return jnp.take(x, sparse_index, axis=-1)

if __name__ == "__main__":
    import jax
    _d = setup_inputs()
    print(jax.jit(kernel)(*tuple(_d.values())))

</pallas_src>

<mosaic_0001>
#map = affine_map<(d0, d1) -> (0, 0)>
#map1 = affine_map<(d0, d1) -> (0)>
module attributes {stable_mosaic.version = 14 : i64} {
  func.func @_sc_gather(%arg0: i32, %arg1: i32, %arg2: memref<16384x512xf32, #tpu.memory_space<hbm>>, %arg3: memref<512xi32, #tpu.memory_space<hbm>>, %arg4: memref<16384x512xf32, #tpu.memory_space<hbm>>, %arg5: memref<512xi32, #tpu.memory_space<vmem>>, %arg6: memref<64x512xf32, #tpu.memory_space<vmem>>, %arg7: memref<64x512xf32, #tpu.memory_space<vmem>>, %arg8: memref<!tpu.dma_semaphore, #tpu.memory_space<semaphore_mem>>, %arg9: memref<!tpu.dma_semaphore, #tpu.memory_space<semaphore_mem>>, %arg10: memref<!tpu.dma_semaphore, #tpu.memory_space<semaphore_mem>>, %arg11: memref<!tpu.dma_semaphore, #tpu.memory_space<semaphore_mem>>, %arg12: memref<!tpu.dma_semaphore, #tpu.memory_space<semaphore_mem>>, %arg13: memref<!tpu.dma_semaphore, #tpu.memory_space<semaphore_mem>>, %arg14: memref<!tpu.dma_semaphore, #tpu.memory_space<semaphore_mem>>, %arg15: memref<!tpu.dma_semaphore, #tpu.memory_space<semaphore_mem>>) attributes {dimension_semantics = [#tpu.dimension_semantics<core_parallel>, #tpu.dimension_semantics<subcore_parallel>], iteration_bounds = array<i64: 2, 16>, scalar_prefetch = 0 : i64, scratch_operands = 11 : i64, tpu.core_type = #tpu.core_type<sc_vector_subcore>, window_params = [{transform_indices = #map}, {transform_indices = #map1}, {transform_indices = #map}]} {
    %mul3A = arith.constant 2 : i32
    %mul3A_0 = arith.muli %arg1, %mul3A : i32
    %add3A = arith.addi %mul3A_0, %arg0 : i32
    %mul3A_1 = arith.constant 512 : i32
    %mul3A_2 = arith.muli %add3A, %mul3A_1 : i32
    "tpu.region"() ({
      %run_scoped3A = tpu.sem_alloc : memref<!tpu.dma_semaphore, #tpu.memory_space<semaphore_mem>>
      tpu.enqueue_dma source(%arg3 : memref<512xi32, #tpu.memory_space<hbm>>) target(%arg5 : memref<512xi32, #tpu.memory_space<vmem>>) target_semaphore(%run_scoped3A : memref<!tpu.dma_semaphore, #tpu.memory_space<semaphore_mem>>)
      tpu.wait_dma2 semaphore(%run_scoped3A : memref<!tpu.dma_semaphore, #tpu.memory_space<semaphore_mem>>) src(%arg3 : memref<512xi32, #tpu.memory_space<hbm>>) dst(%arg5 : memref<512xi32, #tpu.memory_space<vmem>>)
      tpu.yield
    }) : () -> ()
    %get3A = arith.constant 0 : index
    %get3A_3 = tpu.vector_load %arg5[%get3A] {strides = array<i32>} : memref<512xi32, #tpu.memory_space<vmem>>, vector<16xi32>,
    %get3A_4 = arith.constant 16 : index
    %get3A_5 = tpu.vector_load %arg5[%get3A_4] {strides = array<i32>} : memref<512xi32, #tpu.memory_space<vmem>>, vector<16xi32>,
    %get3A_6 = arith.constant 32 : index
    %get3A_7 = tpu.vector_load %arg5[%get3A_6] {strides = array<i32>} : memref<512xi32, #tpu.memory_space<vmem>>, vector<16xi32>,
    %get3A_8 = arith.constant 48 : index
    %get3A_9 = tpu.vector_load %arg5[%get3A_8] {strides = array<i32>} : memref<512xi32, #tpu.memory_space<vmem>>, vector<16xi32>,
    %get3A_10 = arith.constant 64 : index
    %get3A_11 = tpu.vector_load %arg5[%get3A_10] {strides = array<i32>} : memref<512xi32, #tpu.memory_space<vmem>>, vector<16xi32>,
    %get3A_12 = arith.constant 80 : index
    %get3A_13 = tpu.vector_load %arg5[%get3A_12] {strides = array<i32>} : memref<512xi32, #tpu.memory_space<vmem>>, vector<16xi32>,
    %get3A_14 = arith.constant 96 : index
    %get3A_15 = tpu.vector_load %arg5[%get3A_14] {strides = array<i32>} : memref<512xi32, #tpu.memory_space<vmem>>, vector<16xi32>,
    %get3A_16 = arith.constant 112 : index
    %get3A_17 = tpu.vector_load %arg5[%get3A_16] {strides = array<i32>} : memref<512xi32, #tpu.memory_space<vmem>>, vector<16xi32>,
    %get3A_18 = arith.constant 128 : index
    %get3A_19 = tpu.vector_load %arg5[%get3A_18] {strides = array<i32>} : memref<512xi32, #tpu.memory_space<vmem>>, vector<16xi32>,
    %get3A_20 = arith.constant 144 : index
    %get3A_21 = tpu.vector_load %arg5[%get3A_20] {strides = array<i32>} : memref<512xi32, #tpu.memory_space<vmem>>, vector<16xi32>,
    %get3A_22 = arith.constant 160 : index
    %get3A_23 = tpu.vector_load %arg5[%get3A_22] {strides = array<i32>} : memref<512xi32, #tpu.memory_space<vmem>>, vector<16xi32>,
    %get3A_24 = arith.constant 176 : index
    %get3A_25 = tpu.vector_load %arg5[%get3A_24] {strides = array<i32>} : memref<512xi32, #tpu.memory_space<vmem>>, vector<16xi32>,
    %get3A_26 = arith.constant 192 : index
    %get3A_27 = tpu.vector_load %arg5[%get3A_26] {strides = array<i32>} : memref<512xi32, #tpu.memory_space<vmem>>, vector<16xi32>,
    %get3A_28 = arith.constant 208 : index
    %get3A_29 = tpu.vector_load %arg5[%get3A_28] {strides = array<i32>} : memref<512xi32, #tpu.memory_space<vmem>>, vector<16xi32>,
    %get3A_30 = arith.constant 224 : index
    %get3A_31 = tpu.vector_load %arg5[%get3A_30] {strides = array<i32>} : memref<512xi32, #tpu.memory_space<vmem>>, vector<16xi32>,
    %get3A_32 = arith.constant 240 : index
    %get3A_33 = tpu.vector_load %arg5[%get3A_32] {strides = array<i32>} : memref<512xi32, #tpu.memory_space<vmem>>, vector<16xi32>,
    %get3A_34 = arith.constant 256 : index
    %get3A_35 = tpu.vector_load %arg5[%get3A_34] {strides = array<i32>} : memref<512xi32, #tpu.memory_space<vmem>>, vector<16xi32>,
    %get3A_36 = arith.constant 272 : index
    %get3A_37 = tpu.vector_load %arg5[%get3A_36] {strides = array<i32>} : memref<512xi32, #tpu.memory_space<vmem>>, vector<16xi32>,
    %get3A_38 = arith.constant 288 : index
    %get3A_39 = tpu.vector_load %arg5[%get3A_38] {strides = array<i32>} : memref<512xi32, #tpu.memory_space<vmem>>, vector<16xi32>,
    %get3A_40 = arith.constant 304 : index
    %get3A_41 = tpu.vector_load %arg5[%get3A_40] {strides = array<i32>} : memref<512xi32, #tpu.memory_space<vmem>>, vector<16xi32>,
    %get3A_42 = arith.constant 320 : index
    %get3A_43 = tpu.vector_load %arg5[%get3A_42] {strides = array<i32>} : memref<512xi32, #tpu.memory_space<vmem>>, vector<16xi32>,
    %get3A_44 = arith.constant 336 : index
    %get3A_45 = tpu.vector_load %arg5[%get3A_44] {strides = array<i32>} : memref<512xi32, #tpu.memory_space<vmem>>, vector<16xi32>,
    %get3A_46 = arith.constant 352 : index
    %get3A_47 = tpu.vector_load %arg5[%get3A_46] {strides = array<i32>} : memref<512xi32, #tpu.memory_space<vmem>>, vector<16xi32>,
    %get3A_48 = arith.constant 368 : index
    %get3A_49 = tpu.vector_load %arg5[%get3A_48] {strides = array<i32>} : memref<512xi32, #tpu.memory_space<vmem>>, vector<16xi32>,
    %get3A_50 = arith.constant 384 : index
    %get3A_51 = tpu.vector_load %arg5[%get3A_50] {strides = array<i32>} : memref<512xi32, #tpu.memory_space<vmem>>, vector<16xi32>,
    %get3A_52 = arith.constant 400 : index
    %get3A_53 = tpu.vector_load %arg5[%get3A_52] {strides = array<i32>} : memref<512xi32, #tpu.memory_space<vmem>>, vector<16xi32>,
    %get3A_54 = arith.constant 416 : index
    %get3A_55 = tpu.vector_load %arg5[%get3A_54] {strides = array<i32>} : memref<512xi32, #tpu.memory_space<vmem>>, vector<16xi32>,
    %get3A_56 = arith.constant 432 : index
    %get3A_57 = tpu.vector_load %arg5[%get3A_56] {strides = array<i32>} : memref<512xi32, #tpu.memory_space<vmem>>, vector<16xi32>,
    %get3A_58 = arith.constant 448 : index
    %get3A_59 = tpu.vector_load %arg5[%get3A_58] {strides = array<i32>} : memref<512xi32, #tpu.memory_space<vmem>>, vector<16xi32>,
    %get3A_60 = arith.constant 464 : index
    %get3A_61 = tpu.vector_load %arg5[%get3A_60] {strides = array<i32>} : memref<512xi32, #tpu.memory_space<vmem>>, vector<16xi32>,
    %get3A_62 = arith.constant 480 : index
    %get3A_63 = tpu.vector_load %arg5[%get3A_62] {strides = array<i32>} : memref<512xi32, #tpu.memory_space<vmem>>, vector<16xi32>,
    %get3A_64 = arith.constant 496 : index
    %get3A_65 = tpu.vector_load %arg5[%get3A_64] {strides = array<i32>} : memref<512xi32, #tpu.memory_space<vmem>>, vector<16xi32>,
    %iota3A = tpu.iota {dimensions = array<i32: 0>} : vector<16xi32>
    %broadcast_in_dim3A = arith.constant 0 : i32
    %broadcast_in_dim3A_66 = vector.broadcast %broadcast_in_dim3A : i32 to vector<16xi32>
    %add3A_67 = arith.constant 0 : i32
    %add3A_68 = vector.broadcast %add3A_67 : i32 to vector<16xi32>
    %add3A_69 = arith.addi %iota3A, %add3A_68 : vector<16xi32>
    %xor3A = arith.xori %get3A_3, %add3A_69 : vector<16xi32>
    %or3A = arith.ori %broadcast_in_dim3A_66, %xor3A : vector<16xi32>
    %add3A_70 = arith.constant 16 : i32
    %add3A_71 = vector.broadcast %add3A_70 : i32 to vector<16xi32>
    %add3A_72 = arith.addi %iota3A, %add3A_71 : vector<16xi32>
    %xor3A_73 = arith.xori %get3A_5, %add3A_72 : vector<16xi32>
    %or3A_74 = arith.ori %or3A, %xor3A_73 : vector<16xi32>
    %add3A_75 = arith.constant 32 : i32
    %add3A_76 = vector.broadcast %add3A_75 : i32 to vector<16xi32>
    %add3A_77 = arith.addi %iota3A, %add3A_76 : vector<16xi32>
    %xor3A_78 = arith.xori %get3A_7, %add3A_77 : vector<16xi32>
    %or3A_79 = arith.ori %or3A_74, %xor3A_78 : vector<16xi32>
    %add3A_80 = arith.constant 48 : i32
    %add3A_81 = vector.broadcast %add3A_80 : i32 to vector<16xi32>
    %add3A_82 = arith.addi %iota3A, %add3A_81 : vector<16xi32>
    %xor3A_83 = arith.xori %get3A_9, %add3A_82 : vector<16xi32>
    %or3A_84 = arith.ori %or3A_79, %xor3A_83 : vector<16xi32>
    %add3A_85 = arith.constant 64 : i32
    %add3A_86 = vector.broadcast %add3A_85 : i32 to vector<16xi32>
    %add3A_87 = arith.addi %iota3A, %add3A_86 : vector<16xi32>
    %xor3A_88 = arith.xori %get3A_11, %add3A_87 : vector<16xi32>
    %or3A_89 = arith.ori %or3A_84, %xor3A_88 : vector<16xi32>
    %add3A_90 = arith.constant 80 : i32
    %add3A_91 = vector.broadcast %add3A_90 : i32 to vector<16xi32>
    %add3A_92 = arith.addi %iota3A, %add3A_91 : vector<16xi32>
    %xor3A_93 = arith.xori %get3A_13, %add3A_92 : vector<16xi32>
    %or3A_94 = arith.ori %or3A_89, %xor3A_93 : vector<16xi32>
    %add3A_95 = arith.constant 96 : i32
    %add3A_96 = vector.broadcast %add3A_95 : i32 to vector<16xi32>
    %add3A_97 = arith.addi %iota3A, %add3A_96 : vector<16xi32>
    %xor3A_98 = arith.xori %get3A_15, %add3A_97 : vector<16xi32>
    %or3A_99 = arith.ori %or3A_94, %xor3A_98 : vector<16xi32>
    %add3A_100 = arith.constant 112 : i32
    %add3A_101 = vector.broadcast %add3A_100 : i32 to vector<16xi32>
    %add3A_102 = arith.addi %iota3A, %add3A_101 : vector<16xi32>
    %xor3A_103 = arith.xori %get3A_17, %add3A_102 : vector<16xi32>
    %or3A_104 = arith.ori %or3A_99, %xor3A_103 : vector<16xi32>
    %add3A_105 = arith.constant 128 : i32
    %add3A_106 = vector.broadcast %add3A_105 : i32 to vector<16xi32>
    %add3A_107 = arith.addi %iota3A, %add3A_106 : vector<16xi32>
    %xor3A_108 = arith.xori %get3A_19, %add3A_107 : vector<16xi32>
    %or3A_109 = arith.ori %or3A_104, %xor3A_108 : vector<16xi32>
    %add3A_110 = arith.constant 144 : i32
    %add3A_111 = vector.broadcast %add3A_110 : i32 to vector<16xi32>
    %add3A_112 = arith.addi %iota3A, %add3A_111 : vector<16xi32>
    %xor3A_113 = arith.xori %get3A_21, %add3A_112 : vector<16xi32>
    %or3A_114 = arith.ori %or3A_109, %xor3A_113 : vector<16xi32>
    %add3A_115 = arith.constant 160 : i32
    %add3A_116 = vector.broadcast %add3A_115 : i32 to vector<16xi32>
    %add3A_117 = arith.addi %iota3A, %add3A_116 : vector<16xi32>
    %xor3A_118 = arith.xori %get3A_23, %add3A_117 : vector<16xi32>
    %or3A_119 = arith.ori %or3A_114, %xor3A_118 : vector<16xi32>
    %add3A_120 = arith.constant 176 : i32
    %add3A_121 = vector.broadcast %add3A_120 : i32 to vector<16xi32>
    %add3A_122 = arith.addi %iota3A, %add3A_121 : vector<16xi32>
    %xor3A_123 = arith.xori %get3A_25, %add3A_122 : vector<16xi32>
    %or3A_124 = arith.ori %or3A_119, %xor3A_123 : vector<16xi32>
    %add3A_125 = arith.constant 192 : i32
    %add3A_126 = vector.broadcast %add3A_125 : i32 to vector<16xi32>
    %add3A_127 = arith.addi %iota3A, %add3A_126 : vector<16xi32>
    %xor3A_128 = arith.xori %get3A_27, %add3A_127 : vector<16xi32>
    %or3A_129 = arith.ori %or3A_124, %xor3A_128 : vector<16xi32>
    %add3A_130 = arith.constant 208 : i32
    %add3A_131 = vector.broadcast %add3A_130 : i32 to vector<16xi32>
    %add3A_132 = arith.addi %iota3A, %add3A_131 : vector<16xi32>
    %xor3A_133 = arith.xori %get3A_29, %add3A_132 : vector<16xi32>
    %or3A_134 = arith.ori %or3A_129, %xor3A_133 : vector<16xi32>
    %add3A_135 = arith.constant 224 : i32
    %add3A_136 = vector.broadcast %add3A_135 : i32 to vector<16xi32>
    %add3A_137 = arith.addi %iota3A, %add3A_136 : vector<16xi32>
    %xor3A_138 = arith.xori %get3A_31, %add3A_137 : vector<16xi32>
    %or3A_139 = arith.ori %or3A_134, %xor3A_138 : vector<16xi32>
    %add3A_140 = arith.constant 240 : i32
    %add3A_141 = vector.broadcast %add3A_140 : i32 to vector<16xi32>
    %add3A_142 = arith.addi %iota3A, %add3A_141 : vector<16xi32>
    %xor3A_143 = arith.xori %get3A_33, %add3A_142 : vector<16xi32>
    %or3A_144 = arith.ori %or3A_139, %xor3A_143 : vector<16xi32>
    %add3A_145 = arith.constant 256 : i32
    %add3A_146 = vector.broadcast %add3A_145 : i32 to vector<16xi32>
    %add3A_147 = arith.addi %iota3A, %add3A_146 : vector<16xi32>
    %xor3A_148 = arith.xori %get3A_35, %add3A_147 : vector<16xi32>
    %or3A_149 = arith.ori %or3A_144, %xor3A_148 : vector<16xi32>
    %add3A_150 = arith.constant 272 : i32
    %add3A_151 = vector.broadcast %add3A_150 : i32 to vector<16xi32>
    %add3A_152 = arith.addi %iota3A, %add3A_151 : vector<16xi32>
    %xor3A_153 = arith.xori %get3A_37, %add3A_152 : vector<16xi32>
    %or3A_154 = arith.ori %or3A_149, %xor3A_153 : vector<16xi32>
    %add3A_155 = arith.constant 288 : i32
    %add3A_156 = vector.broadcast %add3A_155 : i32 to vector<16xi32>
    %add3A_157 = arith.addi %iota3A, %add3A_156 : vector<16xi32>
    %xor3A_158 = arith.xori %get3A_39, %add3A_157 : vector<16xi32>
    %or3A_159 = arith.ori %or3A_154, %xor3A_158 : vector<16xi32>
    %add3A_160 = arith.constant 304 : i32
    %add3A_161 = vector.broadcast %add3A_160 : i32 to vector<16xi32>
    %add3A_162 = arith.addi %iota3A, %add3A_161 : vector<16xi32>
    %xor3A_163 = arith.xori %get3A_41, %add3A_162 : vector<16xi32>
    %or3A_164 = arith.ori %or3A_159, %xor3A_163 : vector<16xi32>
    %add3A_165 = arith.constant 320 : i32
    %add3A_166 = vector.broadcast %add3A_165 : i32 to vector<16xi32>
    %add3A_167 = arith.addi %iota3A, %add3A_166 : vector<16xi32>
    %xor3A_168 = arith.xori %get3A_43, %add3A_167 : vector<16xi32>
    %or3A_169 = arith.ori %or3A_164, %xor3A_168 : vector<16xi32>
    %add3A_170 = arith.constant 336 : i32
    %add3A_171 = vector.broadcast %add3A_170 : i32 to vector<16xi32>
    %add3A_172 = arith.addi %iota3A, %add3A_171 : vector<16xi32>
    %xor3A_173 = arith.xori %get3A_45, %add3A_172 : vector<16xi32>
    %or3A_174 = arith.ori %or3A_169, %xor3A_173 : vector<16xi32>
    %add3A_175 = arith.constant 352 : i32
    %add3A_176 = vector.broadcast %add3A_175 : i32 to vector<16xi32>
    %add3A_177 = arith.addi %iota3A, %add3A_176 : vector<16xi32>
    %xor3A_178 = arith.xori %get3A_47, %add3A_177 : vector<16xi32>
    %or3A_179 = arith.ori %or3A_174, %xor3A_178 : vector<16xi32>
    %add3A_180 = arith.constant 368 : i32
    %add3A_181 = vector.broadcast %add3A_180 : i32 to vector<16xi32>
    %add3A_182 = arith.addi %iota3A, %add3A_181 : vector<16xi32>
    %xor3A_183 = arith.xori %get3A_49, %add3A_182 : vector<16xi32>
    %or3A_184 = arith.ori %or3A_179, %xor3A_183 : vector<16xi32>
    %add3A_185 = arith.constant 384 : i32
    %add3A_186 = vector.broadcast %add3A_185 : i32 to vector<16xi32>
    %add3A_187 = arith.addi %iota3A, %add3A_186 : vector<16xi32>
    %xor3A_188 = arith.xori %get3A_51, %add3A_187 : vector<16xi32>
    %or3A_189 = arith.ori %or3A_184, %xor3A_188 : vector<16xi32>
    %add3A_190 = arith.constant 400 : i32
    %add3A_191 = vector.broadcast %add3A_190 : i32 to vector<16xi32>
    %add3A_192 = arith.addi %iota3A, %add3A_191 : vector<16xi32>
    %xor3A_193 = arith.xori %get3A_53, %add3A_192 : vector<16xi32>
    %or3A_194 = arith.ori %or3A_189, %xor3A_193 : vector<16xi32>
    %add3A_195 = arith.constant 416 : i32
    %add3A_196 = vector.broadcast %add3A_195 : i32 to vector<16xi32>
    %add3A_197 = arith.addi %iota3A, %add3A_196 : vector<16xi32>
    %xor3A_198 = arith.xori %get3A_55, %add3A_197 : vector<16xi32>
    %or3A_199 = arith.ori %or3A_194, %xor3A_198 : vector<16xi32>
    %add3A_200 = arith.constant 432 : i32
    %add3A_201 = vector.broadcast %add3A_200 : i32 to vector<16xi32>
    %add3A_202 = arith.addi %iota3A, %add3A_201 : vector<16xi32>
    %xor3A_203 = arith.xori %get3A_57, %add3A_202 : vector<16xi32>
    %or3A_204 = arith.ori %or3A_199, %xor3A_203 : vector<16xi32>
    %add3A_205 = arith.constant 448 : i32
    %add3A_206 = vector.broadcast %add3A_205 : i32 to vector<16xi32>
    %add3A_207 = arith.addi %iota3A, %add3A_206 : vector<16xi32>
    %xor3A_208 = arith.xori %get3A_59, %add3A_207 : vector<16xi32>
    %or3A_209 = arith.ori %or3A_204, %xor3A_208 : vector<16xi32>
    %add3A_210 = arith.constant 464 : i32
    %add3A_211 = vector.broadcast %add3A_210 : i32 to vector<16xi32>
    %add3A_212 = arith.addi %iota3A, %add3A_211 : vector<16xi32>
    %xor3A_213 = arith.xori %get3A_61, %add3A_212 : vector<16xi32>
    %or3A_214 = arith.ori %or3A_209, %xor3A_213 : vector<16xi32>
    %add3A_215 = arith.constant 480 : i32
    %add3A_216 = vector.broadcast %add3A_215 : i32 to vector<16xi32>
    %add3A_217 = arith.addi %iota3A, %add3A_216 : vector<16xi32>
    %xor3A_218 = arith.xori %get3A_63, %add3A_217 : vector<16xi32>
    %or3A_219 = arith.ori %or3A_214, %xor3A_218 : vector<16xi32>
    %add3A_220 = arith.constant 496 : i32
    %add3A_221 = vector.broadcast %add3A_220 : i32 to vector<16xi32>
    %add3A_222 = arith.addi %iota3A, %add3A_221 : vector<16xi32>
    %xor3A_223 = arith.xori %get3A_65, %add3A_222 : vector<16xi32>
    %or3A_224 = arith.ori %or3A_219, %xor3A_223 : vector<16xi32>
    %eq3A = arith.constant 0 : i32
    %eq3A_225 = vector.broadcast %eq3A : i32 to vector<16xi32>
    %eq3A_226 = arith.cmpi eq, %or3A_224, %eq3A_225 : vector<16xi32>
    %reduce_and3A = arith.constant 1.000000e+00 : f32
    %reduce_and3A_227 = arith.constant 0.000000e+00 : f32
    %reduce_and3A_228 = vector.broadcast %reduce_and3A : f32 to vector<16xf32>
    %reduce_and3A_229 = vector.broadcast %reduce_and3A_227 : f32 to vector<16xf32>
    %reduce_and3A_230 = arith.select %eq3A_226, %reduce_and3A_228, %reduce_and3A_229 : vector<16xi1>, vector<16xf32>
    %reduce_and3A_231 = arith.constant true
    %reduce_and3A_232 = vector.broadcast %reduce_and3A_231 : i1 to vector<16xi1>
    %reduce_and3A_233 = tpu.scan <min>, %reduce_and3A_230 masked %reduce_and3A_232 : vector<16xf32>, vector<16xi1> -> vector<16xf32>
    %reduce_and3A_234 = vector.extract %reduce_and3A_233[15] : f32 from vector<16xf32>
    %reduce_and3A_235 = arith.constant 0.000000e+00 : f32
    %reduce_and3A_236 = arith.cmpf ogt, %reduce_and3A_234, %reduce_and3A_235 : f32
    %convert_element_type3A = arith.extui %reduce_and3A_236 : i1 to i32
    %cond3A = arith.constant 0 : i32
    %cond3A_237 = arith.cmpi ne, %convert_element_type3A, %cond3A : i32
    scf.if %cond3A_237 {
      %add3A_242 = arith.constant 0 : i32
      %add3A_243 = arith.addi %mul3A_2, %add3A_242 : i32
      %dma_start3A = arith.constant 0 : i32
      %dma_start3A_244 = arith.constant 0 : i32
      %dma_start3A_245 = tpu.memref_slice %arg6[%dma_start3A, %dma_start3A_244] : memref<64x512xf32, #tpu.memory_space<vmem>> -> memref<16x512xf32, #tpu.memory_space<vmem>>
      %dma_start3A_246 = arith.constant 0 : i32
      %dma_start3A_247 = tpu.memref_slice %arg2[%add3A_243, %dma_start3A_246] : memref<16384x512xf32, #tpu.memory_space<hbm>> -> memref<16x512xf32, #tpu.memory_space<hbm>>
      %dma_start3A_248 = arith.constant 0 : i32
      %dma_start3A_249 = arith.constant 0 : i32
      %dma_start3A_250 = tpu.memref_slice %arg6[%dma_start3A_248, %dma_start3A_249] : memref<64x512xf32, #tpu.memory_space<vmem>> -> memref<16x512xf32, #tpu.memory_space<vmem>>
      %dma_start3A_251 = arith.constant 0 : i32
      %dma_start3A_252 = tpu.memref_slice %arg2[%add3A_243, %dma_start3A_251] : memref<16384x512xf32, #tpu.memory_space<hbm>> -> memref<16x512xf32, #tpu.memory_space<hbm>>
      tpu.enqueue_dma source(%dma_start3A_252 : memref<16x512xf32, #tpu.memory_space<hbm>>) target(%dma_start3A_250 : memref<16x512xf32, #tpu.memory_space<vmem>>) target_semaphore(%arg8 : memref<!tpu.dma_semaphore, #tpu.memory_space<semaphore_mem>>)
      %add3A_253 = arith.constant 16 : i32
      %add3A_254 = arith.addi %mul3A_2, %add3A_253 : i32
      %dma_start3A_255 = arith.constant 16 : i32
      %dma_start3A_256 = arith.constant 0 : i32
      %dma_start3A_257 = tpu.memref_slice %arg6[%dma_start3A_255, %dma_start3A_256] : memref<64x512xf32, #tpu.memory_space<vmem>> -> memref<16x512xf32, #tpu.memory_space<vmem>>
      %dma_start3A_258 = arith.constant 0 : i32
      %dma_start3A_259 = tpu.memref_slice %arg2[%add3A_254, %dma_start3A_258] : memref<16384x512xf32, #tpu.memory_space<hbm>> -> memref<16x512xf32, #tpu.memory_space<hbm>>
      %dma_start3A_260 = arith.constant 16 : i32
      %dma_start3A_261 = arith.constant 0 : i32
      %dma_start3A_262 = tpu.memref_slice %arg6[%dma_start3A_260, %dma_start3A_261] : memref<64x512xf32, #tpu.memory_space<vmem>> -> memref<16x512xf32, #tpu.memory_space<vmem>>
      %dma_start3A_263 = arith.constant 0 : i32
      %dma_start3A_264 = tpu.memref_slice %arg2[%add3A_254, %dma_start3A_263] : memref<16384x512xf32, #tpu.memory_space<hbm>> -> memref<16x512xf32, #tpu.memory_space<hbm>>
      tpu.enqueue_dma source(%dma_start3A_264 : memref<16x512xf32, #tpu.memory_space<hbm>>) target(%dma_start3A_262 : memref<16x512xf32, #tpu.memory_space<vmem>>) target_semaphore(%arg9 : memref<!tpu.dma_semaphore, #tpu.memory_space<semaphore_mem>>)
      %add3A_265 = arith.constant 32 : i32
      %add3A_266 = arith.addi %mul3A_2, %add3A_265 : i32
      %dma_start3A_267 = arith.constant 32 : i32
      %dma_start3A_268 = arith.constant 0 : i32
      %dma_start3A_269 = tpu.memref_slice %arg6[%dma_start3A_267, %dma_start3A_268] : memref<64x512xf32, #tpu.memory_space<vmem>> -> memref<16x512xf32, #tpu.memory_space<vmem>>
      %dma_start3A_270 = arith.constant 0 : i32
      %dma_start3A_271 = tpu.memref_slice %arg2[%add3A_266, %dma_start3A_270] : memref<16384x512xf32, #tpu.memory_space<hbm>> -> memref<16x512xf32, #tpu.memory_space<hbm>>
      %dma_start3A_272 = arith.constant 32 : i32
      %dma_start3A_273 = arith.constant 0 : i32
      %dma_start3A_274 = tpu.memref_slice %arg6[%dma_start3A_272, %dma_start3A_273] : memref<64x512xf32, #tpu.memory_space<vmem>> -> memref<16x512xf32, #tpu.memory_space<vmem>>
      %dma_start3A_275 = arith.constant 0 : i32
      %dma_start3A_276 = tpu.memref_slice %arg2[%add3A_266, %dma_start3A_275] : memref<16384x512xf32, #tpu.memory_space<hbm>> -> memref<16x512xf32, #tpu.memory_space<hbm>>
      tpu.enqueue_dma source(%dma_start3A_276 : memref<16x512xf32, #tpu.memory_space<hbm>>) target(%dma_start3A_274 : memref<16x512xf32, #tpu.memory_space<vmem>>) target_semaphore(%arg10 : memref<!tpu.dma_semaphore, #tpu.memory_space<semaphore_mem>>)
      %add3A_277 = arith.constant 48 : i32
      %add3A_278 = arith.addi %mul3A_2, %add3A_277 : i32
      %dma_start3A_279 = arith.constant 48 : i32
      %dma_start3A_280 = arith.constant 0 : i32
      %dma_start3A_281 = tpu.memref_slice %arg6[%dma_start3A_279, %dma_start3A_280] : memref<64x512xf32, #tpu.memory_space<vmem>> -> memref<16x512xf32, #tpu.memory_space<vmem>>
      %dma_start3A_282 = arith.constant 0 : i32
      %dma_start3A_283 = tpu.memref_slice %arg2[%add3A_278, %dma_start3A_282] : memref<16384x512xf32, #tpu.memory_space<hbm>> -> memref<16x512xf32, #tpu.memory_space<hbm>>
      %dma_start3A_284 = arith.constant 48 : i32
      %dma_start3A_285 = arith.constant 0 : i32
      %dma_start3A_286 = tpu.memref_slice %arg6[%dma_start3A_284, %dma_start3A_285] : memref<64x512xf32, #tpu.memory_space<vmem>> -> memref<16x512xf32, #tpu.memory_space<vmem>>
      %dma_start3A_287 = arith.constant 0 : i32
      %dma_start3A_288 = tpu.memref_slice %arg2[%add3A_278, %dma_start3A_287] : memref<16384x512xf32, #tpu.memory_space<hbm>> -> memref<16x512xf32, #tpu.memory_space<hbm>>
      tpu.enqueue_dma source(%dma_start3A_288 : memref<16x512xf32, #tpu.memory_space<hbm>>) target(%dma_start3A_286 : memref<16x512xf32, #tpu.memory_space<vmem>>) target_semaphore(%arg11 : memref<!tpu.dma_semaphore, #tpu.memory_space<semaphore_mem>>)
      %add3A_289 = arith.constant 64 : i32
      %add3A_290 = arith.addi %mul3A_2, %add3A_289 : i32
      %dma_start3A_291 = arith.constant 0 : i32
      %dma_start3A_292 = arith.constant 0 : i32
      %dma_start3A_293 = tpu.memref_slice %arg7[%dma_start3A_291, %dma_start3A_292] : memref<64x512xf32, #tpu.memory_space<vmem>> -> memref<16x512xf32, #tpu.memory_space<vmem>>
      %dma_start3A_294 = arith.constant 0 : i32
      %dma_start3A_295 = tpu.memref_slice %arg2[%add3A_290, %dma_start3A_294] : memref<16384x512xf32, #tpu.memory_space<hbm>> -> memref<16x512xf32, #tpu.memory_space<hbm>>
      %dma_start3A_296 = arith.constant 0 : i32
      %dma_start3A_297 = arith.constant 0 : i32
      %dma_start3A_298 = tpu.memref_slice %arg7[%dma_start3A_296, %dma_start3A_297] : memref<64x512xf32, #tpu.memory_space<vmem>> -> memref<16x512xf32, #tpu.memory_space<vmem>>
      %dma_start3A_299 = arith.constant 0 : i32
      %dma_start3A_300 = tpu.memref_slice %arg2[%add3A_290, %dma_start3A_299] : memref<16384x512xf32, #tpu.memory_space<hbm>> -> memref<16x512xf32, #tpu.memory_space<hbm>>
      tpu.enqueue_dma source(%dma_start3A_300 : memref<16x512xf32, #tpu.memory_space<hbm>>) target(%dma_start3A_298 : memref<16x512xf32, #tpu.memory_space<vmem>>) target_semaphore(%arg12 : memref<!tpu.dma_semaphore, #tpu.memory_space<semaphore_mem>>)
      %add3A_301 = arith.constant 80 : i32
      %add3A_302 = arith.addi %mul3A_2, %add3A_301 : i32
      %dma_start3A_303 = arith.constant 16 : i32
      %dma_start3A_304 = arith.constant 0 : i32
      %dma_start3A_305 = tpu.memref_slice %arg7[%dma_start3A_303, %dma_start3A_304] : memref<64x512xf32, #tpu.memory_space<vmem>> -> memref<16x512xf32, #tpu.memory_space<vmem>>
      %dma_start3A_306 = arith.constant 0 : i32
      %dma_start3A_307 = tpu.memref_slice %arg2[%add3A_302, %dma_start3A_306] : memref<16384x512xf32, #tpu.memory_space<hbm>> -> memref<16x512xf32, #tpu.memory_space<hbm>>
      %dma_start3A_308 = arith.constant 16 : i32
      %dma_start3A_309 = arith.constant 0 : i32
      %dma_start3A_310 = tpu.memref_slice %arg7[%dma_start3A_308, %dma_start3A_309] : memref<64x512xf32, #tpu.memory_space<vmem>> -> memref<16x512xf32, #tpu.memory_space<vmem>>
      %dma_start3A_311 = arith.constant 0 : i32
      %dma_start3A_312 = tpu.memref_slice %arg2[%add3A_302, %dma_start3A_311] : memref<16384x512xf32, #tpu.memory_space<hbm>> -> memref<16x512xf32, #tpu.memory_space<hbm>>
      tpu.enqueue_dma source(%dma_start3A_312 : memref<16x512xf32, #tpu.memory_space<hbm>>) target(%dma_start3A_310 : memref<16x512xf32, #tpu.memory_space<vmem>>) target_semaphore(%arg13 : memref<!tpu.dma_semaphore, #tpu.memory_space<semaphore_mem>>)
      %add3A_313 = arith.constant 96 : i32
      %add3A_314 = arith.addi %mul3A_2, %add3A_313 : i32
      %dma_start3A_315 = arith.constant 32 : i32
      %dma_start3A_316 = arith.constant 0 : i32
      %dma_start3A_317 = tpu.memref_slice %arg7[%dma_start3A_315, %dma_start3A_316] : memref<64x512xf32, #tpu.memory_space<vmem>> -> memref<16x512xf32, #tpu.memory_space<vmem>>
      %dma_start3A_318 = arith.constant 0 : i32
      %dma_start3A_319 = tpu.memref_slice %arg2[%add3A_314, %dma_start3A_318] : memref<16384x512xf32, #tpu.memory_space<hbm>> -> memref<16x512xf32, #tpu.memory_space<hbm>>
      %dma_start3A_320 = arith.constant 32 : i32
      %dma_start3A_321 = arith.constant 0 : i32
      %dma_start3A_322 = tpu.memref_slice %arg7[%dma_start3A_320, %dma_start3A_321] : memref<64x512xf32, #tpu.memory_space<vmem>> -> memref<16x512xf32, #tpu.memory_space<vmem>>
      %dma_start3A_323 = arith.constant 0 : i32
      %dma_start3A_324 = tpu.memref_slice %arg2[%add3A_314, %dma_start3A_323] : memref<16384x512xf32, #tpu.memory_space<hbm>> -> memref<16x512xf32, #tpu.memory_space<hbm>>
      tpu.enqueue_dma source(%dma_start3A_324 : memref<16x512xf32, #tpu.memory_space<hbm>>) target(%dma_start3A_322 : memref<16x512xf32, #tpu.memory_space<vmem>>) target_semaphore(%arg14 : memref<!tpu.dma_semaphore, #tpu.memory_space<semaphore_mem>>)
      %add3A_325 = arith.constant 112 : i32
      %add3A_326 = arith.addi %mul3A_2, %add3A_325 : i32
      %dma_start3A_327 = arith.constant 48 : i32
      %dma_start3A_328 = arith.constant 0 : i32
      %dma_start3A_329 = tpu.memref_slice %arg7[%dma_start3A_327, %dma_start3A_328] : memref<64x512xf32, #tpu.memory_space<vmem>> -> memref<16x512xf32, #tpu.memory_space<vmem>>
      %dma_start3A_330 = arith.constant 0 : i32
      %dma_start3A_331 = tpu.memref_slice %arg2[%add3A_326, %dma_start3A_330] : memref<16384x512xf32, #tpu.memory_space<hbm>> -> memref<16x512xf32, #tpu.memory_space<hbm>>
      %dma_start3A_332 = arith.constant 48 : i32
      %dma_start3A_333 = arith.constant 0 : i32
      %dma_start3A_334 = tpu.memref_slice %arg7[%dma_start3A_332, %dma_start3A_333] : memref<64x512xf32, #tpu.memory_space<vmem>> -> memref<16x512xf32, #tpu.memory_space<vmem>>
      %dma_start3A_335 = arith.constant 0 : i32
      %dma_start3A_336 = tpu.memref_slice %arg2[%add3A_326, %dma_start3A_335] : memref<16384x512xf32, #tpu.memory_space<hbm>> -> memref<16x512xf32, #tpu.memory_space<hbm>>
      tpu.enqueue_dma source(%dma_start3A_336 : memref<16x512xf32, #tpu.memory_space<hbm>>) target(%dma_start3A_334 : memref<16x512xf32, #tpu.memory_space<vmem>>) target_semaphore(%arg15 : memref<!tpu.dma_semaphore, #tpu.memory_space<semaphore_mem>>)
      %scan3A = arith.constant 0 : i32
      %scan3A_337 = arith.constant 0 : i32
      %scan3A_338 = arith.constant 4 : i32
      %scan3A_339 = arith.addi %scan3A_337, %scan3A_338 : i32
      %scan3A_340 = arith.constant 1 : i32
      scf.for %scan3A_421 = %scan3A_337 to %scan3A_339 step %scan3A_340  : i32 {
        %mul3A_422 = arith.constant 8 : i32
        %mul3A_423 = arith.muli %mul3A_422, %scan3A_421 : i32
        %add3A_424 = arith.constant 0 : i32
        %add3A_425 = arith.addi %mul3A_423, %add3A_424 : i32
        %dma_wait3A_426 = arith.constant 0 : i32
        %dma_wait3A_427 = arith.constant 0 : i32
        %dma_wait3A_428 = tpu.memref_slice %arg6[%dma_wait3A_426, %dma_wait3A_427] : memref<64x512xf32, #tpu.memory_space<vmem>> -> memref<16x512xf32, #tpu.memory_space<vmem>>
        %dma_wait3A_429 = arith.constant 0 : i32
        %dma_wait3A_430 = tpu.memref_slice %arg2[%mul3A_2, %dma_wait3A_429] : memref<16384x512xf32, #tpu.memory_space<hbm>> -> memref<16x512xf32, #tpu.memory_space<hbm>>
        %dma_wait3A_431 = arith.constant 0 : i32
        %dma_wait3A_432 = arith.constant 0 : i32
        %dma_wait3A_433 = tpu.memref_slice %arg6[%dma_wait3A_431, %dma_wait3A_432] : memref<64x512xf32, #tpu.memory_space<vmem>> -> memref<16x512xf32, #tpu.memory_space<vmem>>
        %dma_wait3A_434 = arith.constant 0 : i32
        %dma_wait3A_435 = tpu.memref_slice %arg2[%mul3A_2, %dma_wait3A_434] : memref<16384x512xf32, #tpu.memory_space<hbm>> -> memref<16x512xf32, #tpu.memory_space<hbm>>
        tpu.wait_dma2 semaphore(%arg8 : memref<!tpu.dma_semaphore, #tpu.memory_space<semaphore_mem>>) src(%dma_wait3A_435 : memref<16x512xf32, #tpu.memory_space<hbm>>) dst(%dma_wait3A_433 : memref<16x512xf32, #tpu.memory_space<vmem>>)
        %mul3A_436 = arith.constant 16 : i32
        %mul3A_437 = arith.muli %add3A_425, %mul3A_436 : i32
        %add3A_438 = arith.addi %mul3A_2, %mul3A_437 : i32
        %dma_start3A_439 = arith.constant 0 : i32
        %dma_start3A_440 = arith.constant 0 : i32
        %dma_start3A_441 = tpu.memref_slice %arg6[%dma_start3A_439, %dma_start3A_440] : memref<64x512xf32, #tpu.memory_space<vmem>> -> memref<16x512xf32, #tpu.memory_space<vmem>>
        %dma_start3A_442 = arith.constant 0 : i32
        %dma_start3A_443 = tpu.memref_slice %arg4[%add3A_438, %dma_start3A_442] : memref<16384x512xf32, #tpu.memory_space<hbm>> -> memref<16x512xf32, #tpu.memory_space<hbm>>
        %dma_start3A_444 = arith.constant 0 : i32
        %dma_start3A_445 = tpu.memref_slice %arg4[%add3A_438, %dma_start3A_444] : memref<16384x512xf32, #tpu.memory_space<hbm>> -> memref<16x512xf32, #tpu.memory_space<hbm>>
        %dma_start3A_446 = arith.constant 0 : i32
        %dma_start3A_447 = arith.constant 0 : i32
        %dma_start3A_448 = tpu.memref_slice %arg6[%dma_start3A_446, %dma_start3A_447] : memref<64x512xf32, #tpu.memory_space<vmem>> -> memref<16x512xf32, #tpu.memory_space<vmem>>
        tpu.enqueue_dma source(%dma_start3A_448 : memref<16x512xf32, #tpu.memory_space<vmem>>) target(%dma_start3A_445 : memref<16x512xf32, #tpu.memory_space<hbm>>) target_semaphore(%arg8 : memref<!tpu.dma_semaphore, #tpu.memory_space<semaphore_mem>>)
        %add3A_449 = arith.constant 6 : i32
        %add3A_450 = arith.addi %add3A_425, %add3A_449 : i32
        %ge3A = arith.constant 8 : i32
        %ge3A_451 = arith.cmpi sge, %add3A_450, %ge3A : i32
        %lt3A = arith.constant 32 : i32
        %lt3A_452 = arith.cmpi slt, %add3A_450, %lt3A : i32
        %and3A = arith.andi %ge3A_451, %lt3A_452 : i1
        %convert_element_type3A_453 = arith.extui %and3A : i1 to i32
        %cond3A_454 = arith.constant 0 : i32
        %cond3A_455 = arith.cmpi ne, %convert_element_type3A_453, %cond3A_454 : i32
        scf.if %cond3A_455 {
          %dma_wait3A_715 = arith.constant 0 : i32
          %dma_wait3A_716 = arith.constant 0 : i32
          %dma_wait3A_717 = tpu.memref_slice %arg7[%dma_wait3A_715, %dma_wait3A_716] : memref<64x512xf32, #tpu.memory_space<vmem>> -> memref<16x512xf32, #tpu.memory_space<vmem>>
          %dma_wait3A_718 = arith.constant 0 : i32
          %dma_wait3A_719 = tpu.memref_slice %arg2[%mul3A_2, %dma_wait3A_718] : memref<16384x512xf32, #tpu.memory_space<hbm>> -> memref<16x512xf32, #tpu.memory_space<hbm>>
          %dma_wait3A_720 = arith.constant 0 : i32
          %dma_wait3A_721 = arith.constant 0 : i32
          %dma_wait3A_722 = tpu.memref_slice %arg7[%dma_wait3A_720, %dma_wait3A_721] : memref<64x512xf32, #tpu.memory_space<vmem>> -> memref<16x512xf32, #tpu.memory_space<vmem>>
          %dma_wait3A_723 = arith.constant 0 : i32
          %dma_wait3A_724 = tpu.memref_slice %arg2[%mul3A_2, %dma_wait3A_723] : memref<16384x512xf32, #tpu.memory_space<hbm>> -> memref<16x512xf32, #tpu.memory_space<hbm>>
          tpu.wait_dma2 semaphore(%arg14 : memref<!tpu.dma_semaphore, #tpu.memory_space<semaphore_mem>>) src(%dma_wait3A_724 : memref<16x512xf32, #tpu.memory_space<hbm>>) dst(%dma_wait3A_722 : memref<16x512xf32, #tpu.memory_space<vmem>>)
          %mul3A_725 = arith.constant 16 : i32
          %mul3A_726 = arith.muli %add3A_450, %mul3A_725 : i32
          %add3A_727 = arith.addi %mul3A_2, %mul3A_726 : i32
          %dma_start3A_728 = arith.constant 32 : i32
          %dma_start3A_729 = arith.constant 0 : i32
          %dma_start3A_730 = tpu.memref_slice %arg7[%dma_start3A_728, %dma_start3A_729] : memref<64x512xf32, #tpu.memory_space<vmem>> -> memref<16x512xf32, #tpu.memory_space<vmem>>
          %dma_start3A_731 = arith.constant 0 : i32
          %dma_start3A_732 = tpu.memref_slice %arg2[%add3A_727, %dma_start3A_731] : memref<16384x512xf32, #tpu.memory_space<hbm>> -> memref<16x512xf32, #tpu.memory_space<hbm>>
          %dma_start3A_733 = arith.constant 32 : i32
          %dma_start3A_734 = arith.constant 0 : i32
          %dma_start3A_735 = tpu.memref_slice %arg7[%dma_start3A_733, %dma_start3A_734] : memref<64x512xf32, #tpu.memory_space<vmem>> -> memref<16x512xf32, #tpu.memory_space<vmem>>
          %dma_start3A_736 = arith.constant 0 : i32
          %dma_start3A_737 = tpu.memref_slice %arg2[%add3A_727, %dma_start3A_736] : memref<16384x512xf32, #tpu.memory_space<hbm>> -> memref<16x512xf32, #tpu.memory_space<hbm>>
          tpu.enqueue_dma source(%dma_start3A_737 : memref<16x512xf32, #tpu.memory_space<hbm>>) target(%dma_start3A_735 : memref<16x512xf32, #tpu.memory_space<vmem>>) target_semaphore(%arg14 : memref<!tpu.dma_semaphore, #tpu.memory_space<semaphore_mem>>)
        } else {
        }
        %mul3A_456 = arith.constant 8 : i32
        %mul3A_457 = arith.muli %mul3A_456, %scan3A_421 : i32
        %add3A_458 = arith.constant 1 : i32
        %add3A_459 = arith.addi %mul3A_457, %add3A_458 : i32
        %dma_wait3A_460 = arith.constant 0 : i32
        %dma_wait3A_461 = arith.constant 0 : i32
        %dma_wait3A_462 = tpu.memref_slice %arg6[%dma_wait3A_460, %dma_wait3A_461] : memref<64x512xf32, #tpu.memory_space<vmem>> -> memref<16x512xf32, #tpu.memory_space<vmem>>
        %dma_wait3A_463 = arith.constant 0 : i32
        %dma_wait3A_464 = tpu.memref_slice %arg2[%mul3A_2, %dma_wait3A_463] : memref<16384x512xf32, #tpu.memory_space<hbm>> -> memref<16x512xf32, #tpu.memory_space<hbm>>
        %dma_wait3A_465 = arith.constant 0 : i32
        %dma_wait3A_466 = arith.constant 0 : i32
        %dma_wait3A_467 = tpu.memref_slice %arg6[%dma_wait3A_465, %dma_wait3A_466] : memref<64x512xf32, #tpu.memory_space<vmem>> -> memref<16x512xf32, #tpu.memory_space<vmem>>
        %dma_wait3A_468 = arith.constant 0 : i32
        %dma_wait3A_469 = tpu.memref_slice %arg2[%mul3A_2, %dma_wait3A_468] : memref<16384x512xf32, #tpu.memory_space<hbm>> -> memref<16x512xf32, #tpu.memory_space<hbm>>
        tpu.wait_dma2 semaphore(%arg9 : memref<!tpu.dma_semaphore, #tpu.memory_space<semaphore_mem>>) src(%dma_wait3A_469 : memref<16x512xf32, #tpu.memory_space<hbm>>) dst(%dma_wait3A_467 : memref<16x512xf32, #tpu.memory_space<vmem>>)
        %mul3A_470 = arith.constant 16 : i32
        %mul3A_471 = arith.muli %add3A_459, %mul3A_470 : i32
        %add3A_472 = arith.addi %mul3A_2, %mul3A_471 : i32
        %dma_start3A_473 = arith.constant 16 : i32
        %dma_start3A_474 = arith.constant 0 : i32
        %dma_start3A_475 = tpu.memref_slice %arg6[%dma_start3A_473, %dma_start3A_474] : memref<64x512xf32, #tpu.memory_space<vmem>> -> memref<16x512xf32, #tpu.memory_space<vmem>>
        %dma_start3A_476 = arith.constant 0 : i32
        %dma_start3A_477 = tpu.memref_slice %arg4[%add3A_472, %dma_start3A_476] : memref<16384x512xf32, #tpu.memory_space<hbm>> -> memref<16x512xf32, #tpu.memory_space<hbm>>
        %dma_start3A_478 = arith.constant 0 : i32
        %dma_start3A_479 = tpu.memref_slice %arg4[%add3A_472, %dma_start3A_478] : memref<16384x512xf32, #tpu.memory_space<hbm>> -> memref<16x512xf32, #tpu.memory_space<hbm>>
        %dma_start3A_480 = arith.constant 16 : i32
        %dma_start3A_481 = arith.constant 0 : i32
        %dma_start3A_482 = tpu.memref_slice %arg6[%dma_start3A_480, %dma_start3A_481] : memref<64x512xf32, #tpu.memory_space<vmem>> -> memref<16x512xf32, #tpu.memory_space<vmem>>
        tpu.enqueue_dma source(%dma_start3A_482 : memref<16x512xf32, #tpu.memory_space<vmem>>) target(%dma_start3A_479 : memref<16x512xf32, #tpu.memory_space<hbm>>) target_semaphore(%arg9 : memref<!tpu.dma_semaphore, #tpu.memory_space<semaphore_mem>>)
        %add3A_483 = arith.constant 6 : i32
        %add3A_484 = arith.addi %add3A_459, %add3A_483 : i32
        %ge3A_485 = arith.constant 8 : i32
        %ge3A_486 = arith.cmpi sge, %add3A_484, %ge3A_485 : i32
        %lt3A_487 = arith.constant 32 : i32
        %lt3A_488 = arith.cmpi slt, %add3A_484, %lt3A_487 : i32
        %and3A_489 = arith.andi %ge3A_486, %lt3A_488 : i1
        %convert_element_type3A_490 = arith.extui %and3A_489 : i1 to i32
        %cond3A_491 = arith.constant 0 : i32
        %cond3A_492 = arith.cmpi ne, %convert_element_type3A_490, %cond3A_491 : i32
        scf.if %cond3A_492 {
          %dma_wait3A_715 = arith.constant 0 : i32
          %dma_wait3A_716 = arith.constant 0 : i32
          %dma_wait3A_717 = tpu.memref_slice %arg7[%dma_wait3A_715, %dma_wait3A_716] : memref<64x512xf32, #tpu.memory_space<vmem>> -> memref<16x512xf32, #tpu.memory_space<vmem>>
          %dma_wait3A_718 = arith.constant 0 : i32
          %dma_wait3A_719 = tpu.memref_slice %arg2[%mul3A_2, %dma_wait3A_718] : memref<16384x512xf32, #tpu.memory_space<hbm>> -> memref<16x512xf32, #tpu.memory_space<hbm>>
          %dma_wait3A_720 = arith.constant 0 : i32
          %dma_wait3A_721 = arith.constant 0 : i32
          %dma_wait3A_722 = tpu.memref_slice %arg7[%dma_wait3A_720, %dma_wait3A_721] : memref<64x512xf32, #tpu.memory_space<vmem>> -> memref<16x512xf32, #tpu.memory_space<vmem>>
          %dma_wait3A_723 = arith.constant 0 : i32
          %dma_wait3A_724 = tpu.memref_slice %arg2[%mul3A_2, %dma_wait3A_723] : memref<16384x512xf32, #tpu.memory_space<hbm>> -> memref<16x512xf32, #tpu.memory_space<hbm>>
          tpu.wait_dma2 semaphore(%arg15 : memref<!tpu.dma_semaphore, #tpu.memory_space<semaphore_mem>>) src(%dma_wait3A_724 : memref<16x512xf32, #tpu.memory_space<hbm>>) dst(%dma_wait3A_722 : memref<16x512xf32, #tpu.memory_space<vmem>>)
          %mul3A_725 = arith.constant 16 : i32
          %mul3A_726 = arith.muli %add3A_484, %mul3A_725 : i32
          %add3A_727 = arith.addi %mul3A_2, %mul3A_726 : i32
          %dma_start3A_728 = arith.constant 48 : i32
          %dma_start3A_729 = arith.constant 0 : i32
          %dma_start3A_730 = tpu.memref_slice %arg7[%dma_start3A_728, %dma_start3A_729] : memref<64x512xf32, #tpu.memory_space<vmem>> -> memref<16x512xf32, #tpu.memory_space<vmem>>
          %dma_start3A_731 = arith.constant 0 : i32
          %dma_start3A_732 = tpu.memref_slice %arg2[%add3A_727, %dma_start3A_731] : memref<16384x512xf32, #tpu.memory_space<hbm>> -> memref<16x512xf32, #tpu.memory_space<hbm>>
          %dma_start3A_733 = arith.constant 48 : i32
          %dma_start3A_734 = arith.constant 0 : i32
          %dma_start3A_735 = tpu.memref_slice %arg7[%dma_start3A_733, %dma_start3A_734] : memref<64x512xf32, #tpu.memory_space<vmem>> -> memref<16x512xf32, #tpu.memory_space<vmem>>
          %dma_start3A_736 = arith.constant 0 : i32
          %dma_start3A_737 = tpu.memref_slice %arg2[%add3A_727, %dma_start3A_736] : memref<16384x512xf32, #tpu.memory_space<hbm>> -> memref<16x512xf32, #tpu.memory_space<hbm>>
          tpu.enqueue_dma source(%dma_start3A_737 : memref<16x512xf32, #tpu.memory_space<hbm>>) target(%dma_start3A_735 : memref<16x512xf32, #tpu.memory_space<vmem>>) target_semaphore(%arg15 : memref<!tpu.dma_semaphore, #tpu.memory_space<semaphore_mem>>)
        } else {
        }
        %mul3A_493 = arith.constant 8 : i32
        %mul3A_494 = arith.muli %mul3A_493, %scan3A_421 : i32
        %add3A_495 = arith.constant 2 : i32
        %add3A_496 = arith.addi %mul3A_494, %add3A_495 : i32
        %dma_wait3A_497 = arith.constant 0 : i32
        %dma_wait3A_498 = arith.constant 0 : i32
        %dma_wait3A_499 = tpu.memref_slice %arg6[%dma_wait3A_497, %dma_wait3A_498] : memref<64x512xf32, #tpu.memory_space<vmem>> -> memref<16x512xf32, #tpu.memory_space<vmem>>
        %dma_wait3A_500 = arith.constant 0 : i32
        %dma_wait3A_501 = tpu.memref_slice %arg2[%mul3A_2, %dma_wait3A_500] : memref<16384x512xf32, #tpu.memory_space<hbm>> -> memref<16x512xf32, #tpu.memory_space<hbm>>
        %dma_wait3A_502 = arith.constant 0 : i32
        %dma_wait3A_503 = arith.constant 0 : i32
        %dma_wait3A_504 = tpu.memref_slice %arg6[%dma_wait3A_502, %dma_wait3A_503] : memref<64x512xf32, #tpu.memory_space<vmem>> -> memref<16x512xf32, #tpu.memory_space<vmem>>
        %dma_wait3A_505 = arith.constant 0 : i32
        %dma_wait3A_506 = tpu.memref_slice %arg2[%mul3A_2, %dma_wait3A_505] : memref<16384x512xf32, #tpu.memory_space<hbm>> -> memref<16x512xf32, #tpu.memory_space<hbm>>
        tpu.wait_dma2 semaphore(%arg10 : memref<!tpu.dma_semaphore, #tpu.memory_space<semaphore_mem>>) src(%dma_wait3A_506 : memref<16x512xf32, #tpu.memory_space<hbm>>) dst(%dma_wait3A_504 : memref<16x512xf32, #tpu.memory_space<vmem>>)
        %mul3A_507 = arith.constant 16 : i32
        %mul3A_508 = arith.muli %add3A_496, %mul3A_507 : i32
        %add3A_509 = arith.addi %mul3A_2, %mul3A_508 : i32
        %dma_start3A_510 = arith.constant 32 : i32
        %dma_start3A_511 = arith.constant 0 : i32
        %dma_start3A_512 = tpu.memref_slice %arg6[%dma_start3A_510, %dma_start3A_511] : memref<64x512xf32, #tpu.memory_space<vmem>> -> memref<16x512xf32, #tpu.memory_space<vmem>>
        %dma_start3A_513 = arith.constant 0 : i32
        %dma_start3A_514 = tpu.memref_slice %arg4[%add3A_509, %dma_start3A_513] : memref<16384x512xf32, #tpu.memory_space<hbm>> -> memref<16x512xf32, #tpu.memory_space<hbm>>
        %dma_start3A_515 = arith.constant 0 : i32
        %dma_start3A_516 = tpu.memref_slice %arg4[%add3A_509, %dma_start3A_515] : memref<16384x512xf32, #tpu.memory_space<hbm>> -> memref<16x512xf32, #tpu.memory_space<hbm>>
        %dma_start3A_517 = arith.constant 32 : i32
        %dma_start3A_518 = arith.constant 0 : i32
        %dma_start3A_519 = tpu.memref_slice %arg6[%dma_start3A_517, %dma_start3A_518] : memref<64x512xf32, #tpu.memory_space<vmem>> -> memref<16x512xf32, #tpu.memory_space<vmem>>
        tpu.enqueue_dma source(%dma_start3A_519 : memref<16x512xf32, #tpu.memory_space<vmem>>) target(%dma_start3A_516 : memref<16x512xf32, #tpu.memory_space<hbm>>) target_semaphore(%arg10 : memref<!tpu.dma_semaphore, #tpu.memory_space<semaphore_mem>>)
        %add3A_520 = arith.constant 6 : i32
        %add3A_521 = arith.addi %add3A_496, %add3A_520 : i32
        %ge3A_522 = arith.constant 8 : i32
        %ge3A_523 = arith.cmpi sge, %add3A_521, %ge3A_522 : i32
        %lt3A_524 = arith.constant 32 : i32
        %lt3A_525 = arith.cmpi slt, %add3A_521, %lt3A_524 : i32
        %and3A_526 = arith.andi %ge3A_523, %lt3A_525 : i1
        %convert_element_type3A_527 = arith.extui %and3A_526 : i1 to i32
        %cond3A_528 = arith.constant 0 : i32
        %cond3A_529 = arith.cmpi ne, %convert_element_type3A_527, %cond3A_528 : i32
        scf.if %cond3A_529 {
          %dma_wait3A_715 = arith.constant 0 : i32
          %dma_wait3A_716 = arith.constant 0 : i32
          %dma_wait3A_717 = tpu.memref_slice %arg6[%dma_wait3A_715, %dma_wait3A_716] : memref<64x512xf32, #tpu.memory_space<vmem>> -> memref<16x512xf32, #tpu.memory_space<vmem>>
          %dma_wait3A_718 = arith.constant 0 : i32
          %dma_wait3A_719 = tpu.memref_slice %arg2[%mul3A_2, %dma_wait3A_718] : memref<16384x512xf32, #tpu.memory_space<hbm>> -> memref<16x512xf32, #tpu.memory_space<hbm>>
          %dma_wait3A_720 = arith.constant 0 : i32
          %dma_wait3A_721 = arith.constant 0 : i32
          %dma_wait3A_722 = tpu.memref_slice %arg6[%dma_wait3A_720, %dma_wait3A_721] : memref<64x512xf32, #tpu.memory_space<vmem>> -> memref<16x512xf32, #tpu.memory_space<vmem>>
          %dma_wait3A_723 = arith.constant 0 : i32
          %dma_wait3A_724 = tpu.memref_slice %arg2[%mul3A_2, %dma_wait3A_723] : memref<16384x512xf32, #tpu.memory_space<hbm>> -> memref<16x512xf32, #tpu.memory_space<hbm>>
          tpu.wait_dma2 semaphore(%arg8 : memref<!tpu.dma_semaphore, #tpu.memory_space<semaphore_mem>>) src(%dma_wait3A_724 : memref<16x512xf32, #tpu.memory_space<hbm>>) dst(%dma_wait3A_722 : memref<16x512xf32, #tpu.memory_space<vmem>>)
          %mul3A_725 = arith.constant 16 : i32
          %mul3A_726 = arith.muli %add3A_521, %mul3A_725 : i32
          %add3A_727 = arith.addi %mul3A_2, %mul3A_726 : i32
          %dma_start3A_728 = arith.constant 0 : i32
          %dma_start3A_729 = arith.constant 0 : i32
          %dma_start3A_730 = tpu.memref_slice %arg6[%dma_start3A_728, %dma_start3A_729] : memref<64x512xf32, #tpu.memory_space<vmem>> -> memref<16x512xf32, #tpu.memory_space<vmem>>
          %dma_start3A_731 = arith.constant 0 : i32
          %dma_start3A_732 = tpu.memref_slice %arg2[%add3A_727, %dma_start3A_731] : memref<16384x512xf32, #tpu.memory_space<hbm>> -> memref<16x512xf32, #tpu.memory_space<hbm>>
          %dma_start3A_733 = arith.constant 0 : i32
          %dma_start3A_734 = arith.constant 0 : i32
          %dma_start3A_735 = tpu.memref_slice %arg6[%dma_start3A_733, %dma_start3A_734] : memref<64x512xf32, #tpu.memory_space<vmem>> -> memref<16x512xf32, #tpu.memory_space<vmem>>
          %dma_start3A_736 = arith.constant 0 : i32
          %dma_start3A_737 = tpu.memref_slice %arg2[%add3A_727, %dma_start3A_736] : memref<16384x512xf32, #tpu.memory_space<hbm>> -> memref<16x512xf32, #tpu.memory_space<hbm>>
          tpu.enqueue_dma source(%dma_start3A_737 : memref<16x512xf32, #tpu.memory_space<hbm>>) target(%dma_start3A_735 : memref<16x512xf32, #tpu.memory_space<vmem>>) target_semaphore(%arg8 : memref<!tpu.dma_semaphore, #tpu.memory_space<semaphore_mem>>)
        } else {
        }
        %mul3A_530 = arith.constant 8 : i32
        %mul3A_531 = arith.muli %mul3A_530, %scan3A_421 : i32
        %add3A_532 = arith.constant 3 : i32
        %add3A_533 = arith.addi %mul3A_531, %add3A_532 : i32
        %dma_wait3A_534 = arith.constant 0 : i32
        %dma_wait3A_535 = arith.constant 0 : i32
        %dma_wait3A_536 = tpu.memref_slice %arg6[%dma_wait3A_534, %dma_wait3A_535] : memref<64x512xf32, #tpu.memory_space<vmem>> -> memref<16x512xf32, #tpu.memory_space<vmem>>
        %dma_wait3A_537 = arith.constant 0 : i32
        %dma_wait3A_538 = tpu.memref_slice %arg2[%mul3A_2, %dma_wait3A_537] : memref<16384x512xf32, #tpu.memory_space<hbm>> -> memref<16x512xf32, #tpu.memory_space<hbm>>
        %dma_wait3A_539 = arith.constant 0 : i32
        %dma_wait3A_540 = arith.constant 0 : i32
        %dma_wait3A_541 = tpu.memref_slice %arg6[%dma_wait3A_539, %dma_wait3A_540] : memref<64x512xf32, #tpu.memory_space<vmem>> -> memref<16x512xf32, #tpu.memory_space<vmem>>
        %dma_wait3A_542 = arith.constant 0 : i32
        %dma_wait3A_543 = tpu.memref_slice %arg2[%mul3A_2, %dma_wait3A_542] : memref<16384x512xf32, #tpu.memory_space<hbm>> -> memref<16x512xf32, #tpu.memory_space<hbm>>
        tpu.wait_dma2 semaphore(%arg11 : memref<!tpu.dma_semaphore, #tpu.memory_space<semaphore_mem>>) src(%dma_wait3A_543 : memref<16x512xf32, #tpu.memory_space<hbm>>) dst(%dma_wait3A_541 : memref<16x512xf32, #tpu.memory_space<vmem>>)
        %mul3A_544 = arith.constant 16 : i32
        %mul3A_545 = arith.muli %add3A_533, %mul3A_544 : i32
        %add3A_546 = arith.addi %mul3A_2, %mul3A_545 : i32
        %dma_start3A_547 = arith.constant 48 : i32
        %dma_start3A_548 = arith.constant 0 : i32
        %dma_start3A_549 = tpu.memref_slice %arg6[%dma_start3A_547, %dma_start3A_548] : memref<64x512xf32, #tpu.memory_space<vmem>> -> memref<16x512xf32, #tpu.memory_space<vmem>>
        %dma_start3A_550 = arith.constant 0 : i32
        %dma_start3A_551 = tpu.memref_slice %arg4[%add3A_546, %dma_start3A_550] : memref<16384x512xf32, #tpu.memory_space<hbm>> -> memref<16x512xf32, #tpu.memory_space<hbm>>
        %dma_start3A_552 = arith.constant 0 : i32
        %dma_start3A_553 = tpu.memref_slice %arg4[%add3A_546, %dma_start3A_552] : memref<16384x512xf32, #tpu.memory_space<hbm>> -> memref<16x512xf32, #tpu.memory_space<hbm>>
        %dma_start3A_554 = arith.constant 48 : i32
        %dma_start3A_555 = arith.constant 0 : i32
        %dma_start3A_556 = tpu.memref_slice %arg6[%dma_start3A_554, %dma_start3A_555] : memref<64x512xf32, #tpu.memory_space<vmem>> -> memref<16x512xf32, #tpu.memory_space<vmem>>
        tpu.enqueue_dma source(%dma_start3A_556 : memref<16x512xf32, #tpu.memory_space<vmem>>) target(%dma_start3A_553 : memref<16x512xf32, #tpu.memory_space<hbm>>) target_semaphore(%arg11 : memref<!tpu.dma_semaphore, #tpu.memory_space<semaphore_mem>>)
        %add3A_557 = arith.constant 6 : i32
        %add3A_558 = arith.addi %add3A_533, %add3A_557 : i32
        %ge3A_559 = arith.constant 8 : i32
        %ge3A_560 = arith.cmpi sge, %add3A_558, %ge3A_559 : i32
        %lt3A_561 = arith.constant 32 : i32
        %lt3A_562 = arith.cmpi slt, %add3A_558, %lt3A_561 : i32
        %and3A_563 = arith.andi %ge3A_560, %lt3A_562 : i1
        %convert_element_type3A_564 = arith.extui %and3A_563 : i1 to i32
        %cond3A_565 = arith.constant 0 : i32
        %cond3A_566 = arith.cmpi ne, %convert_element_type3A_564, %cond3A_565 : i32
        scf.if %cond3A_566 {
          %dma_wait3A_715 = arith.constant 0 : i32
          %dma_wait3A_716 = arith.constant 0 : i32
          %dma_wait3A_717 = tpu.memref_slice %arg6[%dma_wait3A_715, %dma_wait3A_716] : memref<64x512xf32, #tpu.memory_space<vmem>> -> memref<16x512xf32, #tpu.memory_space<vmem>>
          %dma_wait3A_718 = arith.constant 0 : i32
          %dma_wait3A_719 = tpu.memref_slice %arg2[%mul3A_2, %dma_wait3A_718] : memref<16384x512xf32, #tpu.memory_space<hbm>> -> memref<16x512xf32, #tpu.memory_space<hbm>>
          %dma_wait3A_720 = arith.constant 0 : i32
          %dma_wait3A_721 = arith.constant 0 : i32
          %dma_wait3A_722 = tpu.memref_slice %arg6[%dma_wait3A_720, %dma_wait3A_721] : memref<64x512xf32, #tpu.memory_space<vmem>> -> memref<16x512xf32, #tpu.memory_space<vmem>>
          %dma_wait3A_723 = arith.constant 0 : i32
          %dma_wait3A_724 = tpu.memref_slice %arg2[%mul3A_2, %dma_wait3A_723] : memref<16384x512xf32, #tpu.memory_space<hbm>> -> memref<16x512xf32, #tpu.memory_space<hbm>>
          tpu.wait_dma2 semaphore(%arg9 : memref<!tpu.dma_semaphore, #tpu.memory_space<semaphore_mem>>) src(%dma_wait3A_724 : memref<16x512xf32, #tpu.memory_space<hbm>>) dst(%dma_wait3A_722 : memref<16x512xf32, #tpu.memory_space<vmem>>)
          %mul3A_725 = arith.constant 16 : i32
          %mul3A_726 = arith.muli %add3A_558, %mul3A_725 : i32
          %add3A_727 = arith.addi %mul3A_2, %mul3A_726 : i32
          %dma_start3A_728 = arith.constant 16 : i32
          %dma_start3A_729 = arith.constant 0 : i32
          %dma_start3A_730 = tpu.memref_slice %arg6[%dma_start3A_728, %dma_start3A_729] : memref<64x512xf32, #tpu.memory_space<vmem>> -> memref<16x512xf32, #tpu.memory_space<vmem>>
          %dma_start3A_731 = arith.constant 0 : i32
          %dma_start3A_732 = tpu.memref_slice %arg2[%add3A_727, %dma_start3A_731] : memref<16384x512xf32, #tpu.memory_space<hbm>> -> memref<16x512xf32, #tpu.memory_space<hbm>>
          %dma_start3A_733 = arith.constant 16 : i32
          %dma_start3A_734 = arith.constant 0 : i32
          %dma_start3A_735 = tpu.memref_slice %arg6[%dma_start3A_733, %dma_start3A_734] : memref<64x512xf32, #tpu.memory_space<vmem>> -> memref<16x512xf32, #tpu.memory_space<vmem>>
          %dma_start3A_736 = arith.constant 0 : i32
          %dma_start3A_737 = tpu.memref_slice %arg2[%add3A_727, %dma_start3A_736] : memref<16384x512xf32, #tpu.memory_space<hbm>> -> memref<16x512xf32, #tpu.memory_space<hbm>>
          tpu.enqueue_dma source(%dma_start3A_737 : memref<16x512xf32, #tpu.memory_space<hbm>>) target(%dma_start3A_735 : memref<16x512xf32, #tpu.memory_space<vmem>>) target_semaphore(%arg9 : memref<!tpu.dma_semaphore, #tpu.memory_space<semaphore_mem>>)
        } else {
        }
        %mul3A_567 = arith.constant 8 : i32
        %mul3A_568 = arith.muli %mul3A_567, %scan3A_421 : i32
        %add3A_569 = arith.constant 4 : i32
        %add3A_570 = arith.addi %mul3A_568, %add3A_569 : i32
        %dma_wait3A_571 = arith.constant 0 : i32
        %dma_wait3A_572 = arith.constant 0 : i32
        %dma_wait3A_573 = tpu.memref_slice %arg7[%dma_wait3A_571, %dma_wait3A_572] : memref<64x512xf32, #tpu.memory_space<vmem>> -> memref<16x512xf32, #tpu.memory_space<vmem>>
        %dma_wait3A_574 = arith.constant 0 : i32
        %dma_wait3A_575 = tpu.memref_slice %arg2[%mul3A_2, %dma_wait3A_574] : memref<16384x512xf32, #tpu.memory_space<hbm>> -> memref<16x512xf32, #tpu.memory_space<hbm>>
        %dma_wait3A_576 = arith.constant 0 : i32
        %dma_wait3A_577 = arith.constant 0 : i32
        %dma_wait3A_578 = tpu.memref_slice %arg7[%dma_wait3A_576, %dma_wait3A_577] : memref<64x512xf32, #tpu.memory_space<vmem>> -> memref<16x512xf32, #tpu.memory_space<vmem>>
        %dma_wait3A_579 = arith.constant 0 : i32
        %dma_wait3A_580 = tpu.memref_slice %arg2[%mul3A_2, %dma_wait3A_579] : memref<16384x512xf32, #tpu.memory_space<hbm>> -> memref<16x512xf32, #tpu.memory_space<hbm>>
        tpu.wait_dma2 semaphore(%arg12 : memref<!tpu.dma_semaphore, #tpu.memory_space<semaphore_mem>>) src(%dma_wait3A_580 : memref<16x512xf32, #tpu.memory_space<hbm>>) dst(%dma_wait3A_578 : memref<16x512xf32, #tpu.memory_space<vmem>>)
        %mul3A_581 = arith.constant 16 : i32
        %mul3A_582 = arith.muli %add3A_570, %mul3A_581 : i32
        %add3A_583 = arith.addi %mul3A_2, %mul3A_582 : i32
        %dma_start3A_584 = arith.constant 0 : i32
        %dma_start3A_585 = arith.constant 0 : i32
        %dma_start3A_586 = tpu.memref_slice %arg7[%dma_start3A_584, %dma_start3A_585] : memref<64x512xf32, #tpu.memory_space<vmem>> -> memref<16x512xf32, #tpu.memory_space<vmem>>
        %dma_start3A_587 = arith.constant 0 : i32
        %dma_start3A_588 = tpu.memref_slice %arg4[%add3A_583, %dma_start3A_587] : memref<16384x512xf32, #tpu.memory_space<hbm>> -> memref<16x512xf32, #tpu.memory_space<hbm>>
        %dma_start3A_589 = arith.constant 0 : i32
        %dma_start3A_590 = tpu.memref_slice %arg4[%add3A_583, %dma_start3A_589] : memref<16384x512xf32, #tpu.memory_space<hbm>> -> memref<16x512xf32, #tpu.memory_space<hbm>>
        %dma_start3A_591 = arith.constant 0 : i32
        %dma_start3A_592 = arith.constant 0 : i32
        %dma_start3A_593 = tpu.memref_slice %arg7[%dma_start3A_591, %dma_start3A_592] : memref<64x512xf32, #tpu.memory_space<vmem>> -> memref<16x512xf32, #tpu.memory_space<vmem>>
        tpu.enqueue_dma source(%dma_start3A_593 : memref<16x512xf32, #tpu.memory_space<vmem>>) target(%dma_start3A_590 : memref<16x512xf32, #tpu.memory_space<hbm>>) target_semaphore(%arg12 : memref<!tpu.dma_semaphore, #tpu.memory_space<semaphore_mem>>)
        %add3A_594 = arith.constant 6 : i32
        %add3A_595 = arith.addi %add3A_570, %add3A_594 : i32
        %ge3A_596 = arith.constant 8 : i32
        %ge3A_597 = arith.cmpi sge, %add3A_595, %ge3A_596 : i32
        %lt3A_598 = arith.constant 32 : i32
        %lt3A_599 = arith.cmpi slt, %add3A_595, %lt3A_598 : i32
        %and3A_600 = arith.andi %ge3A_597, %lt3A_599 : i1
        %convert_element_type3A_601 = arith.extui %and3A_600 : i1 to i32
        %cond3A_602 = arith.constant 0 : i32
        %cond3A_603 = arith.cmpi ne, %convert_element_type3A_601, %cond3A_602 : i32
        scf.if %cond3A_603 {
          %dma_wait3A_715 = arith.constant 0 : i32
          %dma_wait3A_716 = arith.constant 0 : i32
          %dma_wait3A_717 = tpu.memref_slice %arg6[%dma_wait3A_715, %dma_wait3A_716] : memref<64x512xf32, #tpu.memory_space<vmem>> -> memref<16x512xf32, #tpu.memory_space<vmem>>
          %dma_wait3A_718 = arith.constant 0 : i32
          %dma_wait3A_719 = tpu.memref_slice %arg2[%mul3A_2, %dma_wait3A_718] : memref<16384x512xf32, #tpu.memory_space<hbm>> -> memref<16x512xf32, #tpu.memory_space<hbm>>
          %dma_wait3A_720 = arith.constant 0 : i32
          %dma_wait3A_721 = arith.constant 0 : i32
          %dma_wait3A_722 = tpu.memref_slice %arg6[%dma_wait3A_720, %dma_wait3A_721] : memref<64x512xf32, #tpu.memory_space<vmem>> -> memref<16x512xf32, #tpu.memory_space<vmem>>
          %dma_wait3A_723 = arith.constant 0 : i32
          %dma_wait3A_724 = tpu.memref_slice %arg2[%mul3A_2, %dma_wait3A_723] : memref<16384x512xf32, #tpu.memory_space<hbm>> -> memref<16x512xf32, #tpu.memory_space<hbm>>
          tpu.wait_dma2 semaphore(%arg10 : memref<!tpu.dma_semaphore, #tpu.memory_space<semaphore_mem>>) src(%dma_wait3A_724 : memref<16x512xf32, #tpu.memory_space<hbm>>) dst(%dma_wait3A_722 : memref<16x512xf32, #tpu.memory_space<vmem>>)
          %mul3A_725 = arith.constant 16 : i32
          %mul3A_726 = arith.muli %add3A_595, %mul3A_725 : i32
          %add3A_727 = arith.addi %mul3A_2, %mul3A_726 : i32
          %dma_start3A_728 = arith.constant 32 : i32
          %dma_start3A_729 = arith.constant 0 : i32
          %dma_start3A_730 = tpu.memref_slice %arg6[%dma_start3A_728, %dma_start3A_729] : memref<64x512xf32, #tpu.memory_space<vmem>> -> memref<16x512xf32, #tpu.memory_space<vmem>>
          %dma_start3A_731 = arith.constant 0 : i32
          %dma_start3A_732 = tpu.memref_slice %arg2[%add3A_727, %dma_start3A_731] : memref<16384x512xf32, #tpu.memory_space<hbm>> -> memref<16x512xf32, #tpu.memory_space<hbm>>
          %dma_start3A_733 = arith.constant 32 : i32
          %dma_start3A_734 = arith.constant 0 : i32
          %dma_start3A_735 = tpu.memref_slice %arg6[%dma_start3A_733, %dma_start3A_734] : memref<64x512xf32, #tpu.memory_space<vmem>> -> memref<16x512xf32, #tpu.memory_space<vmem>>
          %dma_start3A_736 = arith.constant 0 : i32
          %dma_start3A_737 = tpu.memref_slice %arg2[%add3A_727, %dma_start3A_736] : memref<16384x512xf32, #tpu.memory_space<hbm>> -> memref<16x512xf32, #tpu.memory_space<hbm>>
          tpu.enqueue_dma source(%dma_start3A_737 : memref<16x512xf32, #tpu.memory_space<hbm>>) target(%dma_start3A_735 : memref<16x512xf32, #tpu.memory_space<vmem>>) target_semaphore(%arg10 : memref<!tpu.dma_semaphore, #tpu.memory_space<semaphore_mem>>)
        } else {
        }
        %mul3A_604 = arith.constant 8 : i32
        %mul3A_605 = arith.muli %mul3A_604, %scan3A_421 : i32
        %add3A_606 = arith.constant 5 : i32
        %add3A_607 = arith.addi %mul3A_605, %add3A_606 : i32
        %dma_wait3A_608 = arith.constant 0 : i32
        %dma_wait3A_609 = arith.constant 0 : i32
        %dma_wait3A_610 = tpu.memref_slice %arg7[%dma_wait3A_608, %dma_wait3A_609] : memref<64x512xf32, #tpu.memory_space<vmem>> -> memref<16x512xf32, #tpu.memory_space<vmem>>
        %dma_wait3A_611 = arith.constant 0 : i32
        %dma_wait3A_612 = tpu.memref_slice %arg2[%mul3A_2, %dma_wait3A_611] : memref<16384x512xf32, #tpu.memory_space<hbm>> -> memref<16x512xf32, #tpu.memory_space<hbm>>
        %dma_wait3A_613 = arith.constant 0 : i32
        %dma_wait3A_614 = arith.constant 0 : i32
        %dma_wait3A_615 = tpu.memref_slice %arg7[%dma_wait3A_613, %dma_wait3A_614] : memref<64x512xf32, #tpu.memory_space<vmem>> -> memref<16x512xf32, #tpu.memory_space<vmem>>
        %dma_wait3A_616 = arith.constant 0 : i32
        %dma_wait3A_617 = tpu.memref_slice %arg2[%mul3A_2, %dma_wait3A_616] : memref<16384x512xf32, #tpu.memory_space<hbm>> -> memref<16x512xf32, #tpu.memory_space<hbm>>
        tpu.wait_dma2 semaphore(%arg13 : memref<!tpu.dma_semaphore, #tpu.memory_space<semaphore_mem>>) src(%dma_wait3A_617 : memref<16x512xf32, #tpu.memory_space<hbm>>) dst(%dma_wait3A_615 : memref<16x512xf32, #tpu.memory_space<vmem>>)
        %mul3A_618 = arith.constant 16 : i32
        %mul3A_619 = arith.muli %add3A_607, %mul3A_618 : i32
        %add3A_620 = arith.addi %mul3A_2, %mul3A_619 : i32
        %dma_start3A_621 = arith.constant 16 : i32
        %dma_start3A_622 = arith.constant 0 : i32
        %dma_start3A_623 = tpu.memref_slice %arg7[%dma_start3A_621, %dma_start3A_622] : memref<64x512xf32, #tpu.memory_space<vmem>> -> memref<16x512xf32, #tpu.memory_space<vmem>>
        %dma_start3A_624 = arith.constant 0 : i32
        %dma_start3A_625 = tpu.memref_slice %arg4[%add3A_620, %dma_start3A_624] : memref<16384x512xf32, #tpu.memory_space<hbm>> -> memref<16x512xf32, #tpu.memory_space<hbm>>
        %dma_start3A_626 = arith.constant 0 : i32
        %dma_start3A_627 = tpu.memref_slice %arg4[%add3A_620, %dma_start3A_626] : memref<16384x512xf32, #tpu.memory_space<hbm>> -> memref<16x512xf32, #tpu.memory_space<hbm>>
        %dma_start3A_628 = arith.constant 16 : i32
        %dma_start3A_629 = arith.constant 0 : i32
        %dma_start3A_630 = tpu.memref_slice %arg7[%dma_start3A_628, %dma_start3A_629] : memref<64x512xf32, #tpu.memory_space<vmem>> -> memref<16x512xf32, #tpu.memory_space<vmem>>
        tpu.enqueue_dma source(%dma_start3A_630 : memref<16x512xf32, #tpu.memory_space<vmem>>) target(%dma_start3A_627 : memref<16x512xf32, #tpu.memory_space<hbm>>) target_semaphore(%arg13 : memref<!tpu.dma_semaphore, #tpu.memory_space<semaphore_mem>>)
        %add3A_631 = arith.constant 6 : i32
        %add3A_632 = arith.addi %add3A_607, %add3A_631 : i32
        %ge3A_633 = arith.constant 8 : i32
        %ge3A_634 = arith.cmpi sge, %add3A_632, %ge3A_633 : i32
        %lt3A_635 = arith.constant 32 : i32
        %lt3A_636 = arith.cmpi slt, %add3A_632, %lt3A_635 : i32
        %and3A_637 = arith.andi %ge3A_634, %lt3A_636 : i1
        %convert_element_type3A_638 = arith.extui %and3A_637 : i1 to i32
        %cond3A_639 = arith.constant 0 : i32
        %cond3A_640 = arith.cmpi ne, %convert_element_type3A_638, %cond3A_639 : i32
        scf.if %cond3A_640 {
          %dma_wait3A_715 = arith.constant 0 : i32
          %dma_wait3A_716 = arith.constant 0 : i32
          %dma_wait3A_717 = tpu.memref_slice %arg6[%dma_wait3A_715, %dma_wait3A_716] : memref<64x512xf32, #tpu.memory_space<vmem>> -> memref<16x512xf32, #tpu.memory_space<vmem>>
          %dma_wait3A_718 = arith.constant 0 : i32
          %dma_wait3A_719 = tpu.memref_slice %arg2[%mul3A_2, %dma_wait3A_718] : memref<16384x512xf32, #tpu.memory_space<hbm>> -> memref<16x512xf32, #tpu.memory_space<hbm>>
          %dma_wait3A_720 = arith.constant 0 : i32
          %dma_wait3A_721 = arith.constant 0 : i32
          %dma_wait3A_722 = tpu.memref_slice %arg6[%dma_wait3A_720, %dma_wait3A_721] : memref<64x512xf32, #tpu.memory_space<vmem>> -> memref<16x512xf32, #tpu.memory_space<vmem>>
          %dma_wait3A_723 = arith.constant 0 : i32
          %dma_wait3A_724 = tpu.memref_slice %arg2[%mul3A_2, %dma_wait3A_723] : memref<16384x512xf32, #tpu.memory_space<hbm>> -> memref<16x512xf32, #tpu.memory_space<hbm>>
          tpu.wait_dma2 semaphore(%arg11 : memref<!tpu.dma_semaphore, #tpu.memory_space<semaphore_mem>>) src(%dma_wait3A_724 : memref<16x512xf32, #tpu.memory_space<hbm>>) dst(%dma_wait3A_722 : memref<16x512xf32, #tpu.memory_space<vmem>>)
          %mul3A_725 = arith.constant 16 : i32
          %mul3A_726 = arith.muli %add3A_632, %mul3A_725 : i32
          %add3A_727 = arith.addi %mul3A_2, %mul3A_726 : i32
          %dma_start3A_728 = arith.constant 48 : i32
          %dma_start3A_729 = arith.constant 0 : i32
          %dma_start3A_730 = tpu.memref_slice %arg6[%dma_start3A_728, %dma_start3A_729] : memref<64x512xf32, #tpu.memory_space<vmem>> -> memref<16x512xf32, #tpu.memory_space<vmem>>
          %dma_start3A_731 = arith.constant 0 : i32
          %dma_start3A_732 = tpu.memref_slice %arg2[%add3A_727, %dma_start3A_731] : memref<16384x512xf32, #tpu.memory_space<hbm>> -> memref<16x512xf32, #tpu.memory_space<hbm>>
          %dma_start3A_733 = arith.constant 48 : i32
          %dma_start3A_734 = arith.constant 0 : i32
          %dma_start3A_735 = tpu.memref_slice %arg6[%dma_start3A_733, %dma_start3A_734] : memref<64x512xf32, #tpu.memory_space<vmem>> -> memref<16x512xf32, #tpu.memory_space<vmem>>
          %dma_start3A_736 = arith.constant 0 : i32
          %dma_start3A_737 = tpu.memref_slice %arg2[%add3A_727, %dma_start3A_736] : memref<16384x512xf32, #tpu.memory_space<hbm>> -> memref<16x512xf32, #tpu.memory_space<hbm>>
          tpu.enqueue_dma source(%dma_start3A_737 : memref<16x512xf32, #tpu.memory_space<hbm>>) target(%dma_start3A_735 : memref<16x512xf32, #tpu.memory_space<vmem>>) target_semaphore(%arg11 : memref<!tpu.dma_semaphore, #tpu.memory_space<semaphore_mem>>)
        } else {
        }
        %mul3A_641 = arith.constant 8 : i32
        %mul3A_642 = arith.muli %mul3A_641, %scan3A_421 : i32
        %add3A_643 = arith.constant 6 : i32
        %add3A_644 = arith.addi %mul3A_642, %add3A_643 : i32
        %dma_wait3A_645 = arith.constant 0 : i32
        %dma_wait3A_646 = arith.constant 0 : i32
        %dma_wait3A_647 = tpu.memref_slice %arg7[%dma_wait3A_645, %dma_wait3A_646] : memref<64x512xf32, #tpu.memory_space<vmem>> -> memref<16x512xf32, #tpu.memory_space<vmem>>
        %dma_wait3A_648 = arith.constant 0 : i32
        %dma_wait3A_649 = tpu.memref_slice %arg2[%mul3A_2, %dma_wait3A_648] : memref<16384x512xf32, #tpu.memory_space<hbm>> -> memref<16x512xf32, #tpu.memory_space<hbm>>
        %dma_wait3A_650 = arith.constant 0 : i32
        %dma_wait3A_651 = arith.constant 0 : i32
        %dma_wait3A_652 = tpu.memref_slice %arg7[%dma_wait3A_650, %dma_wait3A_651] : memref<64x512xf32, #tpu.memory_space<vmem>> -> memref<16x512xf32, #tpu.memory_space<vmem>>
        %dma_wait3A_653 = arith.constant 0 : i32
        %dma_wait3A_654 = tpu.memref_slice %arg2[%mul3A_2, %dma_wait3A_653] : memref<16384x512xf32, #tpu.memory_space<hbm>> -> memref<16x512xf32, #tpu.memory_space<hbm>>
        tpu.wait_dma2 semaphore(%arg14 : memref<!tpu.dma_semaphore, #tpu.memory_space<semaphore_mem>>) src(%dma_wait3A_654 : memref<16x512xf32, #tpu.memory_space<hbm>>) dst(%dma_wait3A_652 : memref<16x512xf32, #tpu.memory_space<vmem>>)
        %mul3A_655 = arith.constant 16 : i32
        %mul3A_656 = arith.muli %add3A_644, %mul3A_655 : i32
        %add3A_657 = arith.addi %mul3A_2, %mul3A_656 : i32
        %dma_start3A_658 = arith.constant 32 : i32
        %dma_start3A_659 = arith.constant 0 : i32
        %dma_start3A_660 = tpu.memref_slice %arg7[%dma_start3A_658, %dma_start3A_659] : memref<64x512xf32, #tpu.memory_space<vmem>> -> memref<16x512xf32, #tpu.memory_space<vmem>>
        %dma_start3A_661 = arith.constant 0 : i32
        %dma_start3A_662 = tpu.memref_slice %arg4[%add3A_657, %dma_start3A_661] : memref<16384x512xf32, #tpu.memory_space<hbm>> -> memref<16x512xf32, #tpu.memory_space<hbm>>
        %dma_start3A_663 = arith.constant 0 : i32
        %dma_start3A_664 = tpu.memref_slice %arg4[%add3A_657, %dma_start3A_663] : memref<16384x512xf32, #tpu.memory_space<hbm>> -> memref<16x512xf32, #tpu.memory_space<hbm>>
        %dma_start3A_665 = arith.constant 32 : i32
        %dma_start3A_666 = arith.constant 0 : i32
        %dma_start3A_667 = tpu.memref_slice %arg7[%dma_start3A_665, %dma_start3A_666] : memref<64x512xf32, #tpu.memory_space<vmem>> -> memref<16x512xf32, #tpu.memory_space<vmem>>
        tpu.enqueue_dma source(%dma_start3A_667 : memref<16x512xf32, #tpu.memory_space<vmem>>) target(%dma_start3A_664 : memref<16x512xf32, #tpu.memory_space<hbm>>) target_semaphore(%arg14 : memref<!tpu.dma_semaphore, #tpu.memory_space<semaphore_mem>>)
        %add3A_668 = arith.constant 6 : i32
        %add3A_669 = arith.addi %add3A_644, %add3A_668 : i32
        %ge3A_670 = arith.constant 8 : i32
        %ge3A_671 = arith.cmpi sge, %add3A_669, %ge3A_670 : i32
        %lt3A_672 = arith.constant 32 : i32
        %lt3A_673 = arith.cmpi slt, %add3A_669, %lt3A_672 : i32
        %and3A_674 = arith.andi %ge3A_671, %lt3A_673 : i1
        %convert_element_type3A_675 = arith.extui %and3A_674 : i1 to i32
        %cond3A_676 = arith.constant 0 : i32
        %cond3A_677 = arith.cmpi ne, %convert_element_type3A_675, %cond3A_676 : i32
        scf.if %cond3A_677 {
          %dma_wait3A_715 = arith.constant 0 : i32
          %dma_wait3A_716 = arith.constant 0 : i32
          %dma_wait3A_717 = tpu.memref_slice %arg7[%dma_wait3A_715, %dma_wait3A_716] : memref<64x512xf32, #tpu.memory_space<vmem>> -> memref<16x512xf32, #tpu.memory_space<vmem>>
          %dma_wait3A_718 = arith.constant 0 : i32
          %dma_wait3A_719 = tpu.memref_slice %arg2[%mul3A_2, %dma_wait3A_718] : memref<16384x512xf32, #tpu.memory_space<hbm>> -> memref<16x512xf32, #tpu.memory_space<hbm>>
          %dma_wait3A_720 = arith.constant 0 : i32
          %dma_wait3A_721 = arith.constant 0 : i32
          %dma_wait3A_722 = tpu.memref_slice %arg7[%dma_wait3A_720, %dma_wait3A_721] : memref<64x512xf32, #tpu.memory_space<vmem>> -> memref<16x512xf32, #tpu.memory_space<vmem>>
          %dma_wait3A_723 = arith.constant 0 : i32
          %dma_wait3A_724 = tpu.memref_slice %arg2[%mul3A_2, %dma_wait3A_723] : memref<16384x512xf32, #tpu.memory_space<hbm>> -> memref<16x512xf32, #tpu.memory_space<hbm>>
          tpu.wait_dma2 semaphore(%arg12 : memref<!tpu.dma_semaphore, #tpu.memory_space<semaphore_mem>>) src(%dma_wait3A_724 : memref<16x512xf32, #tpu.memory_space<hbm>>) dst(%dma_wait3A_722 : memref<16x512xf32, #tpu.memory_space<vmem>>)
          %mul3A_725 = arith.constant 16 : i32
          %mul3A_726 = arith.muli %add3A_669, %mul3A_725 : i32
          %add3A_727 = arith.addi %mul3A_2, %mul3A_726 : i32
          %dma_start3A_728 = arith.constant 0 : i32
          %dma_start3A_729 = arith.constant 0 : i32
          %dma_start3A_730 = tpu.memref_slice %arg7[%dma_start3A_728, %dma_start3A_729] : memref<64x512xf32, #tpu.memory_space<vmem>> -> memref<16x512xf32, #tpu.memory_space<vmem>>
          %dma_start3A_731 = arith.constant 0 : i32
          %dma_start3A_732 = tpu.memref_slice %arg2[%add3A_727, %dma_start3A_731] : memref<16384x512xf32, #tpu.memory_space<hbm>> -> memref<16x512xf32, #tpu.memory_space<hbm>>
          %dma_start3A_733 = arith.constant 0 : i32
          %dma_start3A_734 = arith.constant 0 : i32
          %dma_start3A_735 = tpu.memref_slice %arg7[%dma_start3A_733, %dma_start3A_734] : memref<64x512xf32, #tpu.memory_space<vmem>> -> memref<16x512xf32, #tpu.memory_space<vmem>>
          %dma_start3A_736 = arith.constant 0 : i32
          %dma_start3A_737 = tpu.memref_slice %arg2[%add3A_727, %dma_start3A_736] : memref<16384x512xf32, #tpu.memory_space<hbm>> -> memref<16x512xf32, #tpu.memory_space<hbm>>
          tpu.enqueue_dma source(%dma_start3A_737 : memref<16x512xf32, #tpu.memory_space<hbm>>) target(%dma_start3A_735 : memref<16x512xf32, #tpu.memory_space<vmem>>) target_semaphore(%arg12 : memref<!tpu.dma_semaphore, #tpu.memory_space<semaphore_mem>>)
        } else {
        }
        %mul3A_678 = arith.constant 8 : i32
        %mul3A_679 = arith.muli %mul3A_678, %scan3A_421 : i32
        %add3A_680 = arith.constant 7 : i32
        %add3A_681 = arith.addi %mul3A_679, %add3A_680 : i32
        %dma_wait3A_682 = arith.constant 0 : i32
        %dma_wait3A_683 = arith.constant 0 : i32
        %dma_wait3A_684 = tpu.memref_slice %arg7[%dma_wait3A_682, %dma_wait3A_683] : memref<64x512xf32, #tpu.memory_space<vmem>> -> memref<16x512xf32, #tpu.memory_space<vmem>>
        %dma_wait3A_685 = arith.constant 0 : i32
        %dma_wait3A_686 = tpu.memref_slice %arg2[%mul3A_2, %dma_wait3A_685] : memref<16384x512xf32, #tpu.memory_space<hbm>> -> memref<16x512xf32, #tpu.memory_space<hbm>>
        %dma_wait3A_687 = arith.constant 0 : i32
        %dma_wait3A_688 = arith.constant 0 : i32
        %dma_wait3A_689 = tpu.memref_slice %arg7[%dma_wait3A_687, %dma_wait3A_688] : memref<64x512xf32, #tpu.memory_space<vmem>> -> memref<16x512xf32, #tpu.memory_space<vmem>>
        %dma_wait3A_690 = arith.constant 0 : i32
        %dma_wait3A_691 = tpu.memref_slice %arg2[%mul3A_2, %dma_wait3A_690] : memref<16384x512xf32, #tpu.memory_space<hbm>> -> memref<16x512xf32, #tpu.memory_space<hbm>>
        tpu.wait_dma2 semaphore(%arg15 : memref<!tpu.dma_semaphore, #tpu.memory_space<semaphore_mem>>) src(%dma_wait3A_691 : memref<16x512xf32, #tpu.memory_space<hbm>>) dst(%dma_wait3A_689 : memref<16x512xf32, #tpu.memory_space<vmem>>)
        %mul3A_692 = arith.constant 16 : i32
        %mul3A_693 = arith.muli %add3A_681, %mul3A_692 : i32
        %add3A_694 = arith.addi %mul3A_2, %mul3A_693 : i32
        %dma_start3A_695 = arith.constant 48 : i32
        %dma_start3A_696 = arith.constant 0 : i32
        %dma_start3A_697 = tpu.memref_slice %arg7[%dma_start3A_695, %dma_start3A_696] : memref<64x512xf32, #tpu.memory_space<vmem>> -> memref<16x512xf32, #tpu.memory_space<vmem>>
        %dma_start3A_698 = arith.constant 0 : i32
        %dma_start3A_699 = tpu.memref_slice %arg4[%add3A_694, %dma_start3A_698] : memref<16384x512xf32, #tpu.memory_space<hbm>> -> memref<16x512xf32, #tpu.memory_space<hbm>>
        %dma_start3A_700 = arith.constant 0 : i32
        %dma_start3A_701 = tpu.memref_slice %arg4[%add3A_694, %dma_start3A_700] : memref<16384x512xf32, #tpu.memory_space<hbm>> -> memref<16x512xf32, #tpu.memory_space<hbm>>
        %dma_start3A_702 = arith.constant 48 : i32
        %dma_start3A_703 = arith.constant 0 : i32
        %dma_start3A_704 = tpu.memref_slice %arg7[%dma_start3A_702, %dma_start3A_703] : memref<64x512xf32, #tpu.memory_space<vmem>> -> memref<16x512xf32, #tpu.memory_space<vmem>>
        tpu.enqueue_dma source(%dma_start3A_704 : memref<16x512xf32, #tpu.memory_space<vmem>>) target(%dma_start3A_701 : memref<16x512xf32, #tpu.memory_space<hbm>>) target_semaphore(%arg15 : memref<!tpu.dma_semaphore, #tpu.memory_space<semaphore_mem>>)
        %add3A_705 = arith.constant 6 : i32
        %add3A_706 = arith.addi %add3A_681, %add3A_705 : i32
        %ge3A_707 = arith.constant 8 : i32
        %ge3A_708 = arith.cmpi sge, %add3A_706, %ge3A_707 : i32
        %lt3A_709 = arith.constant 32 : i32
        %lt3A_710 = arith.cmpi slt, %add3A_706, %lt3A_709 : i32
        %and3A_711 = arith.andi %ge3A_708, %lt3A_710 : i1
        %convert_element_type3A_712 = arith.extui %and3A_711 : i1 to i32
        %cond3A_713 = arith.constant 0 : i32
        %cond3A_714 = arith.cmpi ne, %convert_element_type3A_712, %cond3A_713 : i32
        scf.if %cond3A_714 {
          %dma_wait3A_715 = arith.constant 0 : i32
          %dma_wait3A_716 = arith.constant 0 : i32
          %dma_wait3A_717 = tpu.memref_slice %arg7[%dma_wait3A_715, %dma_wait3A_716] : memref<64x512xf32, #tpu.memory_space<vmem>> -> memref<16x512xf32, #tpu.memory_space<vmem>>
          %dma_wait3A_718 = arith.constant 0 : i32
          %dma_wait3A_719 = tpu.memref_slice %arg2[%mul3A_2, %dma_wait3A_718] : memref<16384x512xf32, #tpu.memory_space<hbm>> -> memref<16x512xf32, #tpu.memory_space<hbm>>
          %dma_wait3A_720 = arith.constant 0 : i32
          %dma_wait3A_721 = arith.constant 0 : i32
          %dma_wait3A_722 = tpu.memref_slice %arg7[%dma_wait3A_720, %dma_wait3A_721] : memref<64x512xf32, #tpu.memory_space<vmem>> -> memref<16x512xf32, #tpu.memory_space<vmem>>
          %dma_wait3A_723 = arith.constant 0 : i32
          %dma_wait3A_724 = tpu.memref_slice %arg2[%mul3A_2, %dma_wait3A_723] : memref<16384x512xf32, #tpu.memory_space<hbm>> -> memref<16x512xf32, #tpu.memory_space<hbm>>
          tpu.wait_dma2 semaphore(%arg13 : memref<!tpu.dma_semaphore, #tpu.memory_space<semaphore_mem>>) src(%dma_wait3A_724 : memref<16x512xf32, #tpu.memory_space<hbm>>) dst(%dma_wait3A_722 : memref<16x512xf32, #tpu.memory_space<vmem>>)
          %mul3A_725 = arith.constant 16 : i32
          %mul3A_726 = arith.muli %add3A_706, %mul3A_725 : i32
          %add3A_727 = arith.addi %mul3A_2, %mul3A_726 : i32
          %dma_start3A_728 = arith.constant 16 : i32
          %dma_start3A_729 = arith.constant 0 : i32
          %dma_start3A_730 = tpu.memref_slice %arg7[%dma_start3A_728, %dma_start3A_729] : memref<64x512xf32, #tpu.memory_space<vmem>> -> memref<16x512xf32, #tpu.memory_space<vmem>>
          %dma_start3A_731 = arith.constant 0 : i32
          %dma_start3A_732 = tpu.memref_slice %arg2[%add3A_727, %dma_start3A_731] : memref<16384x512xf32, #tpu.memory_space<hbm>> -> memref<16x512xf32, #tpu.memory_space<hbm>>
          %dma_start3A_733 = arith.constant 16 : i32
          %dma_start3A_734 = arith.constant 0 : i32
          %dma_start3A_735 = tpu.memref_slice %arg7[%dma_start3A_733, %dma_start3A_734] : memref<64x512xf32, #tpu.memory_space<vmem>> -> memref<16x512xf32, #tpu.memory_space<vmem>>
          %dma_start3A_736 = arith.constant 0 : i32
          %dma_start3A_737 = tpu.memref_slice %arg2[%add3A_727, %dma_start3A_736] : memref<16384x512xf32, #tpu.memory_space<hbm>> -> memref<16x512xf32, #tpu.memory_space<hbm>>
          tpu.enqueue_dma source(%dma_start3A_737 : memref<16x512xf32, #tpu.memory_space<hbm>>) target(%dma_start3A_735 : memref<16x512xf32, #tpu.memory_space<vmem>>) target_semaphore(%arg13 : memref<!tpu.dma_semaphore, #tpu.memory_space<semaphore_mem>>)
        } else {
        }
      }
      %scan3A_341 = arith.constant 4 : i32
      %dma_wait3A = arith.constant 0 : i32
      %dma_wait3A_342 = arith.constant 0 : i32
      %dma_wait3A_343 = tpu.memref_slice %arg6[%dma_wait3A, %dma_wait3A_342] : memref<64x512xf32, #tpu.memory_space<vmem>> -> memref<16x512xf32, #tpu.memory_space<vmem>>
      %dma_wait3A_344 = arith.constant 0 : i32
      %dma_wait3A_345 = tpu.memref_slice %arg2[%mul3A_2, %dma_wait3A_344] : memref<16384x512xf32, #tpu.memory_space<hbm>> -> memref<16x512xf32, #tpu.memory_space<hbm>>
      %dma_wait3A_346 = arith.constant 0 : i32
      %dma_wait3A_347 = arith.constant 0 : i32
      %dma_wait3A_348 = tpu.memref_slice %arg6[%dma_wait3A_346, %dma_wait3A_347] : memref<64x512xf32, #tpu.memory_space<vmem>> -> memref<16x512xf32, #tpu.memory_space<vmem>>
      %dma_wait3A_349 = arith.constant 0 : i32
      %dma_wait3A_350 = tpu.memref_slice %arg2[%mul3A_2, %dma_wait3A_349] : memref<16384x512xf32, #tpu.memory_space<hbm>> -> memref<16x512xf32, #tpu.memory_space<hbm>>
      tpu.wait_dma2 semaphore(%arg8 : memref<!tpu.dma_semaphore, #tpu.memory_space<semaphore_mem>>) src(%dma_wait3A_350 : memref<16x512xf32, #tpu.memory_space<hbm>>) dst(%dma_wait3A_348 : memref<16x512xf32, #tpu.memory_space<vmem>>)
      %dma_wait3A_351 = arith.constant 0 : i32
      %dma_wait3A_352 = arith.constant 0 : i32
      %dma_wait3A_353 = tpu.memref_slice %arg6[%dma_wait3A_351, %dma_wait3A_352] : memref<64x512xf32, #tpu.memory_space<vmem>> -> memref<16x512xf32, #tpu.memory_space<vmem>>
      %dma_wait3A_354 = arith.constant 0 : i32
      %dma_wait3A_355 = tpu.memref_slice %arg2[%mul3A_2, %dma_wait3A_354] : memref<16384x512xf32, #tpu.memory_space<hbm>> -> memref<16x512xf32, #tpu.memory_space<hbm>>
      %dma_wait3A_356 = arith.constant 0 : i32
      %dma_wait3A_357 = arith.constant 0 : i32
      %dma_wait3A_358 = tpu.memref_slice %arg6[%dma_wait3A_356, %dma_wait3A_357] : memref<64x512xf32, #tpu.memory_space<vmem>> -> memref<16x512xf32, #tpu.memory_space<vmem>>
      %dma_wait3A_359 = arith.constant 0 : i32
      %dma_wait3A_360 = tpu.memref_slice %arg2[%mul3A_2, %dma_wait3A_359] : memref<16384x512xf32, #tpu.memory_space<hbm>> -> memref<16x512xf32, #tpu.memory_space<hbm>>
      tpu.wait_dma2 semaphore(%arg9 : memref<!tpu.dma_semaphore, #tpu.memory_space<semaphore_mem>>) src(%dma_wait3A_360 : memref<16x512xf32, #tpu.memory_space<hbm>>) dst(%dma_wait3A_358 : memref<16x512xf32, #tpu.memory_space<vmem>>)
      %dma_wait3A_361 = arith.constant 0 : i32
      %dma_wait3A_362 = arith.constant 0 : i32
      %dma_wait3A_363 = tpu.memref_slice %arg6[%dma_wait3A_361, %dma_wait3A_362] : memref<64x512xf32, #tpu.memory_space<vmem>> -> memref<16x512xf32, #tpu.memory_space<vmem>>
      %dma_wait3A_364 = arith.constant 0 : i32
      %dma_wait3A_365 = tpu.memref_slice %arg2[%mul3A_2, %dma_wait3A_364] : memref<16384x512xf32, #tpu.memory_space<hbm>> -> memref<16x512xf32, #tpu.memory_space<hbm>>
      %dma_wait3A_366 = arith.constant 0 : i32
      %dma_wait3A_367 = arith.constant 0 : i32
      %dma_wait3A_368 = tpu.memref_slice %arg6[%dma_wait3A_366, %dma_wait3A_367] : memref<64x512xf32, #tpu.memory_space<vmem>> -> memref<16x512xf32, #tpu.memory_space<vmem>>
      %dma_wait3A_369 = arith.constant 0 : i32
      %dma_wait3A_370 = tpu.memref_slice %arg2[%mul3A_2, %dma_wait3A_369] : memref<16384x512xf32, #tpu.memory_space<hbm>> -> memref<16x512xf32, #tpu.memory_space<hbm>>
      tpu.wait_dma2 semaphore(%arg10 : memref<!tpu.dma_semaphore, #tpu.memory_space<semaphore_mem>>) src(%dma_wait3A_370 : memref<16x512xf32, #tpu.memory_space<hbm>>) dst(%dma_wait3A_368 : memref<16x512xf32, #tpu.memory_space<vmem>>)
      %dma_wait3A_371 = arith.constant 0 : i32
      %dma_wait3A_372 = arith.constant 0 : i32
      %dma_wait3A_373 = tpu.memref_slice %arg6[%dma_wait3A_371, %dma_wait3A_372] : memref<64x512xf32, #tpu.memory_space<vmem>> -> memref<16x512xf32, #tpu.memory_space<vmem>>
      %dma_wait3A_374 = arith.constant 0 : i32
      %dma_wait3A_375 = tpu.memref_slice %arg2[%mul3A_2, %dma_wait3A_374] : memref<16384x512xf32, #tpu.memory_space<hbm>> -> memref<16x512xf32, #tpu.memory_space<hbm>>
      %dma_wait3A_376 = arith.constant 0 : i32
      %dma_wait3A_377 = arith.constant 0 : i32
      %dma_wait3A_378 = tpu.memref_slice %arg6[%dma_wait3A_376, %dma_wait3A_377] : memref<64x512xf32, #tpu.memory_space<vmem>> -> memref<16x512xf32, #tpu.memory_space<vmem>>
      %dma_wait3A_379 = arith.constant 0 : i32
      %dma_wait3A_380 = tpu.memref_slice %arg2[%mul3A_2, %dma_wait3A_379] : memref<16384x512xf32, #tpu.memory_space<hbm>> -> memref<16x512xf32, #tpu.memory_space<hbm>>
      tpu.wait_dma2 semaphore(%arg11 : memref<!tpu.dma_semaphore, #tpu.memory_space<semaphore_mem>>) src(%dma_wait3A_380 : memref<16x512xf32, #tpu.memory_space<hbm>>) dst(%dma_wait3A_378 : memref<16x512xf32, #tpu.memory_space<vmem>>)
      %dma_wait3A_381 = arith.constant 0 : i32
      %dma_wait3A_382 = arith.constant 0 : i32
      %dma_wait3A_383 = tpu.memref_slice %arg7[%dma_wait3A_381, %dma_wait3A_382] : memref<64x512xf32, #tpu.memory_space<vmem>> -> memref<16x512xf32, #tpu.memory_space<vmem>>
      %dma_wait3A_384 = arith.constant 0 : i32
      %dma_wait3A_385 = tpu.memref_slice %arg2[%mul3A_2, %dma_wait3A_384] : memref<16384x512xf32, #tpu.memory_space<hbm>> -> memref<16x512xf32, #tpu.memory_space<hbm>>
      %dma_wait3A_386 = arith.constant 0 : i32
      %dma_wait3A_387 = arith.constant 0 : i32
      %dma_wait3A_388 = tpu.memref_slice %arg7[%dma_wait3A_386, %dma_wait3A_387] : memref<64x512xf32, #tpu.memory_space<vmem>> -> memref<16x512xf32, #tpu.memory_space<vmem>>
      %dma_wait3A_389 = arith.constant 0 : i32
      %dma_wait3A_390 = tpu.memref_slice %arg2[%mul3A_2, %dma_wait3A_389] : memref<16384x512xf32, #tpu.memory_space<hbm>> -> memref<16x512xf32, #tpu.memory_space<hbm>>
      tpu.wait_dma2 semaphore(%arg12 : memref<!tpu.dma_semaphore, #tpu.memory_space<semaphore_mem>>) src(%dma_wait3A_390 : memref<16x512xf32, #tpu.memory_space<hbm>>) dst(%dma_wait3A_388 : memref<16x512xf32, #tpu.memory_space<vmem>>)
      %dma_wait3A_391 = arith.constant 0 : i32
      %dma_wait3A_392 = arith.constant 0 : i32
      %dma_wait3A_393 = tpu.memref_slice %arg7[%dma_wait3A_391, %dma_wait3A_392] : memref<64x512xf32, #tpu.memory_space<vmem>> -> memref<16x512xf32, #tpu.memory_space<vmem>>
      %dma_wait3A_394 = arith.constant 0 : i32
      %dma_wait3A_395 = tpu.memref_slice %arg2[%mul3A_2, %dma_wait3A_394] : memref<16384x512xf32, #tpu.memory_space<hbm>> -> memref<16x512xf32, #tpu.memory_space<hbm>>
      %dma_wait3A_396 = arith.constant 0 : i32
      %dma_wait3A_397 = arith.constant 0 : i32
      %dma_wait3A_398 = tpu.memref_slice %arg7[%dma_wait3A_396, %dma_wait3A_397] : memref<64x512xf32, #tpu.memory_space<vmem>> -> memref<16x512xf32, #tpu.memory_space<vmem>>
      %dma_wait3A_399 = arith.constant 0 : i32
      %dma_wait3A_400 = tpu.memref_slice %arg2[%mul3A_2, %dma_wait3A_399] : memref<16384x512xf32, #tpu.memory_space<hbm>> -> memref<16x512xf32, #tpu.memory_space<hbm>>
      tpu.wait_dma2 semaphore(%arg13 : memref<!tpu.dma_semaphore, #tpu.memory_space<semaphore_mem>>) src(%dma_wait3A_400 : memref<16x512xf32, #tpu.memory_space<hbm>>) dst(%dma_wait3A_398 : memref<16x512xf32, #tpu.memory_space<vmem>>)
      %dma_wait3A_401 = arith.constant 0 : i32
      %dma_wait3A_402 = arith.constant 0 : i32
      %dma_wait3A_403 = tpu.memref_slice %arg7[%dma_wait3A_401, %dma_wait3A_402] : memref<64x512xf32, #tpu.memory_space<vmem>> -> memref<16x512xf32, #tpu.memory_space<vmem>>
      %dma_wait3A_404 = arith.constant 0 : i32
      %dma_wait3A_405 = tpu.memref_slice %arg2[%mul3A_2, %dma_wait3A_404] : memref<16384x512xf32, #tpu.memory_space<hbm>> -> memref<16x512xf32, #tpu.memory_space<hbm>>
      %dma_wait3A_406 = arith.constant 0 : i32
      %dma_wait3A_407 = arith.constant 0 : i32
      %dma_wait3A_408 = tpu.memref_slice %arg7[%dma_wait3A_406, %dma_wait3A_407] : memref<64x512xf32, #tpu.memory_space<vmem>> -> memref<16x512xf32, #tpu.memory_space<vmem>>
      %dma_wait3A_409 = arith.constant 0 : i32
      %dma_wait3A_410 = tpu.memref_slice %arg2[%mul3A_2, %dma_wait3A_409] : memref<16384x512xf32, #tpu.memory_space<hbm>> -> memref<16x512xf32, #tpu.memory_space<hbm>>
      tpu.wait_dma2 semaphore(%arg14 : memref<!tpu.dma_semaphore, #tpu.memory_space<semaphore_mem>>) src(%dma_wait3A_410 : memref<16x512xf32, #tpu.memory_space<hbm>>) dst(%dma_wait3A_408 : memref<16x512xf32, #tpu.memory_space<vmem>>)
      %dma_wait3A_411 = arith.constant 0 : i32
      %dma_wait3A_412 = arith.constant 0 : i32
      %dma_wait3A_413 = tpu.memref_slice %arg7[%dma_wait3A_411, %dma_wait3A_412] : memref<64x512xf32, #tpu.memory_space<vmem>> -> memref<16x512xf32, #tpu.memory_space<vmem>>
      %dma_wait3A_414 = arith.constant 0 : i32
      %dma_wait3A_415 = tpu.memref_slice %arg2[%mul3A_2, %dma_wait3A_414] : memref<16384x512xf32, #tpu.memory_space<hbm>> -> memref<16x512xf32, #tpu.memory_space<hbm>>
      %dma_wait3A_416 = arith.constant 0 : i32
      %dma_wait3A_417 = arith.constant 0 : i32
      %dma_wait3A_418 = tpu.memref_slice %arg7[%dma_wait3A_416, %dma_wait3A_417] : memref<64x512xf32, #tpu.memory_space<vmem>> -> memref<16x512xf32, #tpu.memory_space<vmem>>
      %dma_wait3A_419 = arith.constant 0 : i32
      %dma_wait3A_420 = tpu.memref_slice %arg2[%mul3A_2, %dma_wait3A_419] : memref<16384x512xf32, #tpu.memory_space<hbm>> -> memref<16x512xf32, #tpu.memory_space<hbm>>
      tpu.wait_dma2 semaphore(%arg15 : memref<!tpu.dma_semaphore, #tpu.memory_space<semaphore_mem>>) src(%dma_wait3A_420 : memref<16x512xf32, #tpu.memory_space<hbm>>) dst(%dma_wait3A_418 : memref<16x512xf32, #tpu.memory_space<vmem>>)
    } else {
    }
    %not3A = arith.constant true
    %not3A_238 = arith.xori %reduce_and3A_236, %not3A : i1
    %convert_element_type3A_239 = arith.extui %not3A_238 : i1 to i32
    %cond3A_240 = arith.constant 0 : i32
    %cond3A_241 = arith.cmpi ne, %convert_element_type3A_239, %cond3A_240 : i32
    scf.if %cond3A_241 {
      %add3A_242 = arith.constant 0 : i32
      %add3A_243 = arith.addi %mul3A_2, %add3A_242 : i32
      %dma_start3A = arith.constant 0 : i32
      %dma_start3A_244 = arith.constant 0 : i32
      %dma_start3A_245 = tpu.memref_slice %arg6[%dma_start3A, %dma_start3A_244] : memref<64x512xf32, #tpu.memory_space<vmem>> -> memref<32x512xf32, #tpu.memory_space<vmem>>
      %dma_start3A_246 = arith.constant 0 : i32
      %dma_start3A_247 = tpu.memref_slice %arg2[%add3A_243, %dma_start3A_246] : memref<16384x512xf32, #tpu.memory_space<hbm>> -> memref<32x512xf32, #tpu.memory_space<hbm>>
      %dma_start3A_248 = arith.constant 0 : i32
      %dma_start3A_249 = arith.constant 0 : i32
      %dma_start3A_250 = tpu.memref_slice %arg6[%dma_start3A_248, %dma_start3A_249] : memref<64x512xf32, #tpu.memory_space<vmem>> -> memref<32x512xf32, #tpu.memory_space<vmem>>
      %dma_start3A_251 = arith.constant 0 : i32
      %dma_start3A_252 = tpu.memref_slice %arg2[%add3A_243, %dma_start3A_251] : memref<16384x512xf32, #tpu.memory_space<hbm>> -> memref<32x512xf32, #tpu.memory_space<hbm>>
      tpu.enqueue_dma source(%dma_start3A_252 : memref<32x512xf32, #tpu.memory_space<hbm>>) target(%dma_start3A_250 : memref<32x512xf32, #tpu.memory_space<vmem>>) target_semaphore(%arg8 : memref<!tpu.dma_semaphore, #tpu.memory_space<semaphore_mem>>)
      %add3A_253 = arith.constant 32 : i32
      %add3A_254 = arith.addi %mul3A_2, %add3A_253 : i32
      %dma_start3A_255 = arith.constant 32 : i32
      %dma_start3A_256 = arith.constant 0 : i32
      %dma_start3A_257 = tpu.memref_slice %arg6[%dma_start3A_255, %dma_start3A_256] : memref<64x512xf32, #tpu.memory_space<vmem>> -> memref<32x512xf32, #tpu.memory_space<vmem>>
      %dma_start3A_258 = arith.constant 0 : i32
      %dma_start3A_259 = tpu.memref_slice %arg2[%add3A_254, %dma_start3A_258] : memref<16384x512xf32, #tpu.memory_space<hbm>> -> memref<32x512xf32, #tpu.memory_space<hbm>>
      %dma_start3A_260 = arith.constant 32 : i32
      %dma_start3A_261 = arith.constant 0 : i32
      %dma_start3A_262 = tpu.memref_slice %arg6[%dma_start3A_260, %dma_start3A_261] : memref<64x512xf32, #tpu.memory_space<vmem>> -> memref<32x512xf32, #tpu.memory_space<vmem>>
      %dma_start3A_263 = arith.constant 0 : i32
      %dma_start3A_264 = tpu.memref_slice %arg2[%add3A_254, %dma_start3A_263] : memref<16384x512xf32, #tpu.memory_space<hbm>> -> memref<32x512xf32, #tpu.memory_space<hbm>>
      tpu.enqueue_dma source(%dma_start3A_264 : memref<32x512xf32, #tpu.memory_space<hbm>>) target(%dma_start3A_262 : memref<32x512xf32, #tpu.memory_space<vmem>>) target_semaphore(%arg9 : memref<!tpu.dma_semaphore, #tpu.memory_space<semaphore_mem>>)
      %scan3A = arith.constant 0 : i32
      %scan3A_265 = arith.constant 0 : i32
      %scan3A_266 = arith.constant 16 : i32
      %scan3A_267 = arith.addi %scan3A_265, %scan3A_266 : i32
      %scan3A_268 = arith.constant 1 : i32
      scf.for %scan3A_289 = %scan3A_265 to %scan3A_267 step %scan3A_268  : i32 {
        %rem3A = arith.constant 2 : i32
        %rem3A_290 = arith.remsi %scan3A_289, %rem3A : i32
        %eq3A_291 = arith.constant 0 : i32
        %eq3A_292 = arith.cmpi eq, %rem3A_290, %eq3A_291 : i32
        %convert_element_type3A_293 = arith.extui %eq3A_292 : i1 to i32
        %cond3A_294 = arith.constant 0 : i32
        %cond3A_295 = arith.cmpi ne, %convert_element_type3A_293, %cond3A_294 : i32
        scf.if %cond3A_295 {
          %dma_wait3A_342 = arith.constant 0 : i32
          %dma_wait3A_343 = arith.constant 0 : i32
          %dma_wait3A_344 = tpu.memref_slice %arg6[%dma_wait3A_342, %dma_wait3A_343] : memref<64x512xf32, #tpu.memory_space<vmem>> -> memref<32x512xf32, #tpu.memory_space<vmem>>
          %dma_wait3A_345 = arith.constant 0 : i32
          %dma_wait3A_346 = tpu.memref_slice %arg2[%mul3A_2, %dma_wait3A_345] : memref<16384x512xf32, #tpu.memory_space<hbm>> -> memref<32x512xf32, #tpu.memory_space<hbm>>
          %dma_wait3A_347 = arith.constant 0 : i32
          %dma_wait3A_348 = arith.constant 0 : i32
          %dma_wait3A_349 = tpu.memref_slice %arg6[%dma_wait3A_347, %dma_wait3A_348] : memref<64x512xf32, #tpu.memory_space<vmem>> -> memref<32x512xf32, #tpu.memory_space<vmem>>
          %dma_wait3A_350 = arith.constant 0 : i32
          %dma_wait3A_351 = tpu.memref_slice %arg2[%mul3A_2, %dma_wait3A_350] : memref<16384x512xf32, #tpu.memory_space<hbm>> -> memref<32x512xf32, #tpu.memory_space<hbm>>
          tpu.wait_dma2 semaphore(%arg8 : memref<!tpu.dma_semaphore, #tpu.memory_space<semaphore_mem>>) src(%dma_wait3A_351 : memref<32x512xf32, #tpu.memory_space<hbm>>) dst(%dma_wait3A_349 : memref<32x512xf32, #tpu.memory_space<vmem>>)
        } else {
        }
        %not3A_296 = arith.constant true
        %not3A_297 = arith.xori %eq3A_292, %not3A_296 : i1
        %convert_element_type3A_298 = arith.extui %not3A_297 : i1 to i32
        %cond3A_299 = arith.constant 0 : i32
        %cond3A_300 = arith.cmpi ne, %convert_element_type3A_298, %cond3A_299 : i32
        scf.if %cond3A_300 {
          %dma_wait3A_342 = arith.constant 0 : i32
          %dma_wait3A_343 = arith.constant 0 : i32
          %dma_wait3A_344 = tpu.memref_slice %arg6[%dma_wait3A_342, %dma_wait3A_343] : memref<64x512xf32, #tpu.memory_space<vmem>> -> memref<32x512xf32, #tpu.memory_space<vmem>>
          %dma_wait3A_345 = arith.constant 0 : i32
          %dma_wait3A_346 = tpu.memref_slice %arg2[%mul3A_2, %dma_wait3A_345] : memref<16384x512xf32, #tpu.memory_space<hbm>> -> memref<32x512xf32, #tpu.memory_space<hbm>>
          %dma_wait3A_347 = arith.constant 0 : i32
          %dma_wait3A_348 = arith.constant 0 : i32
          %dma_wait3A_349 = tpu.memref_slice %arg6[%dma_wait3A_347, %dma_wait3A_348] : memref<64x512xf32, #tpu.memory_space<vmem>> -> memref<32x512xf32, #tpu.memory_space<vmem>>
          %dma_wait3A_350 = arith.constant 0 : i32
          %dma_wait3A_351 = tpu.memref_slice %arg2[%mul3A_2, %dma_wait3A_350] : memref<16384x512xf32, #tpu.memory_space<hbm>> -> memref<32x512xf32, #tpu.memory_space<hbm>>
          tpu.wait_dma2 semaphore(%arg9 : memref<!tpu.dma_semaphore, #tpu.memory_space<semaphore_mem>>) src(%dma_wait3A_351 : memref<32x512xf32, #tpu.memory_space<hbm>>) dst(%dma_wait3A_349 : memref<32x512xf32, #tpu.memory_space<vmem>>)
        } else {
        }
        %ge3A = arith.constant 2 : i32
        %ge3A_301 = arith.cmpi sge, %scan3A_289, %ge3A : i32
        %and3A = arith.andi %eq3A_292, %ge3A_301 : i1
        %convert_element_type3A_302 = arith.extui %and3A : i1 to i32
        %cond3A_303 = arith.constant 0 : i32
        %cond3A_304 = arith.cmpi ne, %convert_element_type3A_302, %cond3A_303 : i32
        scf.if %cond3A_304 {
          %dma_wait3A_342 = arith.constant 0 : i32
          %dma_wait3A_343 = arith.constant 0 : i32
          %dma_wait3A_344 = tpu.memref_slice %arg7[%dma_wait3A_342, %dma_wait3A_343] : memref<64x512xf32, #tpu.memory_space<vmem>> -> memref<32x512xf32, #tpu.memory_space<vmem>>
          %dma_wait3A_345 = arith.constant 0 : i32
          %dma_wait3A_346 = tpu.memref_slice %arg4[%mul3A_2, %dma_wait3A_345] : memref<16384x512xf32, #tpu.memory_space<hbm>> -> memref<32x512xf32, #tpu.memory_space<hbm>>
          %dma_wait3A_347 = arith.constant 0 : i32
          %dma_wait3A_348 = tpu.memref_slice %arg4[%mul3A_2, %dma_wait3A_347] : memref<16384x512xf32, #tpu.memory_space<hbm>> -> memref<32x512xf32, #tpu.memory_space<hbm>>
          %dma_wait3A_349 = arith.constant 0 : i32
          %dma_wait3A_350 = arith.constant 0 : i32
          %dma_wait3A_351 = tpu.memref_slice %arg7[%dma_wait3A_349, %dma_wait3A_350] : memref<64x512xf32, #tpu.memory_space<vmem>> -> memref<32x512xf32, #tpu.memory_space<vmem>>
          tpu.wait_dma2 semaphore(%arg10 : memref<!tpu.dma_semaphore, #tpu.memory_space<semaphore_mem>>) src(%dma_wait3A_351 : memref<32x512xf32, #tpu.memory_space<vmem>>) dst(%dma_wait3A_348 : memref<32x512xf32, #tpu.memory_space<hbm>>)
        } else {
        }
        %not3A_305 = arith.constant true
        %not3A_306 = arith.xori %eq3A_292, %not3A_305 : i1
        %ge3A_307 = arith.constant 2 : i32
        %ge3A_308 = arith.cmpi sge, %scan3A_289, %ge3A_307 : i32
        %and3A_309 = arith.andi %not3A_306, %ge3A_308 : i1
        %convert_element_type3A_310 = arith.extui %and3A_309 : i1 to i32
        %cond3A_311 = arith.constant 0 : i32
        %cond3A_312 = arith.cmpi ne, %convert_element_type3A_310, %cond3A_311 : i32
        scf.if %cond3A_312 {
          %dma_wait3A_342 = arith.constant 0 : i32
          %dma_wait3A_343 = arith.constant 0 : i32
          %dma_wait3A_344 = tpu.memref_slice %arg7[%dma_wait3A_342, %dma_wait3A_343] : memref<64x512xf32, #tpu.memory_space<vmem>> -> memref<32x512xf32, #tpu.memory_space<vmem>>
          %dma_wait3A_345 = arith.constant 0 : i32
          %dma_wait3A_346 = tpu.memref_slice %arg4[%mul3A_2, %dma_wait3A_345] : memref<16384x512xf32, #tpu.memory_space<hbm>> -> memref<32x512xf32, #tpu.memory_space<hbm>>
          %dma_wait3A_347 = arith.constant 0 : i32
          %dma_wait3A_348 = tpu.memref_slice %arg4[%mul3A_2, %dma_wait3A_347] : memref<16384x512xf32, #tpu.memory_space<hbm>> -> memref<32x512xf32, #tpu.memory_space<hbm>>
          %dma_wait3A_349 = arith.constant 0 : i32
          %dma_wait3A_350 = arith.constant 0 : i32
          %dma_wait3A_351 = tpu.memref_slice %arg7[%dma_wait3A_349, %dma_wait3A_350] : memref<64x512xf32, #tpu.memory_space<vmem>> -> memref<32x512xf32, #tpu.memory_space<vmem>>
          tpu.wait_dma2 semaphore(%arg11 : memref<!tpu.dma_semaphore, #tpu.memory_space<semaphore_mem>>) src(%dma_wait3A_351 : memref<32x512xf32, #tpu.memory_space<vmem>>) dst(%dma_wait3A_348 : memref<32x512xf32, #tpu.memory_space<hbm>>)
        } else {
        }
        %mul3A_313 = arith.constant 32 : i32
        %mul3A_314 = arith.muli %rem3A_290, %mul3A_313 : i32
        %parallel_loop3A = arith.constant 0 : i32
        %parallel_loop3A_315 = arith.constant 32 : i32
        %parallel_loop3A_316 = arith.constant 1 : i32
        scf.for %parallel_loop3A_342 = %parallel_loop3A to %parallel_loop3A_315 step %parallel_loop3A_316  : i32 {
          %parallel_loop3A_343 = arith.addi %mul3A_314, %parallel_loop3A_342 : i32
          %parallel_loop3A_344 = vector.broadcast %parallel_loop3A_343 : i32 to vector<16xi32>
          %parallel_loop3A_345 = tpu.vector_load_idx %arg6[%parallel_loop3A_344, %get3A_3] : memref<64x512xf32, #tpu.memory_space<vmem>>[vector<16xi32>, vector<16xi32>], vector<16xf32>,
          %parallel_loop3A_346 = arith.addi %mul3A_314, %parallel_loop3A_342 : i32
          %parallel_loop3A_347 = arith.index_cast %parallel_loop3A_346 : i32 to index
          %parallel_loop3A_348 = arith.constant 0 : index
          %parallel_loop3A_349 = tpu.vector_load %arg7[%parallel_loop3A_347, %parallel_loop3A_348] {strides = array<i32>} : memref<64x512xf32, #tpu.memory_space<vmem>>, vector<16xf32>,
          tpu.vector_store %arg7[%parallel_loop3A_347, %parallel_loop3A_348], %parallel_loop3A_345 {strides = array<i32>} : memref<64x512xf32, #tpu.memory_space<vmem>>, vector<16xf32>,
          %parallel_loop3A_350 = tpu.vector_load_idx %arg6[%parallel_loop3A_344, %get3A_5] : memref<64x512xf32, #tpu.memory_space<vmem>>[vector<16xi32>, vector<16xi32>], vector<16xf32>,
          %parallel_loop3A_351 = arith.addi %mul3A_314, %parallel_loop3A_342 : i32
          %parallel_loop3A_352 = arith.index_cast %parallel_loop3A_351 : i32 to index
          %parallel_loop3A_353 = arith.constant 16 : index
          %parallel_loop3A_354 = tpu.vector_load %arg7[%parallel_loop3A_352, %parallel_loop3A_353] {strides = array<i32>} : memref<64x512xf32, #tpu.memory_space<vmem>>, vector<16xf32>,
          tpu.vector_store %arg7[%parallel_loop3A_352, %parallel_loop3A_353], %parallel_loop3A_350 {strides = array<i32>} : memref<64x512xf32, #tpu.memory_space<vmem>>, vector<16xf32>,
          %parallel_loop3A_355 = tpu.vector_load_idx %arg6[%parallel_loop3A_344, %get3A_7] : memref<64x512xf32, #tpu.memory_space<vmem>>[vector<16xi32>, vector<16xi32>], vector<16xf32>,
          %parallel_loop3A_356 = arith.addi %mul3A_314, %parallel_loop3A_342 : i32
          %parallel_loop3A_357 = arith.index_cast %parallel_loop3A_356 : i32 to index
          %parallel_loop3A_358 = arith.constant 32 : index
          %parallel_loop3A_359 = tpu.vector_load %arg7[%parallel_loop3A_357, %parallel_loop3A_358] {strides = array<i32>} : memref<64x512xf32, #tpu.memory_space<vmem>>, vector<16xf32>,
          tpu.vector_store %arg7[%parallel_loop3A_357, %parallel_loop3A_358], %parallel_loop3A_355 {strides = array<i32>} : memref<64x512xf32, #tpu.memory_space<vmem>>, vector<16xf32>,
          %parallel_loop3A_360 = tpu.vector_load_idx %arg6[%parallel_loop3A_344, %get3A_9] : memref<64x512xf32, #tpu.memory_space<vmem>>[vector<16xi32>, vector<16xi32>], vector<16xf32>,
          %parallel_loop3A_361 = arith.addi %mul3A_314, %parallel_loop3A_342 : i32
          %parallel_loop3A_362 = arith.index_cast %parallel_loop3A_361 : i32 to index
          %parallel_loop3A_363 = arith.constant 48 : index
          %parallel_loop3A_364 = tpu.vector_load %arg7[%parallel_loop3A_362, %parallel_loop3A_363] {strides = array<i32>} : memref<64x512xf32, #tpu.memory_space<vmem>>, vector<16xf32>,
          tpu.vector_store %arg7[%parallel_loop3A_362, %parallel_loop3A_363], %parallel_loop3A_360 {strides = array<i32>} : memref<64x512xf32, #tpu.memory_space<vmem>>, vector<16xf32>,
          %parallel_loop3A_365 = tpu.vector_load_idx %arg6[%parallel_loop3A_344, %get3A_11] : memref<64x512xf32, #tpu.memory_space<vmem>>[vector<16xi32>, vector<16xi32>], vector<16xf32>,
          %parallel_loop3A_366 = arith.addi %mul3A_314, %parallel_loop3A_342 : i32
          %parallel_loop3A_367 = arith.index_cast %parallel_loop3A_366 : i32 to index
          %parallel_loop3A_368 = arith.constant 64 : index
          %parallel_loop3A_369 = tpu.vector_load %arg7[%parallel_loop3A_367, %parallel_loop3A_368] {strides = array<i32>} : memref<64x512xf32, #tpu.memory_space<vmem>>, vector<16xf32>,
          tpu.vector_store %arg7[%parallel_loop3A_367, %parallel_loop3A_368], %parallel_loop3A_365 {strides = array<i32>} : memref<64x512xf32, #tpu.memory_space<vmem>>, vector<16xf32>,
          %parallel_loop3A_370 = tpu.vector_load_idx %arg6[%parallel_loop3A_344, %get3A_13] : memref<64x512xf32, #tpu.memory_space<vmem>>[vector<16xi32>, vector<16xi32>], vector<16xf32>,
          %parallel_loop3A_371 = arith.addi %mul3A_314, %parallel_loop3A_342 : i32
          %parallel_loop3A_372 = arith.index_cast %parallel_loop3A_371 : i32 to index
          %parallel_loop3A_373 = arith.constant 80 : index
          %parallel_loop3A_374 = tpu.vector_load %arg7[%parallel_loop3A_372, %parallel_loop3A_373] {strides = array<i32>} : memref<64x512xf32, #tpu.memory_space<vmem>>, vector<16xf32>,
          tpu.vector_store %arg7[%parallel_loop3A_372, %parallel_loop3A_373], %parallel_loop3A_370 {strides = array<i32>} : memref<64x512xf32, #tpu.memory_space<vmem>>, vector<16xf32>,
          %parallel_loop3A_375 = tpu.vector_load_idx %arg6[%parallel_loop3A_344, %get3A_15] : memref<64x512xf32, #tpu.memory_space<vmem>>[vector<16xi32>, vector<16xi32>], vector<16xf32>,
          %parallel_loop3A_376 = arith.addi %mul3A_314, %parallel_loop3A_342 : i32
          %parallel_loop3A_377 = arith.index_cast %parallel_loop3A_376 : i32 to index
          %parallel_loop3A_378 = arith.constant 96 : index
          %parallel_loop3A_379 = tpu.vector_load %arg7[%parallel_loop3A_377, %parallel_loop3A_378] {strides = array<i32>} : memref<64x512xf32, #tpu.memory_space<vmem>>, vector<16xf32>,
          tpu.vector_store %arg7[%parallel_loop3A_377, %parallel_loop3A_378], %parallel_loop3A_375 {strides = array<i32>} : memref<64x512xf32, #tpu.memory_space<vmem>>, vector<16xf32>,
          %parallel_loop3A_380 = tpu.vector_load_idx %arg6[%parallel_loop3A_344, %get3A_17] : memref<64x512xf32, #tpu.memory_space<vmem>>[vector<16xi32>, vector<16xi32>], vector<16xf32>,
          %parallel_loop3A_381 = arith.addi %mul3A_314, %parallel_loop3A_342 : i32
          %parallel_loop3A_382 = arith.index_cast %parallel_loop3A_381 : i32 to index
          %parallel_loop3A_383 = arith.constant 112 : index
          %parallel_loop3A_384 = tpu.vector_load %arg7[%parallel_loop3A_382, %parallel_loop3A_383] {strides = array<i32>} : memref<64x512xf32, #tpu.memory_space<vmem>>, vector<16xf32>,
          tpu.vector_store %arg7[%parallel_loop3A_382, %parallel_loop3A_383], %parallel_loop3A_380 {strides = array<i32>} : memref<64x512xf32, #tpu.memory_space<vmem>>, vector<16xf32>,
          %parallel_loop3A_385 = tpu.vector_load_idx %arg6[%parallel_loop3A_344, %get3A_19] : memref<64x512xf32, #tpu.memory_space<vmem>>[vector<16xi32>, vector<16xi32>], vector<16xf32>,
          %parallel_loop3A_386 = arith.addi %mul3A_314, %parallel_loop3A_342 : i32
          %parallel_loop3A_387 = arith.index_cast %parallel_loop3A_386 : i32 to index
          %parallel_loop3A_388 = arith.constant 128 : index
          %parallel_loop3A_389 = tpu.vector_load %arg7[%parallel_loop3A_387, %parallel_loop3A_388] {strides = array<i32>} : memref<64x512xf32, #tpu.memory_space<vmem>>, vector<16xf32>,
          tpu.vector_store %arg7[%parallel_loop3A_387, %parallel_loop3A_388], %parallel_loop3A_385 {strides = array<i32>} : memref<64x512xf32, #tpu.memory_space<vmem>>, vector<16xf32>,
          %parallel_loop3A_390 = tpu.vector_load_idx %arg6[%parallel_loop3A_344, %get3A_21] : memref<64x512xf32, #tpu.memory_space<vmem>>[vector<16xi32>, vector<16xi32>], vector<16xf32>,
          %parallel_loop3A_391 = arith.addi %mul3A_314, %parallel_loop3A_342 : i32
          %parallel_loop3A_392 = arith.index_cast %parallel_loop3A_391 : i32 to index
          %parallel_loop3A_393 = arith.constant 144 : index
          %parallel_loop3A_394 = tpu.vector_load %arg7[%parallel_loop3A_392, %parallel_loop3A_393] {strides = array<i32>} : memref<64x512xf32, #tpu.memory_space<vmem>>, vector<16xf32>,
          tpu.vector_store %arg7[%parallel_loop3A_392, %parallel_loop3A_393], %parallel_loop3A_390 {strides = array<i32>} : memref<64x512xf32, #tpu.memory_space<vmem>>, vector<16xf32>,
          %parallel_loop3A_395 = tpu.vector_load_idx %arg6[%parallel_loop3A_344, %get3A_23] : memref<64x512xf32, #tpu.memory_space<vmem>>[vector<16xi32>, vector<16xi32>], vector<16xf32>,
          %parallel_loop3A_396 = arith.addi %mul3A_314, %parallel_loop3A_342 : i32
          %parallel_loop3A_397 = arith.index_cast %parallel_loop3A_396 : i32 to index
          %parallel_loop3A_398 = arith.constant 160 : index
          %parallel_loop3A_399 = tpu.vector_load %arg7[%parallel_loop3A_397, %parallel_loop3A_398] {strides = array<i32>} : memref<64x512xf32, #tpu.memory_space<vmem>>, vector<16xf32>,
          tpu.vector_store %arg7[%parallel_loop3A_397, %parallel_loop3A_398], %parallel_loop3A_395 {strides = array<i32>} : memref<64x512xf32, #tpu.memory_space<vmem>>, vector<16xf32>,
          %parallel_loop3A_400 = tpu.vector_load_idx %arg6[%parallel_loop3A_344, %get3A_25] : memref<64x512xf32, #tpu.memory_space<vmem>>[vector<16xi32>, vector<16xi32>], vector<16xf32>,
          %parallel_loop3A_401 = arith.addi %mul3A_314, %parallel_loop3A_342 : i32
          %parallel_loop3A_402 = arith.index_cast %parallel_loop3A_401 : i32 to index
          %parallel_loop3A_403 = arith.constant 176 : index
          %parallel_loop3A_404 = tpu.vector_load %arg7[%parallel_loop3A_402, %parallel_loop3A_403] {strides = array<i32>} : memref<64x512xf32, #tpu.memory_space<vmem>>, vector<16xf32>,
          tpu.vector_store %arg7[%parallel_loop3A_402, %parallel_loop3A_403], %parallel_loop3A_400 {strides = array<i32>} : memref<64x512xf32, #tpu.memory_space<vmem>>, vector<16xf32>,
          %parallel_loop3A_405 = tpu.vector_load_idx %arg6[%parallel_loop3A_344, %get3A_27] : memref<64x512xf32, #tpu.memory_space<vmem>>[vector<16xi32>, vector<16xi32>], vector<16xf32>,
          %parallel_loop3A_406 = arith.addi %mul3A_314, %parallel_loop3A_342 : i32
          %parallel_loop3A_407 = arith.index_cast %parallel_loop3A_406 : i32 to index
          %parallel_loop3A_408 = arith.constant 192 : index
          %parallel_loop3A_409 = tpu.vector_load %arg7[%parallel_loop3A_407, %parallel_loop3A_408] {strides = array<i32>} : memref<64x512xf32, #tpu.memory_space<vmem>>, vector<16xf32>,
          tpu.vector_store %arg7[%parallel_loop3A_407, %parallel_loop3A_408], %parallel_loop3A_405 {strides = array<i32>} : memref<64x512xf32, #tpu.memory_space<vmem>>, vector<16xf32>,
          %parallel_loop3A_410 = tpu.vector_load_idx %arg6[%parallel_loop3A_344, %get3A_29] : memref<64x512xf32, #tpu.memory_space<vmem>>[vector<16xi32>, vector<16xi32>], vector<16xf32>,
          %parallel_loop3A_411 = arith.addi %mul3A_314, %parallel_loop3A_342 : i32
          %parallel_loop3A_412 = arith.index_cast %parallel_loop3A_411 : i32 to index
          %parallel_loop3A_413 = arith.constant 208 : index
          %parallel_loop3A_414 = tpu.vector_load %arg7[%parallel_loop3A_412, %parallel_loop3A_413] {strides = array<i32>} : memref<64x512xf32, #tpu.memory_space<vmem>>, vector<16xf32>,
          tpu.vector_store %arg7[%parallel_loop3A_412, %parallel_loop3A_413], %parallel_loop3A_410 {strides = array<i32>} : memref<64x512xf32, #tpu.memory_space<vmem>>, vector<16xf32>,
          %parallel_loop3A_415 = tpu.vector_load_idx %arg6[%parallel_loop3A_344, %get3A_31] : memref<64x512xf32, #tpu.memory_space<vmem>>[vector<16xi32>, vector<16xi32>], vector<16xf32>,
          %parallel_loop3A_416 = arith.addi %mul3A_314, %parallel_loop3A_342 : i32
          %parallel_loop3A_417 = arith.index_cast %parallel_loop3A_416 : i32 to index
          %parallel_loop3A_418 = arith.constant 224 : index
          %parallel_loop3A_419 = tpu.vector_load %arg7[%parallel_loop3A_417, %parallel_loop3A_418] {strides = array<i32>} : memref<64x512xf32, #tpu.memory_space<vmem>>, vector<16xf32>,
          tpu.vector_store %arg7[%parallel_loop3A_417, %parallel_loop3A_418], %parallel_loop3A_415 {strides = array<i32>} : memref<64x512xf32, #tpu.memory_space<vmem>>, vector<16xf32>,
          %parallel_loop3A_420 = tpu.vector_load_idx %arg6[%parallel_loop3A_344, %get3A_33] : memref<64x512xf32, #tpu.memory_space<vmem>>[vector<16xi32>, vector<16xi32>], vector<16xf32>,
          %parallel_loop3A_421 = arith.addi %mul3A_314, %parallel_loop3A_342 : i32
          %parallel_loop3A_422 = arith.index_cast %parallel_loop3A_421 : i32 to index
          %parallel_loop3A_423 = arith.constant 240 : index
          %parallel_loop3A_424 = tpu.vector_load %arg7[%parallel_loop3A_422, %parallel_loop3A_423] {strides = array<i32>} : memref<64x512xf32, #tpu.memory_space<vmem>>, vector<16xf32>,
          tpu.vector_store %arg7[%parallel_loop3A_422, %parallel_loop3A_423], %parallel_loop3A_420 {strides = array<i32>} : memref<64x512xf32, #tpu.memory_space<vmem>>, vector<16xf32>,
          %parallel_loop3A_425 = tpu.vector_load_idx %arg6[%parallel_loop3A_344, %get3A_35] : memref<64x512xf32, #tpu.memory_space<vmem>>[vector<16xi32>, vector<16xi32>], vector<16xf32>,
          %parallel_loop3A_426 = arith.addi %mul3A_314, %parallel_loop3A_342 : i32
          %parallel_loop3A_427 = arith.index_cast %parallel_loop3A_426 : i32 to index
          %parallel_loop3A_428 = arith.constant 256 : index
          %parallel_loop3A_429 = tpu.vector_load %arg7[%parallel_loop3A_427, %parallel_loop3A_428] {strides = array<i32>} : memref<64x512xf32, #tpu.memory_space<vmem>>, vector<16xf32>,
          tpu.vector_store %arg7[%parallel_loop3A_427, %parallel_loop3A_428], %parallel_loop3A_425 {strides = array<i32>} : memref<64x512xf32, #tpu.memory_space<vmem>>, vector<16xf32>,
          %parallel_loop3A_430 = tpu.vector_load_idx %arg6[%parallel_loop3A_344, %get3A_37] : memref<64x512xf32, #tpu.memory_space<vmem>>[vector<16xi32>, vector<16xi32>], vector<16xf32>,
          %parallel_loop3A_431 = arith.addi %mul3A_314, %parallel_loop3A_342 : i32
          %parallel_loop3A_432 = arith.index_cast %parallel_loop3A_431 : i32 to index
          %parallel_loop3A_433 = arith.constant 272 : index
          %parallel_loop3A_434 = tpu.vector_load %arg7[%parallel_loop3A_432, %parallel_loop3A_433] {strides = array<i32>} : memref<64x512xf32, #tpu.memory_space<vmem>>, vector<16xf32>,
          tpu.vector_store %arg7[%parallel_loop3A_432, %parallel_loop3A_433], %parallel_loop3A_430 {strides = array<i32>} : memref<64x512xf32, #tpu.memory_space<vmem>>, vector<16xf32>,
          %parallel_loop3A_435 = tpu.vector_load_idx %arg6[%parallel_loop3A_344, %get3A_39] : memref<64x512xf32, #tpu.memory_space<vmem>>[vector<16xi32>, vector<16xi32>], vector<16xf32>,
          %parallel_loop3A_436 = arith.addi %mul3A_314, %parallel_loop3A_342 : i32
          %parallel_loop3A_437 = arith.index_cast %parallel_loop3A_436 : i32 to index
          %parallel_loop3A_438 = arith.constant 288 : index
          %parallel_loop3A_439 = tpu.vector_load %arg7[%parallel_loop3A_437, %parallel_loop3A_438] {strides = array<i32>} : memref<64x512xf32, #tpu.memory_space<vmem>>, vector<16xf32>,
          tpu.vector_store %arg7[%parallel_loop3A_437, %parallel_loop3A_438], %parallel_loop3A_435 {strides = array<i32>} : memref<64x512xf32, #tpu.memory_space<vmem>>, vector<16xf32>,
          %parallel_loop3A_440 = tpu.vector_load_idx %arg6[%parallel_loop3A_344, %get3A_41] : memref<64x512xf32, #tpu.memory_space<vmem>>[vector<16xi32>, vector<16xi32>], vector<16xf32>,
          %parallel_loop3A_441 = arith.addi %mul3A_314, %parallel_loop3A_342 : i32
          %parallel_loop3A_442 = arith.index_cast %parallel_loop3A_441 : i32 to index
          %parallel_loop3A_443 = arith.constant 304 : index
          %parallel_loop3A_444 = tpu.vector_load %arg7[%parallel_loop3A_442, %parallel_loop3A_443] {strides = array<i32>} : memref<64x512xf32, #tpu.memory_space<vmem>>, vector<16xf32>,
          tpu.vector_store %arg7[%parallel_loop3A_442, %parallel_loop3A_443], %parallel_loop3A_440 {strides = array<i32>} : memref<64x512xf32, #tpu.memory_space<vmem>>, vector<16xf32>,
          %parallel_loop3A_445 = tpu.vector_load_idx %arg6[%parallel_loop3A_344, %get3A_43] : memref<64x512xf32, #tpu.memory_space<vmem>>[vector<16xi32>, vector<16xi32>], vector<16xf32>,
          %parallel_loop3A_446 = arith.addi %mul3A_314, %parallel_loop3A_342 : i32
          %parallel_loop3A_447 = arith.index_cast %parallel_loop3A_446 : i32 to index
          %parallel_loop3A_448 = arith.constant 320 : index
          %parallel_loop3A_449 = tpu.vector_load %arg7[%parallel_loop3A_447, %parallel_loop3A_448] {strides = array<i32>} : memref<64x512xf32, #tpu.memory_space<vmem>>, vector<16xf32>,
          tpu.vector_store %arg7[%parallel_loop3A_447, %parallel_loop3A_448], %parallel_loop3A_445 {strides = array<i32>} : memref<64x512xf32, #tpu.memory_space<vmem>>, vector<16xf32>,
          %parallel_loop3A_450 = tpu.vector_load_idx %arg6[%parallel_loop3A_344, %get3A_45] : memref<64x512xf32, #tpu.memory_space<vmem>>[vector<16xi32>, vector<16xi32>], vector<16xf32>,
          %parallel_loop3A_451 = arith.addi %mul3A_314, %parallel_loop3A_342 : i32
          %parallel_loop3A_452 = arith.index_cast %parallel_loop3A_451 : i32 to index
          %parallel_loop3A_453 = arith.constant 336 : index
          %parallel_loop3A_454 = tpu.vector_load %arg7[%parallel_loop3A_452, %parallel_loop3A_453] {strides = array<i32>} : memref<64x512xf32, #tpu.memory_space<vmem>>, vector<16xf32>,
          tpu.vector_store %arg7[%parallel_loop3A_452, %parallel_loop3A_453], %parallel_loop3A_450 {strides = array<i32>} : memref<64x512xf32, #tpu.memory_space<vmem>>, vector<16xf32>,
          %parallel_loop3A_455 = tpu.vector_load_idx %arg6[%parallel_loop3A_344, %get3A_47] : memref<64x512xf32, #tpu.memory_space<vmem>>[vector<16xi32>, vector<16xi32>], vector<16xf32>,
          %parallel_loop3A_456 = arith.addi %mul3A_314, %parallel_loop3A_342 : i32
          %parallel_loop3A_457 = arith.index_cast %parallel_loop3A_456 : i32 to index
          %parallel_loop3A_458 = arith.constant 352 : index
          %parallel_loop3A_459 = tpu.vector_load %arg7[%parallel_loop3A_457, %parallel_loop3A_458] {strides = array<i32>} : memref<64x512xf32, #tpu.memory_space<vmem>>, vector<16xf32>,
          tpu.vector_store %arg7[%parallel_loop3A_457, %parallel_loop3A_458], %parallel_loop3A_455 {strides = array<i32>} : memref<64x512xf32, #tpu.memory_space<vmem>>, vector<16xf32>,
          %parallel_loop3A_460 = tpu.vector_load_idx %arg6[%parallel_loop3A_344, %get3A_49] : memref<64x512xf32, #tpu.memory_space<vmem>>[vector<16xi32>, vector<16xi32>], vector<16xf32>,
          %parallel_loop3A_461 = arith.addi %mul3A_314, %parallel_loop3A_342 : i32
          %parallel_loop3A_462 = arith.index_cast %parallel_loop3A_461 : i32 to index
          %parallel_loop3A_463 = arith.constant 368 : index
          %parallel_loop3A_464 = tpu.vector_load %arg7[%parallel_loop3A_462, %parallel_loop3A_463] {strides = array<i32>} : memref<64x512xf32, #tpu.memory_space<vmem>>, vector<16xf32>,
          tpu.vector_store %arg7[%parallel_loop3A_462, %parallel_loop3A_463], %parallel_loop3A_460 {strides = array<i32>} : memref<64x512xf32, #tpu.memory_space<vmem>>, vector<16xf32>,
          %parallel_loop3A_465 = tpu.vector_load_idx %arg6[%parallel_loop3A_344, %get3A_51] : memref<64x512xf32, #tpu.memory_space<vmem>>[vector<16xi32>, vector<16xi32>], vector<16xf32>,
          %parallel_loop3A_466 = arith.addi %mul3A_314, %parallel_loop3A_342 : i32
          %parallel_loop3A_467 = arith.index_cast %parallel_loop3A_466 : i32 to index
          %parallel_loop3A_468 = arith.constant 384 : index
          %parallel_loop3A_469 = tpu.vector_load %arg7[%parallel_loop3A_467, %parallel_loop3A_468] {strides = array<i32>} : memref<64x512xf32, #tpu.memory_space<vmem>>, vector<16xf32>,
          tpu.vector_store %arg7[%parallel_loop3A_467, %parallel_loop3A_468], %parallel_loop3A_465 {strides = array<i32>} : memref<64x512xf32, #tpu.memory_space<vmem>>, vector<16xf32>,
          %parallel_loop3A_470 = tpu.vector_load_idx %arg6[%parallel_loop3A_344, %get3A_53] : memref<64x512xf32, #tpu.memory_space<vmem>>[vector<16xi32>, vector<16xi32>], vector<16xf32>,
          %parallel_loop3A_471 = arith.addi %mul3A_314, %parallel_loop3A_342 : i32
          %parallel_loop3A_472 = arith.index_cast %parallel_loop3A_471 : i32 to index
          %parallel_loop3A_473 = arith.constant 400 : index
          %parallel_loop3A_474 = tpu.vector_load %arg7[%parallel_loop3A_472, %parallel_loop3A_473] {strides = array<i32>} : memref<64x512xf32, #tpu.memory_space<vmem>>, vector<16xf32>,
          tpu.vector_store %arg7[%parallel_loop3A_472, %parallel_loop3A_473], %parallel_loop3A_470 {strides = array<i32>} : memref<64x512xf32, #tpu.memory_space<vmem>>, vector<16xf32>,
          %parallel_loop3A_475 = tpu.vector_load_idx %arg6[%parallel_loop3A_344, %get3A_55] : memref<64x512xf32, #tpu.memory_space<vmem>>[vector<16xi32>, vector<16xi32>], vector<16xf32>,
          %parallel_loop3A_476 = arith.addi %mul3A_314, %parallel_loop3A_342 : i32
          %parallel_loop3A_477 = arith.index_cast %parallel_loop3A_476 : i32 to index
          %parallel_loop3A_478 = arith.constant 416 : index
          %parallel_loop3A_479 = tpu.vector_load %arg7[%parallel_loop3A_477, %parallel_loop3A_478] {strides = array<i32>} : memref<64x512xf32, #tpu.memory_space<vmem>>, vector<16xf32>,
          tpu.vector_store %arg7[%parallel_loop3A_477, %parallel_loop3A_478], %parallel_loop3A_475 {strides = array<i32>} : memref<64x512xf32, #tpu.memory_space<vmem>>, vector<16xf32>,
          %parallel_loop3A_480 = tpu.vector_load_idx %arg6[%parallel_loop3A_344, %get3A_57] : memref<64x512xf32, #tpu.memory_space<vmem>>[vector<16xi32>, vector<16xi32>], vector<16xf32>,
          %parallel_loop3A_481 = arith.addi %mul3A_314, %parallel_loop3A_342 : i32
          %parallel_loop3A_482 = arith.index_cast %parallel_loop3A_481 : i32 to index
          %parallel_loop3A_483 = arith.constant 432 : index
          %parallel_loop3A_484 = tpu.vector_load %arg7[%parallel_loop3A_482, %parallel_loop3A_483] {strides = array<i32>} : memref<64x512xf32, #tpu.memory_space<vmem>>, vector<16xf32>,
          tpu.vector_store %arg7[%parallel_loop3A_482, %parallel_loop3A_483], %parallel_loop3A_480 {strides = array<i32>} : memref<64x512xf32, #tpu.memory_space<vmem>>, vector<16xf32>,
          %parallel_loop3A_485 = tpu.vector_load_idx %arg6[%parallel_loop3A_344, %get3A_59] : memref<64x512xf32, #tpu.memory_space<vmem>>[vector<16xi32>, vector<16xi32>], vector<16xf32>,
          %parallel_loop3A_486 = arith.addi %mul3A_314, %parallel_loop3A_342 : i32
          %parallel_loop3A_487 = arith.index_cast %parallel_loop3A_486 : i32 to index
          %parallel_loop3A_488 = arith.constant 448 : index
          %parallel_loop3A_489 = tpu.vector_load %arg7[%parallel_loop3A_487, %parallel_loop3A_488] {strides = array<i32>} : memref<64x512xf32, #tpu.memory_space<vmem>>, vector<16xf32>,
          tpu.vector_store %arg7[%parallel_loop3A_487, %parallel_loop3A_488], %parallel_loop3A_485 {strides = array<i32>} : memref<64x512xf32, #tpu.memory_space<vmem>>, vector<16xf32>,
          %parallel_loop3A_490 = tpu.vector_load_idx %arg6[%parallel_loop3A_344, %get3A_61] : memref<64x512xf32, #tpu.memory_space<vmem>>[vector<16xi32>, vector<16xi32>], vector<16xf32>,
          %parallel_loop3A_491 = arith.addi %mul3A_314, %parallel_loop3A_342 : i32
          %parallel_loop3A_492 = arith.index_cast %parallel_loop3A_491 : i32 to index
          %parallel_loop3A_493 = arith.constant 464 : index
          %parallel_loop3A_494 = tpu.vector_load %arg7[%parallel_loop3A_492, %parallel_loop3A_493] {strides = array<i32>} : memref<64x512xf32, #tpu.memory_space<vmem>>, vector<16xf32>,
          tpu.vector_store %arg7[%parallel_loop3A_492, %parallel_loop3A_493], %parallel_loop3A_490 {strides = array<i32>} : memref<64x512xf32, #tpu.memory_space<vmem>>, vector<16xf32>,
          %parallel_loop3A_495 = tpu.vector_load_idx %arg6[%parallel_loop3A_344, %get3A_63] : memref<64x512xf32, #tpu.memory_space<vmem>>[vector<16xi32>, vector<16xi32>], vector<16xf32>,
          %parallel_loop3A_496 = arith.addi %mul3A_314, %parallel_loop3A_342 : i32
          %parallel_loop3A_497 = arith.index_cast %parallel_loop3A_496 : i32 to index
          %parallel_loop3A_498 = arith.constant 480 : index
          %parallel_loop3A_499 = tpu.vector_load %arg7[%parallel_loop3A_497, %parallel_loop3A_498] {strides = array<i32>} : memref<64x512xf32, #tpu.memory_space<vmem>>, vector<16xf32>,
          tpu.vector_store %arg7[%parallel_loop3A_497, %parallel_loop3A_498], %parallel_loop3A_495 {strides = array<i32>} : memref<64x512xf32, #tpu.memory_space<vmem>>, vector<16xf32>,
          %parallel_loop3A_500 = tpu.vector_load_idx %arg6[%parallel_loop3A_344, %get3A_65] : memref<64x512xf32, #tpu.memory_space<vmem>>[vector<16xi32>, vector<16xi32>], vector<16xf32>,
          %parallel_loop3A_501 = arith.addi %mul3A_314, %parallel_loop3A_342 : i32
          %parallel_loop3A_502 = arith.index_cast %parallel_loop3A_501 : i32 to index
          %parallel_loop3A_503 = arith.constant 496 : index
          %parallel_loop3A_504 = tpu.vector_load %arg7[%parallel_loop3A_502, %parallel_loop3A_503] {strides = array<i32>} : memref<64x512xf32, #tpu.memory_space<vmem>>, vector<16xf32>,
          tpu.vector_store %arg7[%parallel_loop3A_502, %parallel_loop3A_503], %parallel_loop3A_500 {strides = array<i32>} : memref<64x512xf32, #tpu.memory_space<vmem>>, vector<16xf32>,
        } {sc.loop_unroll_factor = 1 : i64, sc.parallel_access}
        %convert_element_type3A_317 = arith.extui %eq3A_292 : i1 to i32
        %cond3A_318 = arith.constant 0 : i32
        %cond3A_319 = arith.cmpi ne, %convert_element_type3A_317, %cond3A_318 : i32
        scf.if %cond3A_319 {
          %mul3A_342 = arith.constant 32 : i32
          %mul3A_343 = arith.muli %scan3A_289, %mul3A_342 : i32
          %add3A_344 = arith.addi %mul3A_2, %mul3A_343 : i32
          %dma_start3A_345 = arith.constant 0 : i32
          %dma_start3A_346 = arith.constant 0 : i32
          %dma_start3A_347 = tpu.memref_slice %arg7[%dma_start3A_345, %dma_start3A_346] : memref<64x512xf32, #tpu.memory_space<vmem>> -> memref<32x512xf32, #tpu.memory_space<vmem>>
          %dma_start3A_348 = arith.constant 0 : i32
          %dma_start3A_349 = tpu.memref_slice %arg4[%add3A_344, %dma_start3A_348] : memref<16384x512xf32, #tpu.memory_space<hbm>> -> memref<32x512xf32, #tpu.memory_space<hbm>>
          %dma_start3A_350 = arith.constant 0 : i32
          %dma_start3A_351 = tpu.memref_slice %arg4[%add3A_344, %dma_start3A_350] : memref<16384x512xf32, #tpu.memory_space<hbm>> -> memref<32x512xf32, #tpu.memory_space<hbm>>
          %dma_start3A_352 = arith.constant 0 : i32
          %dma_start3A_353 = arith.constant 0 : i32
          %dma_start3A_354 = tpu.memref_slice %arg7[%dma_start3A_352, %dma_start3A_353] : memref<64x512xf32, #tpu.memory_space<vmem>> -> memref<32x512xf32, #tpu.memory_space<vmem>>
          tpu.enqueue_dma source(%dma_start3A_354 : memref<32x512xf32, #tpu.memory_space<vmem>>) target(%dma_start3A_351 : memref<32x512xf32, #tpu.memory_space<hbm>>) target_semaphore(%arg10 : memref<!tpu.dma_semaphore, #tpu.memory_space<semaphore_mem>>)
        } else {
        }
        %not3A_320 = arith.constant true
        %not3A_321 = arith.xori %eq3A_292, %not3A_320 : i1
        %convert_element_type3A_322 = arith.extui %not3A_321 : i1 to i32
        %cond3A_323 = arith.constant 0 : i32
        %cond3A_324 = arith.cmpi ne, %convert_element_type3A_322, %cond3A_323 : i32
        scf.if %cond3A_324 {
          %mul3A_342 = arith.constant 32 : i32
          %mul3A_343 = arith.muli %scan3A_289, %mul3A_342 : i32
          %add3A_344 = arith.addi %mul3A_2, %mul3A_343 : i32
          %dma_start3A_345 = arith.constant 32 : i32
          %dma_start3A_346 = arith.constant 0 : i32
          %dma_start3A_347 = tpu.memref_slice %arg7[%dma_start3A_345, %dma_start3A_346] : memref<64x512xf32, #tpu.memory_space<vmem>> -> memref<32x512xf32, #tpu.memory_space<vmem>>
          %dma_start3A_348 = arith.constant 0 : i32
          %dma_start3A_349 = tpu.memref_slice %arg4[%add3A_344, %dma_start3A_348] : memref<16384x512xf32, #tpu.memory_space<hbm>> -> memref<32x512xf32, #tpu.memory_space<hbm>>
          %dma_start3A_350 = arith.constant 0 : i32
          %dma_start3A_351 = tpu.memref_slice %arg4[%add3A_344, %dma_start3A_350] : memref<16384x512xf32, #tpu.memory_space<hbm>> -> memref<32x512xf32, #tpu.memory_space<hbm>>
          %dma_start3A_352 = arith.constant 32 : i32
          %dma_start3A_353 = arith.constant 0 : i32
          %dma_start3A_354 = tpu.memref_slice %arg7[%dma_start3A_352, %dma_start3A_353] : memref<64x512xf32, #tpu.memory_space<vmem>> -> memref<32x512xf32, #tpu.memory_space<vmem>>
          tpu.enqueue_dma source(%dma_start3A_354 : memref<32x512xf32, #tpu.memory_space<vmem>>) target(%dma_start3A_351 : memref<32x512xf32, #tpu.memory_space<hbm>>) target_semaphore(%arg11 : memref<!tpu.dma_semaphore, #tpu.memory_space<semaphore_mem>>)
        } else {
        }
        %add3A_325 = arith.constant 2 : i32
        %add3A_326 = arith.addi %scan3A_289, %add3A_325 : i32
        %lt3A = arith.constant 16 : i32
        %lt3A_327 = arith.cmpi slt, %add3A_326, %lt3A : i32
        %and3A_328 = arith.andi %eq3A_292, %lt3A_327 : i1
        %convert_element_type3A_329 = arith.extui %and3A_328 : i1 to i32
        %cond3A_330 = arith.constant 0 : i32
        %cond3A_331 = arith.cmpi ne, %convert_element_type3A_329, %cond3A_330 : i32
        scf.if %cond3A_331 {
          %add3A_342 = arith.constant 2 : i32
          %add3A_343 = arith.addi %scan3A_289, %add3A_342 : i32
          %mul3A_344 = arith.constant 32 : i32
          %mul3A_345 = arith.muli %add3A_343, %mul3A_344 : i32
          %add3A_346 = arith.addi %mul3A_2, %mul3A_345 : i32
          %dma_start3A_347 = arith.constant 0 : i32
          %dma_start3A_348 = arith.constant 0 : i32
          %dma_start3A_349 = tpu.memref_slice %arg6[%dma_start3A_347, %dma_start3A_348] : memref<64x512xf32, #tpu.memory_space<vmem>> -> memref<32x512xf32, #tpu.memory_space<vmem>>
          %dma_start3A_350 = arith.constant 0 : i32
          %dma_start3A_351 = tpu.memref_slice %arg2[%add3A_346, %dma_start3A_350] : memref<16384x512xf32, #tpu.memory_space<hbm>> -> memref<32x512xf32, #tpu.memory_space<hbm>>
          %dma_start3A_352 = arith.constant 0 : i32
          %dma_start3A_353 = arith.constant 0 : i32
          %dma_start3A_354 = tpu.memref_slice %arg6[%dma_start3A_352, %dma_start3A_353] : memref<64x512xf32, #tpu.memory_space<vmem>> -> memref<32x512xf32, #tpu.memory_space<vmem>>
          %dma_start3A_355 = arith.constant 0 : i32
          %dma_start3A_356 = tpu.memref_slice %arg2[%add3A_346, %dma_start3A_355] : memref<16384x512xf32, #tpu.memory_space<hbm>> -> memref<32x512xf32, #tpu.memory_space<hbm>>
          tpu.enqueue_dma source(%dma_start3A_356 : memref<32x512xf32, #tpu.memory_space<hbm>>) target(%dma_start3A_354 : memref<32x512xf32, #tpu.memory_space<vmem>>) target_semaphore(%arg8 : memref<!tpu.dma_semaphore, #tpu.memory_space<semaphore_mem>>)
        } else {
        }
        %not3A_332 = arith.constant true
        %not3A_333 = arith.xori %eq3A_292, %not3A_332 : i1
        %add3A_334 = arith.constant 2 : i32
        %add3A_335 = arith.addi %scan3A_289, %add3A_334 : i32
        %lt3A_336 = arith.constant 16 : i32
        %lt3A_337 = arith.cmpi slt, %add3A_335, %lt3A_336 : i32
        %and3A_338 = arith.andi %not3A_333, %lt3A_337 : i1
        %convert_element_type3A_339 = arith.extui %and3A_338 : i1 to i32
        %cond3A_340 = arith.constant 0 : i32
        %cond3A_341 = arith.cmpi ne, %convert_element_type3A_339, %cond3A_340 : i32
        scf.if %cond3A_341 {
          %add3A_342 = arith.constant 2 : i32
          %add3A_343 = arith.addi %scan3A_289, %add3A_342 : i32
          %mul3A_344 = arith.constant 32 : i32
          %mul3A_345 = arith.muli %add3A_343, %mul3A_344 : i32
          %add3A_346 = arith.addi %mul3A_2, %mul3A_345 : i32
          %dma_start3A_347 = arith.constant 32 : i32
          %dma_start3A_348 = arith.constant 0 : i32
          %dma_start3A_349 = tpu.memref_slice %arg6[%dma_start3A_347, %dma_start3A_348] : memref<64x512xf32, #tpu.memory_space<vmem>> -> memref<32x512xf32, #tpu.memory_space<vmem>>
          %dma_start3A_350 = arith.constant 0 : i32
          %dma_start3A_351 = tpu.memref_slice %arg2[%add3A_346, %dma_start3A_350] : memref<16384x512xf32, #tpu.memory_space<hbm>> -> memref<32x512xf32, #tpu.memory_space<hbm>>
          %dma_start3A_352 = arith.constant 32 : i32
          %dma_start3A_353 = arith.constant 0 : i32
          %dma_start3A_354 = tpu.memref_slice %arg6[%dma_start3A_352, %dma_start3A_353] : memref<64x512xf32, #tpu.memory_space<vmem>> -> memref<32x512xf32, #tpu.memory_space<vmem>>
          %dma_start3A_355 = arith.constant 0 : i32
          %dma_start3A_356 = tpu.memref_slice %arg2[%add3A_346, %dma_start3A_355] : memref<16384x512xf32, #tpu.memory_space<hbm>> -> memref<32x512xf32, #tpu.memory_space<hbm>>
          tpu.enqueue_dma source(%dma_start3A_356 : memref<32x512xf32, #tpu.memory_space<hbm>>) target(%dma_start3A_354 : memref<32x512xf32, #tpu.memory_space<vmem>>) target_semaphore(%arg9 : memref<!tpu.dma_semaphore, #tpu.memory_space<semaphore_mem>>)
        } else {
        }
      }
      %scan3A_269 = arith.constant 16 : i32
      %dma_wait3A = arith.constant 0 : i32
      %dma_wait3A_270 = arith.constant 0 : i32
      %dma_wait3A_271 = tpu.memref_slice %arg7[%dma_wait3A, %dma_wait3A_270] : memref<64x512xf32, #tpu.memory_space<vmem>> -> memref<32x512xf32, #tpu.memory_space<vmem>>
      %dma_wait3A_272 = arith.constant 0 : i32
      %dma_wait3A_273 = tpu.memref_slice %arg4[%mul3A_2, %dma_wait3A_272] : memref<16384x512xf32, #tpu.memory_space<hbm>> -> memref<32x512xf32, #tpu.memory_space<hbm>>
      %dma_wait3A_274 = arith.constant 0 : i32
      %dma_wait3A_275 = tpu.memref_slice %arg4[%mul3A_2, %dma_wait3A_274] : memref<16384x512xf32, #tpu.memory_space<hbm>> -> memref<32x512xf32, #tpu.memory_space<hbm>>
      %dma_wait3A_276 = arith.constant 0 : i32
      %dma_wait3A_277 = arith.constant 0 : i32
      %dma_wait3A_278 = tpu.memref_slice %arg7[%dma_wait3A_276, %dma_wait3A_277] : memref<64x512xf32, #tpu.memory_space<vmem>> -> memref<32x512xf32, #tpu.memory_space<vmem>>
      tpu.wait_dma2 semaphore(%arg10 : memref<!tpu.dma_semaphore, #tpu.memory_space<semaphore_mem>>) src(%dma_wait3A_278 : memref<32x512xf32, #tpu.memory_space<vmem>>) dst(%dma_wait3A_275 : memref<32x512xf32, #tpu.memory_space<hbm>>)
      %dma_wait3A_279 = arith.constant 0 : i32
      %dma_wait3A_280 = arith.constant 0 : i32
      %dma_wait3A_281 = tpu.memref_slice %arg7[%dma_wait3A_279, %dma_wait3A_280] : memref<64x512xf32, #tpu.memory_space<vmem>> -> memref<32x512xf32, #tpu.memory_space<vmem>>
      %dma_wait3A_282 = arith.constant 0 : i32
      %dma_wait3A_283 = tpu.memref_slice %arg4[%mul3A_2, %dma_wait3A_282] : memref<16384x512xf32, #tpu.memory_space<hbm>> -> memref<32x512xf32, #tpu.memory_space<hbm>>
      %dma_wait3A_284 = arith.constant 0 : i32
      %dma_wait3A_285 = tpu.memref_slice %arg4[%mul3A_2, %dma_wait3A_284] : memref<16384x512xf32, #tpu.memory_space<hbm>> -> memref<32x512xf32, #tpu.memory_space<hbm>>
      %dma_wait3A_286 = arith.constant 0 : i32
      %dma_wait3A_287 = arith.constant 0 : i32
      %dma_wait3A_288 = tpu.memref_slice %arg7[%dma_wait3A_286, %dma_wait3A_287] : memref<64x512xf32, #tpu.memory_space<vmem>> -> memref<32x512xf32, #tpu.memory_space<vmem>>
      tpu.wait_dma2 semaphore(%arg11 : memref<!tpu.dma_semaphore, #tpu.memory_space<semaphore_mem>>) src(%dma_wait3A_288 : memref<32x512xf32, #tpu.memory_space<vmem>>) dst(%dma_wait3A_285 : memref<32x512xf32, #tpu.memory_space<hbm>>)
    } else {
    }
    return
  }
}

</mosaic_0001>

<sc_bundles>
// kernel: kernel.3.cloned.1.call-start
scs
__scs_entry_jumppad:
0x0: {  	(pc) =	sbr.rel $0x88, $3  }
0x1: {  	(tag) =	ssettag $0x0;
	lr =	simm.s32 $0x1  }
0x2: {  	[smem:$0x3F9F] =	sst lr;
	_ =	strace $0xD0000000  }
0x3: {  	_ = 	snop  }
0x4: {  	_ = 	snop  }
0x5: {  	_ = 	snop  }
0x6: {  	_ = 	snop  }
0x7: {  	_ = 	snop  }
__scs_overlays_trampoline_lowered:
0x8: {  	[smem:$0x3FAE] =	sst s0  }
0x9: {  	[smem:$0x3FAF] =	sst s1  }
0xa: {  	[smem:$0x3FB0] =	sst s2  }
0xb: {  	[smem:$0x3FB1] =	sst s3  }
0xc: {  	[smem:$0x3FB2] =	sst s4  }
0xd: {  	[smem:$0x3FB3] =	sst s5  }
0xe: {  	[smem:$0x3FB4] =	sst s6  }
0xf: {  	[smem:$0x3FB5] =	sst s7  }
0x10: {  	[smem:$0x3FB6] =	sst s8  }
0x11: {  	[smem:$0x3FB7] =	sst s9;
	s0 =	simm.s32 @!p0 $0x0  }
0x12: {  	s1 =	sld [smem:$0x3F9D];
	s0 =	simm.s32 @p0 $0x1  }
0x13: {  	[smem:$0x3FB8] =	sst s0;
	s0 =	simm.s32 @!p1 $0x0  }
0x14: {  	s2 =	sld [smem:$0x3F9C];
	s0 =	simm.s32 @p1 $0x1  }
0x15: {  	[smem:$0x3FB9] =	sst s0;
	s0 =	simm.s32 @!p2 $0x0  }
0x16: {  	s3 =	sld [smem:$0x3FDB];
	s0 =	simm.s32 @p2 $0x1  }
0x17: {  	s4 =	simm.s32 $0x1BF5;
	[smem:$0x3FBB] =	sst s0  }
0x18: {  	s0 =	sld [smem:$0x3F9E];
	_ =	swait.ge [sflag:s4], $0x0  }
0x19: {  	s7 =	sld [smem:$0x3F9F]  }
0x1a: {  	s8 =	sadd.s32 $0xFFFFE003, lr  }
0x1b: {  	s9 =	sadd.s32 $0xFFFFFEF7, lr;
	s5 =	simm.s32 $0xFFFFFFFF;
	p2 =	slt.u32 s8, $0xFFFFF086  }
0x1c: {  	p1 =	slt.u32 s9, $0xF7A;
	s5 =	simm.s32 @!p2 $0x0  }
0x1d: {  	s5 =	simm.s32 @p1 $0x1;
	p0 =	seq.s32 s7, s2  }
0x1e: {  	s7 =	smul.u32 @!p0 $0xF7A, s2;
	p2 =	seq.s32 @!p0 s5, $0x0  }
0x1f: {  	s9 =	smul.u32 $0xF7A, s1;
	s8 =	simm.s32 @!p0 $0x1BF5;
	p2 =	por !p2, p0  }
0x20: {  	[sflag:s8] =	ssyncset.s32 @!p0 $0xFFFFF086;
	s6 =	sadd.s32 @!p0 s3, s7;
	s7 =	simm.s32 @!p0 $0x108  }
0x21: {  	s3 =	sadd.s32 s3, s9;
	s6 =	sadd.s32 @!p0 $0x88, s6;
	s7 =	simm.s32 @p2 $0x1082  }
0x22: {  	[simem:s7], [sflag:s8] =	dma.local @!p0 [hbm:s6], $0xF7A  }
0x23: {  	s9 =	sor.u32 $0xD0000000, s2;
	s6 =	simm.s32 $0x108;
	_ =	swait.ge @!p0 [sflag:s8], $0x0  }
0x24: {  	s3 =	sadd.s32 $0x88, s3;
	s6 =	simm.s32 @!p1 $0x1082;
	[sflag:s4] =	ssyncset.s32 $0xFFFFF086  }
0x25: {  	[simem:s6], [sflag:s4] =	dma.local [hbm:s3], $0xF7A  }
0x26: {  	[smem:$0x3F9F] =	sst s1;
	(tag) =	ssettag s2;
	_ =	strace s9  }
0x27: {  	s1 =	sld [smem:$0x3FAF]  }
0x28: {  	s2 =	sld [smem:$0x3FB0]  }
0x29: {  	s4 =	sld [smem:$0x3FB2]  }
0x2a: {  	p0 =	seq.s32 s5, $0x0;
	s5 =	sld [smem:$0x3FB3]  }
0x2b: {  	s6 =	sld [smem:$0x3FB4]  }
0x2c: {  	s7 =	sld [smem:$0x3FB5]  }
0x2d: {  	s3 =	simm.s32 $0x108;
	s8 =	sld [smem:$0x3FB6]  }
0x2e: {  	s3 =	simm.s32 @!p0 $0x1082;
	s9 =	sld [smem:$0x3FB7]  }
0x2f: {  	lr =	sadd.s32 s0, s3;
	s0 =	sld [smem:$0x3FAE]  }
0x30: {  	s3 =	sld [smem:$0x3FB1]  }
0x31: {  	[smem:$0x3FBA] =	sst s10  }
0x32: {  	s10 =	sld [smem:$0x3FB8];
	_ =	sdelay $0x3  }
0x33: {  	p0 =	seq.s32 s10, $0x1;
	s10 =	sld [smem:$0x3FBA];
	_ =	sdelay $0x3  }
0x34: {  	[smem:$0x3FBA] =	sst s10  }
0x35: {  	s10 =	sld [smem:$0x3FB9];
	_ =	sdelay $0x3  }
0x36: {  	p1 =	seq.s32 s10, $0x1;
	s10 =	sld [smem:$0x3FBA];
	_ =	sdelay $0x3  }
0x37: {  	[smem:$0x3FBA] =	sst s10  }
0x38: {  	s10 =	sld [smem:$0x3FBB]  }
0x39: {  	_ = 	snop;
	(pc) =	sbr.ind lr, $3  }
0x3a: {  	_ = 	snop  }
0x3b: {  	_ = 	snop  }
0x3c: {  	p2 =	seq.s32 s10, $0x1;
	s10 =	sld [smem:$0x3FBA]  }
0x3d: {  	_ =	shalt  }
0x3e: {  	_ =	shalt  }
0x3f: {  	_ =	shalt  }
0x40: {  	_ =	shalt  }
0x41: {  	_ =	shalt  }
0x42: {  	_ =	shalt  }
0x43: {  	_ =	shalt  }
0x44: {  	_ =	shalt  }
0x45: {  	_ =	shalt  }
0x46: {  	_ =	shalt  }
0x47: {  	_ =	shalt  }
0x48: {  	_ =	shalt  }
0x49: {  	_ =	shalt  }
0x4a: {  	_ =	shalt  }
0x4b: {  	_ =	shalt  }
0x4c: {  	_ =	shalt  }
0x4d: {  	_ =	shalt  }
0x4e: {  	_ =	shalt  }
0x4f: {  	_ =	shalt  }
0x50: {  	_ =	shalt  }
0x51: {  	_ =	shalt  }
0x52: {  	_ =	shalt  }
0x53: {  	_ =	shalt  }
0x54: {  	_ =	shalt  }
0x55: {  	_ =	shalt  }
0x56: {  	_ =	shalt  }
0x57: {  	_ =	shalt  }
0x58: {  	_ =	shalt  }
0x59: {  	_ =	shalt  }
0x5a: {  	_ =	shalt  }
0x5b: {  	_ =	shalt  }
0x5c: {  	_ =	shalt  }
0x5d: {  	_ =	shalt  }
0x5e: {  	_ =	shalt  }
0x5f: {  	_ =	shalt  }
0x60: {  	_ =	shalt  }
0x61: {  	_ =	shalt  }
0x62: {  	_ =	shalt  }
0x63: {  	_ =	shalt  }
0x64: {  	_ =	shalt  }
0x65: {  	_ =	shalt  }
0x66: {  	_ =	shalt  }
0x67: {  	_ =	shalt  }
0x68: {  	_ =	shalt  }
0x69: {  	_ =	shalt  }
0x6a: {  	_ =	shalt  }
0x6b: {  	_ =	shalt  }
0x6c: {  	_ =	shalt  }
0x6d: {  	_ =	shalt  }
0x6e: {  	_ =	shalt  }
0x6f: {  	_ =	shalt  }
0x70: {  	_ =	shalt  }
0x71: {  	_ =	shalt  }
0x72: {  	_ =	shalt  }
0x73: {  	_ =	shalt  }
0x74: {  	_ =	shalt  }
0x75: {  	_ =	shalt  }
0x76: {  	_ =	shalt  }
0x77: {  	_ =	shalt  }
0x78: {  	_ =	shalt  }
0x79: {  	_ =	shalt  }
0x7a: {  	_ =	shalt  }
0x7b: {  	_ =	shalt  }
0x7c: {  	_ =	shalt  }
0x7d: {  	_ =	shalt  }
0x7e: {  	_ =	shalt  }
0x7f: {  	_ =	shalt  }
0x80: {  	_ =	shalt  }
0x81: {  	_ =	shalt  }
0x82: {  	_ =	shalt  }
0x83: {  	_ =	shalt  }
0x84: {  	_ =	shalt  }
0x85: {  	_ =	shalt  }
0x86: {  	_ =	shalt  }
0x87: {  	_ =	shalt  }
.Lfunc_end0:
.L_simem_size_0:
called_computation_lowered:
.L_overlay_start_0:
0x88: {  	s2 =	sld [smem:$0x3FD9]  }
0x89: {  	s3 =	sld [smem:$0x3FFE];
	_ =	sdelay $0x1  }
0x8a: {  	s1 =	srdreg.scid  }
0x8b: {  	s0 =	sand.u32 $0x1, s1  }
0x8c: {  	s18 =	sshll.u32 s0, $0xA;
	s2 =	sadd.s32 s3, s2  }
0x8d: {  	s2 =	sadd.s32 s2, s18  }
0x8e: {  	[smem:$0x3FC6] =	sst s2  }
0x8f: {  	_ = 	snop  }
0x90: {  	s2 =	sld [smem:$0x3FC9]  }
0x91: {  	s19 =	sld [smem:$0x3FC8]  }
0x92: {  	s4 =	sld [smem:$0x3FD0];
	(tm) =	ssettm $0x1  }
0x93: {  	s5 =	sld [smem:$0x3FFB];
	_ =	sdelay $0x3  }
0x94: {  	_ =	strace s5  }
0x95: {  	s5 =	sld [smem:$0x3FFC];
	_ =	sdelay $0x3  }
0x96: {  	_ =	strace s5  }
0x97: {  	s5 =	sld [smem:$0x3FFD];
	_ =	sdelay $0x3  }
0x98: {  	_ =	strace s5  }
0x99: {  	_ =	strace $0x8FFFFFFF  }
0x9a: {  	s20 =	sld [smem:$0x3FDB];
	_ =	sdelay $0x1  }
0x9b: {  	s6 =	simm.s32 $_scs_section_size  }
0x9c: {  	s7 =	simm.s32 $_size__tile_overlayer_lowered;
	s8 =	simm.s32 $_tile_overlayer_lowered  }
0x9d: {  	s23 =	simm.s32 $0x1BFF;
	s22 =	sshll.u32 s8, $0x1;
	s5 =	sadd.s32 s6, s20  }
0x9e: {  	s9 =	simm.s32 $0x0;
	s21 =	sshll.u32 s7, $0x1;
	s7 =	sadd.s32 s22, s5  }
0x9f: {  	[timem:s9], [sflag:s23] =	dma.local [hbm:s7], s21  }
0xa0: {  	_ =	swait.ge [sflag:s23], s21  }
0xa1: {  	s6 =	ssub.s32 $0x0, s21;
	[sflag:s23] =	ssyncset.done $0x0  }
0xa2: {  	[sflag:s23] =	ssyncadd.s32 s6;
	_ =	sdelay $0x1  }
0xa3: {  	s24 =	simm.s32 $0x1B8B  }
0xa4: {  	_ =	swait.ge [sflag:s24], $0x1  }
0xa5: {  	[sflag:s24] =	ssyncset.done $0x0  }
0xa6: {  	s25 =	simm.s32 $0x1B8E;
	[sflag:s24] =	ssyncadd.s32 $0xFFFFFFFF  }
0xa7: {  	s26 =	simm.s32 $execute0_lowered;
	[smem:$0x3FD2] =	sst s25  }
0xa8: {  	s6 =	sshll.u32 s26, $0x1;
	_ =	strace $0x80000046;
	[dreg:$0x1] =	wrdreg $0xFFFFFFFF  }
0xa9: {  	s28 =	simm.s32 $_size_execute0_lowered;
	s5 =	sadd.s32 s5, s6;
	[dreg:$0x0] =	wrdreg $0x0  }
0xaa: {  	s6 =	sshll.u32 s28, $0x1;
	[dreg:$0x2] =	wrdreg s5  }
0xab: {  	[dreg:$0x3] =	wrdreg s6  }
0xac: {  	[dreg:$0x4] =	wrdreg $0xC0  }
0xad: {  	_ =	task [dreg:s9], $0x5FFFF  }
0xae: {  	[dreg:$0x1] =	wrdreg $0xFFFFFFFF  }
0xaf: {  	[dreg:$0x0] =	wrdreg $0x60  }
0xb0: {  	[dreg:$0x2] =	wrdreg s2  }
0xb1: {  	[dreg:$0x3] =	wrdreg s19  }
0xb2: {  	[dreg:$0x4] =	wrdreg s4  }
0xb3: {  	[dreg:$0x5] =	wrdreg $0x9  }
0xb4: {  	_ =	task.clear_ibuf [dreg:s9], $0x6FFFF;
	_ =	strace $0x90000046  }
0xb5: {  	s29 =	simm.s32 $0x9;
	_ =	strace $0x80000048  }
0xb6: {  	_ =	swait.ge [sflag:s29], $0x1  }
0xb7: {  	[sflag:s29] =	ssyncadd.s32 $0xFFFFFFFF  }
0xb8: {  	_ =	strace $0x90000048  }
0xb9: {  	_ =	sfence  }
0xba: {  	s30 =	sld [smem:$0x0];
	_ =	sdelay $0x2  }
0xbb: {  	s31 =	sshll.u32 s1, $0xD;
	s1 =	sshrl.u32 s1, $0x2  }
0xbc: {  	s3 =	sand.u32 $0x4000, s31;
	s1 =	sadd.s32 s1, s30  }
0xbd: {  	s0 =	sor.u32 s3, s0;
	s1 =	sshll.u32 s1, $0x11  }
0xbe: {  	s0 =	sor.u32 s1, s0  }
0xbf: {  	s0 =	sadd.s32 $0x8F2B, s0  }
0xc0: {  	[sflag:s0] =	ssyncadd.remote.s32 $0x1  }
0xc1: {  	_ =	sfence.sel $0xFFFF  }
0xc2: {  	[dreg:$0x0] =	wrdreg $0xFFFFFFFF;
	(pc) =	sbr.abs _section_cstart, $3  }
0xc3: {  	[dreg:$0x1] =	wrdreg $0xFFFFFFFF  }
0xc4: {  	_ =	task.clear_ibuf [dreg:s9], $0x2FFFF;
	_ =	strace $0x9FFFFFFF  }
0xc5: {  	(tm) =	ssettm $0x7FFFFFFF  }
tec
execute0_lowered:
.L_overlay_start_1:
0x0: {  	(tag) =	ssettag $0x1  }
0x1: {  	s0 =	rddreg [dreg:$0x0]  }
0x2: {  	s16 =	rddreg [dreg:$0x1];
	s3 =	simm.s32 $0x0;
	v25 =	vlaneseq.u32  }
0x3: {  	[smem:$0x7FF] =	sst s3;
	v0 =	vor.u32 $0x1F0, v25  }
0x4: {  	s1 =	rddreg [dreg:$0x2];
	v26 =	vor.u32 $0x10, v25;
	_ =	strace $0x80000047;
	[tilespmem:$0x1FE10] =	vst v0  }
0x5: {  	v27 =	vor.u32 $0x20, v25;
	[tilespmem:$0x1FE20] =	vst v26  }
0x6: {  	v28 =	vor.u32 $0x30, v25;
	[tilespmem:$0x1FE30] =	vst v27  }
0x7: {  	v29 =	vor.u32 $0x40, v25;
	[tilespmem:$0x1FE40] =	vst v28  }
0x8: {  	v30 =	vor.u32 $0x50, v25;
	[tilespmem:$0x1FE50] =	vst v29  }
0x9: {  	v31 =	vor.u32 $0x60, v25;
	[tilespmem:$0x1FE60] =	vst v30  }
0xa: {  	v37 =	vor.u32 $0x70, v25;
	[tilespmem:$0x1FE70] =	vst v31  }
0xb: {  	v41 =	vor.u32 $0x80, v25;
	[tilespmem:$0x1FE80] =	vst v37  }
0xc: {  	v42 =	vor.u32 $0x90, v25;
	[tilespmem:$0x1FE90] =	vst v41  }
0xd: {  	v43 =	vor.u32 $0xA0, v25;
	[tilespmem:$0x1FEA0] =	vst v42  }
0xe: {  	v44 =	vor.u32 $0xB0, v25;
	[tilespmem:$0x1FEB0] =	vst v43  }
0xf: {  	s2 =	srdreg.scid;
	s10 =	stileid.u32;
	s30 =	simm.s32 $0x9;
	v45 =	vor.u32 $0xC0, v25;
	[tilespmem:$0x1FEC0] =	vst v44  }
0x10: {  	s31 =	simm.s32 $0xA200;
	s2 =	sand.u32 $0x1, s2;
	s5 =	sshll.u32 s10, $0x10;
	v46 =	vor.u32 $0xD0, v25;
	[tilespmem:$0x1FED0] =	vst v45  }
0x11: {  	s23 =	sshll.u32 s10, $0x13;
	v47 =	vor.u32 $0xE0, v25;
	s6 =	sshll.u32 s2, $0xF;
	s7 =	ssub.s32 $0x2, s2;
	[tilespmem:$0x1FEE0] =	vst v46  }
0x12: {  	v48 =	vor.u32 $0xF0, v25;
	s2 =	sshll.u32 s2, $0x12;
	s24 =	sadd.s32 s5, s0;
	[tilespmem:$0x1FEF0] =	vst v47;
	s8 =	sor.u32 s6, s5  }
0x13: {  	v49 =	vor.u32 $0x100, v25;
	[tilespmem:$0x1FF00] =	vst v48;
	s9 =	sshrl.u32 s7, $0x1;
	s5 =	sadd.s32 s5, s1;
	s2 =	sor.u32 s2, s23  }
0x14: {  	v50 =	vor.u32 $0x110, v25;
	[tilespmem:$0x1FF10] =	vst v49;
	s14 =	sadd.s32 s6, s24;
	s24 =	simm.s32 $0x1;
	s4 =	sadd.s32 s0, s8  }
0x15: {  	v51 =	vor.u32 $0x120, v25;
	[tilespmem:$0x1FF20] =	vst v50;
	s7 =	ssub.s32 s7, s9;
	s12 =	sadd.s32 s1, s8;
	s23 =	sadd.s32 s6, s5  }
0x16: {  	v52 =	vor.u32 $0x130, v25;
	[tilespmem:$0x1FF30] =	vst v51;
	s25 =	sor.u32 $0xE000, s2;
	s26 =	sshrl.u32 s2, $0x3;
	s2 =	sor.u32 $0xC000, s2  }
0x17: {  	v53 =	vor.u32 $0x140, v25;
	[tilespmem:$0x1FF40] =	vst v52;
	s8 =	simm.s32 $0x7;
	s17 =	sadd.s32 $0x400, s4;
	[dreg:$0xc] =	wrdreg s23  }
0x18: {  	v54 =	vor.u32 $0x150, v25;
	[tilespmem:$0x1FF50] =	vst v53;
	s9 =	simm.s32 $0x8;
	s18 =	sadd.s32 $0xC00, s4;
	[dreg:$0x4] =	wrdreg s17  }
0x19: {  	v55 =	vor.u32 $0x160, v25;
	[tilespmem:$0x1FF60] =	vst v54;
	s19 =	sadd.s32 $0x1000, s4;
	s20 =	sadd.s32 $0x1400, s4;
	[dreg:$0x6] =	wrdreg s18  }
0x1a: {  	v56 =	vor.u32 $0x170, v25;
	[tilespmem:$0x1FF70] =	vst v55;
	s21 =	sadd.s32 $0x1800, s4;
	s22 =	sadd.s32 $0x1C00, s4;
	[dreg:$0x7] =	wrdreg s19  }
0x1b: {  	v57 =	vor.u32 $0x180, v25;
	[tilespmem:$0x1FF80] =	vst v56;
	s5 =	sshrl.u32 s25, $0x3;
	s28 =	sadd.s32 s26, s1;
	[dreg:$0x8] =	wrdreg s20  }
0x1c: {  	v58 =	vor.u32 $0x190, v25;
	[tilespmem:$0x1FF90] =	vst v57;
	s2 =	sshrl.u32 s2, $0x3;
	s25 =	simm.s32 $0x3;
	[dreg:$0x9] =	wrdreg s21  }
0x1d: {  	v59 =	vor.u32 $0x1A0, v25;
	[tilespmem:$0x1FFA0] =	vst v58;
	s26 =	simm.s32 $0x4;
	s17 =	sadd.s32 $0x800, s4;
	[dreg:$0xa] =	wrdreg s22  }
.Ltmp0:
0x1e: {  	v60 =	vor.u32 $0x1B0, v25;
	[tilespmem:$0x1FFB0] =	vst v59;
	s21 =	smax.u32 s7, $0x1;
	s29 =	sadd.s32 s5, s0;
	(pc) =	sbr.rel .LBB2_1-.Ltmp0, $4  }
0x1f: {  	v61 =	vor.u32 $0x1C0, v25;
	[tilespmem:$0x1FFC0] =	vst v60;
	s18 =	sadd.s32 s5, s1;
	s19 =	sadd.s32 s2, s1;
	[dreg:$0xd] =	wrdreg s28  }
0x20: {  	v62 =	vor.u32 $0x1D0, v25;
	[tilespmem:$0x1FFD0] =	vst v61;
	s20 =	sadd.s32 s2, s0;
	s22 =	simm.s32 $0x200;
	[dreg:$0x5] =	wrdreg s17  }
0x21: {  	v63 =	vor.u32 $0x1E0, v25;
	[tilespmem:$0x1FFE0] =	vst v62;
	s2 =	simm.s32 $0x2;
	s5 =	simm.s32 $0x5;
	[dreg:$0xb] =	wrdreg s21  }
0x22: {  	[tilespmem:$0x1FFF0] =	vst v63;
	s7 =	simm.s32 $0x6;
	s0 =	simm.s32 $0x0;
	[dreg:$0xe] =	wrdreg s29  }
.LBB2_5:
0x23: {  	_ =	swait.ge [sflag:s24], $0x2000  }
0x24: {  	[sflag:s24] =	ssyncset.done $0x0  }
0x25: {  	[sflag:s24] =	ssyncadd.s32 $0xFFFFE000  }
0x26: {  	_ =	swait.ge [sflag:s2], $0x2000  }
0x27: {  	[sflag:s2] =	ssyncset.done $0x0  }
0x28: {  	[sflag:s2] =	ssyncadd.s32 $0xFFFFE000  }
0x29: {  	_ =	swait.ge [sflag:s25], $0x2000  }
0x2a: {  	[sflag:s25] =	ssyncset.done $0x0  }
0x2b: {  	[sflag:s25] =	ssyncadd.s32 $0xFFFFE000  }
0x2c: {  	_ =	swait.ge [sflag:s26], $0x2000  }
0x2d: {  	[sflag:s26] =	ssyncset.done $0x0  }
0x2e: {  	[sflag:s26] =	ssyncadd.s32 $0xFFFFE000  }
0x2f: {  	_ =	swait.ge [sflag:s5], $0x2000  }
0x30: {  	[sflag:s5] =	ssyncset.done $0x0  }
0x31: {  	[sflag:s5] =	ssyncadd.s32 $0xFFFFE000  }
0x32: {  	_ =	swait.ge [sflag:s7], $0x2000  }
0x33: {  	[sflag:s7] =	ssyncset.done $0x0  }
0x34: {  	[sflag:s7] =	ssyncadd.s32 $0xFFFFE000  }
0x35: {  	_ =	swait.ge [sflag:s8], $0x2000  }
0x36: {  	[sflag:s8] =	ssyncset.done $0x0  }
0x37: {  	[sflag:s8] =	ssyncadd.s32 $0xFFFFE000  }
0x38: {  	_ =	swait.ge [sflag:s9], $0x2000  }
0x39: {  	[sflag:s9] =	ssyncset.done $0x0  }
0x3a: {  	s0 =	rddreg [dreg:$0xf];
	[sflag:s9] =	ssyncadd.s32 $0xFFFFE000  }
.LBB2_11:
0x3b: {  	s0 =	sadd.s32 $0x1, s0  }
0x3c: {  	p0 =	sne.s32 s0, s21  }
.Ltmp1:
0x3d: {  	_ = 	snop;
	(pc) =	sbr.rel @!p0 .LBB2_12-.Ltmp1, $1  }
0x3e: {  	_ =	sdelay $0x3  }
.LBB2_1:
0x3f: {  	[dreg:$0xf] =	wrdreg s0  }
0x40: {  	[tilespmem:s3], [sflag:$0x9] =	stream.linear.gather [hbm4b:s16+s3], $0x200, $0x38;
	[tilespmem:$0x10200] =	vst v63  }
0x41: {  	_ =	swait.ge [sflag:s30], $0x200  }
0x42: {  	[sflag:s30] =	ssyncset.done $0x0  }
0x43: {  	v24 =	vld [tilespmem:$0x1FE10];
	[sflag:s30] =	ssyncadd.s32 $0xFFFFFE00  }
0x44: {  	v34 =	vld [tilespmem:$0x0]  }
0x45: {  	v33 =	vld [tilespmem:$0x10]  }
0x46: {  	v36 =	vld [tilespmem:$0x20]  }
0x47: {  	v35 =	vld [tilespmem:$0x30]  }
0x48: {  	v23 =	vld [tilespmem:$0x40]  }
0x49: {  	v40 =	vld [tilespmem:$0x50]  }
0x4a: {  	v38 =	vld [tilespmem:$0x60];
	vm0 =	veq.s32 v34, v25;
	vm1 =	veq.s32 v33, v26  }
0x4b: {  	v39 =	vld [tilespmem:$0x70];
	vm10 =	veq.s32 v36, v27;
	vm0 =	vmand vm0, vm1  }
0x4c: {  	v22 =	vld [tilespmem:$0x80];
	vm11 =	veq.s32 v35, v28;
	vm0 =	vmand vm0, vm10  }
0x4d: {  	v32 =	vld [tilespmem:$0x90];
	vm12 =	veq.s32 v23, v29;
	vm0 =	vmand vm0, vm11  }
0x4e: {  	v21 =	vld [tilespmem:$0xA0];
	vm13 =	veq.s32 v40, v30;
	vm0 =	vmand vm0, vm12  }
0x4f: {  	v18 =	vld [tilespmem:$0xB0];
	vm14 =	veq.s32 v38, v31;
	vm0 =	vmand vm0, vm13  }
0x50: {  	v19 =	vld [tilespmem:$0xC0];
	vm15 =	veq.s32 v39, v37;
	vm0 =	vmand vm0, vm14  }
0x51: {  	v20 =	vld [tilespmem:$0xD0];
	vm4 =	veq.s32 v22, v41;
	vm0 =	vmand vm0, vm15  }
0x52: {  	v16 =	vld [tilespmem:$0xE0];
	vm5 =	veq.s32 v32, v42;
	vm0 =	vmand vm0, vm4  }
0x53: {  	v17 =	vld [tilespmem:$0xF0];
	vm6 =	veq.s32 v21, v43;
	vm0 =	vmand vm0, vm5  }
0x54: {  	v15 =	vld [tilespmem:$0x100];
	vm7 =	veq.s32 v18, v44;
	vm0 =	vmand vm0, vm6  }
0x55: {  	v12 =	vld [tilespmem:$0x110];
	vm8 =	veq.s32 v19, v45;
	vm0 =	vmand vm0, vm7  }
0x56: {  	v13 =	vld [tilespmem:$0x120];
	vm9 =	veq.s32 v20, v46;
	vm0 =	vmand vm0, vm8  }
0x57: {  	v14 =	vld [tilespmem:$0x130];
	vm10 =	veq.s32 v16, v47;
	vm0 =	vmand vm0, vm9  }
0x58: {  	v10 =	vld [tilespmem:$0x140];
	vm11 =	veq.s32 v17, v48;
	vm0 =	vmand vm0, vm10  }
0x59: {  	v11 =	vld [tilespmem:$0x150];
	vm12 =	veq.s32 v15, v49;
	vm0 =	vmand vm0, vm11  }
0x5a: {  	v9 =	vld [tilespmem:$0x160];
	vm13 =	veq.s32 v12, v50;
	vm0 =	vmand vm0, vm12  }
0x5b: {  	v6 =	vld [tilespmem:$0x170];
	vm14 =	veq.s32 v13, v51;
	vm0 =	vmand vm0, vm13  }
0x5c: {  	v7 =	vld [tilespmem:$0x180];
	vm15 =	veq.s32 v14, v52;
	vm0 =	vmand vm0, vm14  }
0x5d: {  	v8 =	vld [tilespmem:$0x190];
	vm4 =	veq.s32 v10, v53;
	vm0 =	vmand vm0, vm15  }
0x5e: {  	v4 =	vld [tilespmem:$0x1A0];
	vm5 =	veq.s32 v11, v54;
	vm0 =	vmand vm0, vm4  }
0x5f: {  	v5 =	vld [tilespmem:$0x1B0];
	vm6 =	veq.s32 v9, v55;
	vm0 =	vmand vm0, vm5  }
0x60: {  	v3 =	vld [tilespmem:$0x1C0];
	vm7 =	veq.s32 v6, v56;
	vm0 =	vmand vm0, vm6  }
0x61: {  	v2 =	vld [tilespmem:$0x1D0];
	vm8 =	veq.s32 v7, v57;
	vm0 =	vmand vm0, vm7  }
0x62: {  	v0 =	vld [tilespmem:$0x1E0];
	vm9 =	veq.s32 v8, v58;
	vm0 =	vmand vm0, vm8  }
0x63: {  	v1 =	vld [tilespmem:$0x1F0];
	vm10 =	veq.s32 v4, v59;
	vm0 =	vmand vm0, vm9  }
0x64: {  	vm11 =	veq.s32 v5, v60;
	vm0 =	vmand vm0, vm10  }
0x65: {  	vm12 =	veq.s32 v3, v61;
	vm0 =	vmand vm0, vm11  }
0x66: {  	vm13 =	veq.s32 v2, v62;
	vm0 =	vmand vm0, vm12  }
0x67: {  	vm14 =	veq.s32 v0, v63;
	vm0 =	vmand vm0, vm13  }
0x68: {  	vm15 =	veq.s32 v1, v24;
	vm0 =	vmand vm0, vm14  }
0x69: {  	v24 =	vimm.f32 $0.0e+00;
	vm0 =	vmand vm0, vm15  }
0x6a: {  	v24 =	vsel vm0, $0x3F800000, v24  }
0x6b: {  	(xrf0) =	vmin.scan.msk.f32 $0xffff, v24;
	_ =	sdelay $0x5  }
0x6c: {  	v24, _, _ =	vpop (xrf0)  }
0x6d: {  	(v2sf) =	vpush v24, $0xF;
	_ =	sdelay $0xe  }
0x6e: {  	s15 =	spop (v2sf)  }
0x6f: {  	p0 =	sgt.f32 s15, $0.0e+00  }
.Ltmp2:
0x70: {  	_ = 	snop;
	(pc) =	sbr.rel @p0 .LBB2_2-.Ltmp2, $1  }
0x71: {  	_ =	sdelay $0x3  }
0x72: {  	v24 =	vand.u32 $0x7F, v34;
	v25 =	vshll.u32 v34, $0x3  }
0x73: {  	v46 =	vshll.u32 v33, $0x3;
	v37 =	vand.u32 $0x7F, v33;
	v47 =	vand.u32 $0x7F, v36  }
0x74: {  	v48 =	vshll.u32 v36, $0x3;
	v49 =	vshll.u32 v35, $0x3;
	v50 =	vand.u32 $0x7F, v35  }
0x75: {  	v51 =	vshll.u32 v23, $0x3;
	v52 =	vand.u32 $0x7F, v23;
	v53 =	vshll.u32 v40, $0x3  }
0x76: {  	v54 =	vand.u32 $0x7F, v40;
	v56 =	vand.u32 $0x7F, v38;
	v57 =	vshll.u32 v38, $0x3  }
0x77: {  	v58 =	vshll.u32 v39, $0x3;
	v42 =	vand.u32 $0x7F, v39;
	v59 =	vand.u32 $0x7F, v22  }
0x78: {  	v60 =	vshll.u32 v22, $0x3;
	v61 =	vshll.u32 v32, $0x3;
	v62 =	vand.u32 $0x7F, v32  }
0x79: {  	v63 =	vshll.u32 v21, $0x3;
	v26 =	vand.u32 $0x7F, v18;
	v28 =	vand.u32 $0x7F, v19  }
0x7a: {  	v29 =	vshll.u32 v19, $0x3;
	v30 =	vshll.u32 v20, $0x3;
	v31 =	vand.u32 $0x7F, v20  }
0x7b: {  	v32 =	vand.u32 $0x7F, v16;
	v20 =	vand.u32 $0x7F, v4;
	v25 =	vand.u32 $0xFFFFFC00, v25  }
0x7c: {  	v34 =	vand.u32 $0xFFFFFC00, v46;
	v36 =	vand.u32 $0xFFFFFC00, v49;
	v55 =	vand.u32 $0xFFFFFC00, v53  }
0x7d: {  	v41 =	vand.u32 $0xFFFFFC00, v57;
	v40 =	vand.u32 $0xFFFFFC00, v58;
	v22 =	vand.u32 $0xFFFFFC00, v60  }
0x7e: {  	v19 =	vand.u32 $0xFFFFFC00, v29;
	v23 =	vand.u32 $0xFFFFFC00, v30;
	v49 =	vand.u32 $0x7F, v17  }
0x7f: {  	v53 =	vand.u32 $0x7F, v12;
	v57 =	vshll.u32 v14, $0x3;
	v58 =	vand.u32 $0x7F, v14  }
0x80: {  	v60 =	vshll.u32 v10, $0x3;
	v14 =	vand.u32 $0x7F, v6;
	v29 =	vand.u32 $0x7F, v0  }
0x81: {  	v30 =	vshll.u32 v0, $0x3;
	v33 =	vor.u32 v24, v25;
	v34 =	vor.u32 v37, v34  }
0x82: {  	v25 =	vand.u32 $0xFFFFFC00, v48;
	v36 =	vor.u32 v50, v36;
	v24 =	vand.u32 $0xFFFFFC00, v51  }
0x83: {  	v38 =	vor.u32 v54, v55;
	v39 =	vor.u32 v56, v41;
	v40 =	vor.u32 v42, v40  }
0x84: {  	v41 =	vor.u32 v59, v22;
	v22 =	vand.u32 $0xFFFFFC00, v63;
	v45 =	vor.u32 v28, v19  }
0x85: {  	v46 =	vor.u32 v31, v23;
	v48 =	vshll.u32 v17, $0x3;
	v50 =	vshll.u32 v15, $0x3  }
0x86: {  	v51 =	vand.u32 $0x7F, v15;
	v55 =	vand.u32 $0x7F, v13;
	v56 =	vshll.u32 v13, $0x3  }
0x87: {  	v17 =	vand.u32 $0xFFFFFC00, v57;
	v59 =	vand.u32 $0x7F, v10;
	v10 =	vand.u32 $0xFFFFFC00, v60  }
0x88: {  	v63 =	vshll.u32 v9, $0x3;
	v23 =	vand.u32 $0x7F, v5;
	v31 =	vshll.u32 v1, $0x3  }
0x89: {  	v0 =	vand.u32 $0xFFFFFC00, v30;
	v35 =	vor.u32 v47, v25;
	v37 =	vor.u32 v52, v24  }
0x8a: {  	v24 =	vand.u32 $0xFFFFFC00, v61;
	v25 =	vshll.u32 v18, $0x3;
	v47 =	vshll.u32 v16, $0x3  }
0x8b: {  	v19 =	vand.u32 $0xFFFFFC00, v48;
	v52 =	vshll.u32 v12, $0x3;
	v13 =	vand.u32 $0xFFFFFC00, v56  }
0x8c: {  	v61 =	vshll.u32 v11, $0x3;
	v12 =	vand.u32 $0x7F, v9;
	v18 =	vshll.u32 v8, $0x3  }
0x8d: {  	v42 =	vor.u32 v62, v24;
	v24 =	vand.u32 $0x7F, v21;
	v27 =	vand.u32 $0xFFFFFC00, v25  }
0x8e: {  	v16 =	vand.u32 $0xFFFFFC00, v47;
	v48 =	vor.u32 v49, v19;
	v54 =	vand.u32 $0xFFFFFC00, v52  }
0x8f: {  	v52 =	vor.u32 v58, v17;
	v62 =	vand.u32 $0x7F, v11;
	v17 =	vshll.u32 v7, $0x3  }
0x90: {  	v19 =	vand.u32 $0x7F, v8;
	v11 =	vand.u32 $0xFFFFFC00, v18;
	v21 =	vshll.u32 v4, $0x3  }
0x91: {  	v25 =	vand.u32 $0x7F, v3;
	v43 =	vor.u32 v24, v22;
	v44 =	vor.u32 v26, v27  }
0x92: {  	v47 =	vor.u32 v32, v16;
	v16 =	vand.u32 $0xFFFFFC00, v50;
	v50 =	vor.u32 v53, v54  }
0x93: {  	v53 =	vor.u32 v59, v10;
	v10 =	vand.u32 $0xFFFFFC00, v63;
	v58 =	vor.u32 v19, v11  }
0x94: {  	v22 =	vshll.u32 v5, $0x3;
	v4 =	vand.u32 $0xFFFFFC00, v21;
	v24 =	vshll.u32 v3, $0x3  }
0x95: {  	v26 =	vshll.u32 v2, $0x3;
	v27 =	vand.u32 $0x7F, v2;
	v32 =	vand.u32 $0x7F, v1  }
0x96: {  	v5 =	vand.u32 $0xFFFFFC00, v31;
	v63 =	vor.u32 v29, v0;
	v49 =	vor.u32 v51, v16  }
0x97: {  	v51 =	vor.u32 v55, v13;
	v13 =	vand.u32 $0xFFFFFC00, v61;
	v55 =	vor.u32 v12, v10  }
0x98: {  	v16 =	vand.u32 $0x7F, v7;
	v7 =	vand.u32 $0xFFFFFC00, v17;
	v59 =	vor.u32 v20, v4  }
0x99: {  	s1 =	simm.s32 $0x0;
	v4 =	vand.u32 $0xFFFFFC00, v24;
	v28 =	vand.u32 $0xFFFFFC00, v26;
	v32 =	vor.u32 v32, v5  }
0x9a: {  	[tilespmem:s22], [sflag:$0x1] =	stream.linear.gather [hbm4b:s4+s1], $0x4000, $0x38;
	v54 =	vor.u32 v62, v13;
	v13 =	vshll.u32 v6, $0x3;
	v57 =	vor.u32 v16, v7;
	[tilespmem:$0x10200] =	vst v63  }
0x9b: {  	s0 =	simm.s32 $0x4200;
	p0 =	por $0x0, $0x0;
	s6 =	simm.s32 $0x0;
	v7 =	vand.u32 $0xFFFFFC00, v22;
	v61 =	vor.u32 v25, v4;
	v15 =	vand.u32 $0xFFFFFC00, v13  }
0x9c: {  	[tilespmem:s0], [sflag:$0x2] =	stream.linear.gather [hbm4b:s17+s1], $0x4000, $0x38;
	v62 =	vor.u32 v27, v28;
	v60 =	vor.u32 v23, v7;
	v56 =	vor.u32 v14, v15;
	[tilespmem:$0x10200] =	vst v63  }
.LBB2_7:
0x9d: {  	s13 =	sand.u32 $0x1, s6  }
0x9e: {  	p1 =	seq.s32 s13, $0x1  }
0x9f: {  	s1 =	simm.s32 @!p1 $0x1  }
0xa0: {  	s0 =	simm.s32 $0x1;
	p3 =	slt.u32 s6, $0x2;
	_ =	swait.ge @!p1 [sflag:s1], $0x4000  }
0xa1: {  	s0 =	simm.s32 @!p0 $0x0;
	p2 =	seq.s32 s13, $0x0;
	[sflag:s1] =	ssyncset.done @!p1 $0x0  }
0xa2: {  	s10 =	sshll.u32 s0, $0x5;
	[sflag:s1] =	ssyncadd.s32 @!p1 $0xFFFFC000;
	s1 =	simm.s32 @!p2 $0x2  }
0xa3: {  	p4 =	sne.s32 @!p3 s13, $0x0;
	v0 =	vmov s10;
	_ =	swait.ge @!p2 [sflag:s1], $0x4000  }
0xa4: {  	p4 =	por p4, p3;
	v1 =	vshll.u32 v0, $0x9;
	[sflag:s1] =	ssyncset.done @!p2 $0x0  }
0xa5: {  	v0 =	vshll.u32 v0, $0x7;
	v13 =	vand.u32 $0x7000, v1;
	[sflag:s1] =	ssyncadd.s32 @!p2 $0xFFFFC000;
	s1 =	simm.s32 @!p4 $0x3  }
0xa6: {  	v12 =	vand.u32 $0x380, v0;
	v0 =	vadd.s32 v33, v13;
	p2 =	por !p1, !p1;
	_ =	swait.ge @!p4 [sflag:s1], $0x4000  }
0xa7: {  	v0 =	vor.u32 v12, v0;
	p3 =	por p3, p2;
	[sflag:s1] =	ssyncset.done @!p4 $0x0  }
0xa8: {  	[sflag:s1] =	ssyncadd.s32 @!p4 $0xFFFFC000;
	s1 =	simm.s32 @!p3 $0x4  }
0xa9: {  	_ =	swait.ge @!p3 [sflag:s1], $0x4000  }
0xaa: {  	[sflag:s1] =	ssyncset.done @!p3 $0x0  }
0xab: {  	[sflag:s1] =	ssyncadd.s32 @!p3 $0xFFFFC000  }
0xac: {  	v1 =	vadd.s32 v34, v13;
	v0 =	vld.idx.msk [tilespmem:v0+s22+$0x0], $0xffff  }
0xad: {  	v1 =	vor.u32 v12, v1  }
0xae: {  	s11 =	simm.s32 $0x0;
	s0 =	sshll.u32 s0, $0xE  }
0xaf: {  	s11 =	sand.u32 $0x380, s11;
	s21 =	sand.u32 $0x7000, s0  }
0xb0: {  	s30 =	sor.u32 s11, s21  }
0xb1: {  	[tilespmem:s30+$0x8200] =	vst v0  }
0xb2: {  	v0 =	vld.idx.msk [tilespmem:v1+s22+$0x0], $0xffff;
	v1 =	vadd.s32 v35, v13  }
0xb3: {  	v1 =	vor.u32 v12, v1;
	_ =	sdelay $0x3  }
0xb4: {  	[tilespmem:s30+$0x8210] =	vst v0  }
0xb5: {  	v0 =	vld.idx.msk [tilespmem:v1+s22+$0x0], $0xffff;
	v1 =	vadd.s32 v36, v13  }
0xb6: {  	v1 =	vor.u32 v12, v1;
	_ =	sdelay $0x3  }
0xb7: {  	s23 =	sadd.s32 $0x1, s10;
	[tilespmem:s30+$0x8220] =	vst v0  }
0xb8: {  	v2 =	vadd.s32 v37, v13;
	v0 =	vld.idx.msk [tilespmem:v1+s22+$0x0], $0xffff;
	v1 =	vmov s23  }
0xb9: {  	v2 =	vor.u32 v12, v2;
	v3 =	vshll.u32 v1, $0x9  }
0xba: {  	v1 =	vshll.u32 v1, $0x7;
	v4 =	vand.u32 $0x7000, v3  }
0xbb: {  	v5 =	vand.u32 $0x380, v1;
	v1 =	vadd.s32 v33, v4  }
0xbc: {  	v1 =	vor.u32 v5, v1  }
0xbd: {  	[tilespmem:s30+$0x8230] =	vst v0  }
0xbe: {  	v0 =	vld.idx.msk [tilespmem:v2+s22+$0x0], $0xffff;
	v2 =	vadd.s32 v38, v13  }
0xbf: {  	v2 =	vor.u32 v12, v2;
	_ =	sdelay $0x1  }
0xc0: {  	v3 =	vadd.s32 v34, v4;
	v1 =	vld.idx.msk [tilespmem:v1+s22+$0x0], $0xffff  }
0xc1: {  	v3 =	vor.u32 v5, v3  }
0xc2: {  	s0 =	sadd.s32 $0x200, s0;
	s11 =	simm.s32 $0x80;
	[tilespmem:s30+$0x8240] =	vst v0  }
0xc3: {  	s15 =	sand.u32 $0x7000, s0;
	s10 =	sand.u32 $0x380, s11;
	v0 =	vld.idx.msk [tilespmem:v2+s22+$0x0], $0xffff;
	v2 =	vadd.s32 v39, v13  }
0xc4: {  	s10 =	sor.u32 s10, s15;
	v2 =	vor.u32 v12, v2  }
0xc5: {  	[tilespmem:s10+$0x8200] =	vst v1  }
0xc6: {  	v1 =	vld.idx.msk [tilespmem:v3+s22+$0x0], $0xffff;
	v3 =	vadd.s32 v35, v4  }
0xc7: {  	v3 =	vor.u32 v5, v3  }
0xc8: {  	[tilespmem:s30+$0x8250] =	vst v0  }
0xc9: {  	v0 =	vld.idx.msk [tilespmem:v2+s22+$0x0], $0xffff;
	v2 =	vadd.s32 v40, v13  }
0xca: {  	v2 =	vor.u32 v12, v2  }
0xcb: {  	[tilespmem:s10+$0x8210] =	vst v1  }
0xcc: {  	v1 =	vld.idx.msk [tilespmem:v3+s22+$0x0], $0xffff;
	v3 =	vadd.s32 v36, v4  }
0xcd: {  	v3 =	vor.u32 v5, v3  }
0xce: {  	[tilespmem:s30+$0x8260] =	vst v0  }
0xcf: {  	v0 =	vld.idx.msk [tilespmem:v2+s22+$0x0], $0xffff;
	v2 =	vadd.s32 v41, v13  }
0xd0: {  	v2 =	vor.u32 v12, v2  }
0xd1: {  	[tilespmem:s10+$0x8220] =	vst v1  }
0xd2: {  	s1 =	sadd.s32 $0x1, s23;
	v1 =	vadd.s32 v37, v4;
	v3 =	vld.idx.msk [tilespmem:v3+s22+$0x0], $0xffff  }
0xd3: {  	v6 =	vmov s1;
	v7 =	vor.u32 v5, v1  }
0xd4: {  	[tilespmem:s30+$0x8270] =	vst v0;
	v0 =	vshll.u32 v6, $0x9  }
0xd5: {  	v1 =	vshll.u32 v6, $0x7;
	v6 =	vadd.s32 v42, v13;
	v2 =	vld.idx.msk [tilespmem:v2+s22+$0x0], $0xffff;
	v0 =	vand.u32 $0x7000, v0  }
0xd6: {  	v1 =	vand.u32 $0x380, v1;
	v6 =	vor.u32 v12, v6;
	v8 =	vadd.s32 v33, v0  }
0xd7: {  	v8 =	vor.u32 v1, v8;
	[tilespmem:s10+$0x8230] =	vst v3  }
0xd8: {  	v3 =	vld.idx.msk [tilespmem:v7+s22+$0x0], $0xffff;
	v7 =	vadd.s32 v38, v4  }
0xd9: {  	v7 =	vor.u32 v5, v7  }
0xda: {  	[tilespmem:s30+$0x8600] =	vst v2  }
0xdb: {  	v2 =	vld.idx.msk [tilespmem:v6+s22+$0x0], $0xffff;
	v6 =	vadd.s32 v43, v13  }
0xdc: {  	v9 =	vadd.s32 v34, v0;
	v8 =	vld.idx.msk [tilespmem:v8+s22+$0x0], $0xffff;
	v6 =	vor.u32 v12, v6  }
0xdd: {  	v9 =	vor.u32 v1, v9;
	[tilespmem:s10+$0x8240] =	vst v3  }
0xde: {  	s16 =	simm.s32 $0x100;
	s0 =	sadd.s32 $0x200, s0;
	v3 =	vld.idx.msk [tilespmem:v7+s22+$0x0], $0xffff;
	v7 =	vadd.s32 v39, v4  }
0xdf: {  	s11 =	sand.u32 $0x380, s16;
	s15 =	sand.u32 $0x7000, s0;
	v7 =	vor.u32 v5, v7  }
0xe0: {  	s21 =	sor.u32 s11, s15;
	[tilespmem:s30+$0x8610] =	vst v2  }
0xe1: {  	[tilespmem:s21+$0x8200] =	vst v8;
	v2 =	vld.idx.msk [tilespmem:v6+s22+$0x0], $0xffff;
	v6 =	vadd.s32 v44, v13  }
0xe2: {  	v8 =	vld.idx.msk [tilespmem:v9+s22+$0x0], $0xffff;
	v9 =	vadd.s32 v35, v0;
	v6 =	vor.u32 v12, v6  }
0xe3: {  	v9 =	vor.u32 v1, v9;
	[tilespmem:s10+$0x8250] =	vst v3  }
0xe4: {  	v3 =	vld.idx.msk [tilespmem:v7+s22+$0x0], $0xffff;
	v7 =	vadd.s32 v40, v4  }
0xe5: {  	v7 =	vor.u32 v5, v7  }
0xe6: {  	[tilespmem:s30+$0x8620] =	vst v2  }
0xe7: {  	[tilespmem:s21+$0x8210] =	vst v8;
	v2 =	vld.idx.msk [tilespmem:v6+s22+$0x0], $0xffff;
	v6 =	vadd.s32 v45, v13  }
0xe8: {  	v8 =	vld.idx.msk [tilespmem:v9+s22+$0x0], $0xffff;
	v9 =	vadd.s32 v36, v0;
	v6 =	vor.u32 v12, v6  }
0xe9: {  	v9 =	vor.u32 v1, v9;
	[tilespmem:s10+$0x8260] =	vst v3  }
0xea: {  	v3 =	vld.idx.msk [tilespmem:v7+s22+$0x0], $0xffff;
	v7 =	vadd.s32 v41, v4  }
0xeb: {  	v7 =	vor.u32 v5, v7  }
0xec: {  	[tilespmem:s30+$0x8630] =	vst v2  }
0xed: {  	s1 =	sadd.s32 $0x1, s1;
	v2 =	vadd.s32 v46, v13;
	[tilespmem:s21+$0x8220] =	vst v8;
	v6 =	vld.idx.msk [tilespmem:v6+s22+$0x0], $0xffff  }
0xee: {  	v10 =	vadd.s32 v37, v0;
	v11 =	vor.u32 v12, v2;
	v8 =	vld.idx.msk [tilespmem:v9+s22+$0x0], $0xffff;
	v9 =	vmov s1  }
0xef: {  	v10 =	vor.u32 v1, v10;
	[tilespmem:s10+$0x8270] =	vst v3;
	v2 =	vshll.u32 v9, $0x9  }
0xf0: {  	v3 =	vshll.u32 v9, $0x7;
	v9 =	vadd.s32 v42, v4;
	v7 =	vld.idx.msk [tilespmem:v7+s22+$0x0], $0xffff;
	v2 =	vand.u32 $0x7000, v2  }
0xf1: {  	v3 =	vand.u32 $0x380, v3;
	v9 =	vor.u32 v5, v9;
	v14 =	vadd.s32 v33, v2  }
0xf2: {  	[tilespmem:s30+$0x8640] =	vst v6;
	v6 =	vor.u32 v3, v14  }
0xf3: {  	[tilespmem:s21+$0x8230] =	vst v8;
	v8 =	vld.idx.msk [tilespmem:v11+s22+$0x0], $0xffff;
	v11 =	vadd.s32 v47, v13  }
0xf4: {  	v14 =	vadd.s32 v38, v0;
	v10 =	vld.idx.msk [tilespmem:v10+s22+$0x0], $0xffff;
	v11 =	vor.u32 v12, v11  }
0xf5: {  	v14 =	vor.u32 v1, v14;
	[tilespmem:s10+$0x8600] =	vst v7  }
0xf6: {  	v7 =	vld.idx.msk [tilespmem:v9+s22+$0x0], $0xffff;
	v9 =	vadd.s32 v43, v4  }
0xf7: {  	v15 =	vadd.s32 v34, v2;
	v6 =	vld.idx.msk [tilespmem:v6+s22+$0x0], $0xffff;
	v9 =	vor.u32 v5, v9  }
0xf8: {  	[tilespmem:s30+$0x8650] =	vst v8;
	v8 =	vor.u32 v3, v15  }
0xf9: {  	s17 =	simm.s32 $0x180;
	s0 =	sadd.s32 $0x200, s0;
	[tilespmem:s21+$0x8240] =	vst v10;
	v10 =	vld.idx.msk [tilespmem:v11+s22+$0x0], $0xffff;
	v11 =	vadd.s32 v48, v13  }
0xfa: {  	s11 =	sand.u32 $0x380, s17;
	s23 =	sand.u32 $0x7000, s0;
	v15 =	vadd.s32 v39, v0;
	v14 =	vld.idx.msk [tilespmem:v14+s22+$0x0], $0xffff;
	v11 =	vor.u32 v12, v11  }
0xfb: {  	s28 =	sor.u32 s11, s23;
	v15 =	vor.u32 v1, v15;
	[tilespmem:s10+$0x8610] =	vst v7  }
0xfc: {  	v7 =	vadd.s32 v44, v4;
	[tilespmem:s28+$0x8200] =	vst v6;
	v6 =	vld.idx.msk [tilespmem:v9+s22+$0x0], $0xffff  }
0xfd: {  	v9 =	vadd.s32 v35, v2;
	v7 =	vor.u32 v5, v7;
	v8 =	vld.idx.msk [tilespmem:v8+s22+$0x0], $0xffff  }
0xfe: {  	v9 =	vor.u32 v3, v9;
	[tilespmem:s30+$0x8660] =	vst v10  }
0xff: {  	[tilespmem:s21+$0x8250] =	vst v14;
	v10 =	vld.idx.msk [tilespmem:v11+s22+$0x0], $0xffff;
	v11 =	vadd.s32 v49, v13  }
0x100: {  	v14 =	vld.idx.msk [tilespmem:v15+s22+$0x0], $0xffff;
	v15 =	vadd.s32 v40, v0;
	v11 =	vor.u32 v12, v11  }
0x101: {  	v15 =	vor.u32 v1, v15;
	[tilespmem:s10+$0x8620] =	vst v6  }
0x102: {  	[tilespmem:s28+$0x8210] =	vst v8;
	v6 =	vld.idx.msk [tilespmem:v7+s22+$0x0], $0xffff;
	v7 =	vadd.s32 v45, v4  }
0x103: {  	v8 =	vld.idx.msk [tilespmem:v9+s22+$0x0], $0xffff;
	v9 =	vadd.s32 v36, v2;
	v7 =	vor.u32 v5, v7  }
0x104: {  	[tilespmem:s30+$0x8670] =	vst v10;
	v9 =	vor.u32 v3, v9  }
0x105: {  	[tilespmem:s21+$0x8260] =	vst v14;
	v10 =	vld.idx.msk [tilespmem:v11+s22+$0x0], $0xffff;
	v11 =	vadd.s32 v50, v13  }
0x106: {  	v14 =	vld.idx.msk [tilespmem:v15+s22+$0x0], $0xffff;
	v15 =	vadd.s32 v41, v0;
	v11 =	vor.u32 v12, v11  }
0x107: {  	v15 =	vor.u32 v1, v15;
	[tilespmem:s10+$0x8630] =	vst v6  }
0x108: {  	v6 =	vadd.s32 v46, v4;
	[tilespmem:s28+$0x8220] =	vst v8;
	v8 =	vld.idx.msk [tilespmem:v7+s22+$0x0], $0xffff  }
0x109: {  	s1 =	sadd.s32 $0x1, s1;
	v7 =	vadd.s32 v37, v2;
	v16 =	vor.u32 v5, v6;
	v9 =	vld.idx.msk [tilespmem:v9+s22+$0x0], $0xffff  }
0x10a: {  	v6 =	vmov s1;
	[tilespmem:s30+$0x8A00] =	vst v10;
	v10 =	vor.u32 v3, v7  }
0x10b: {  	v7 =	vshll.u32 v6, $0x7;
	v6 =	vshll.u32 v6, $0x9;
	[tilespmem:s21+$0x8270] =	vst v14;
	v11 =	vld.idx.msk [tilespmem:v11+s22+$0x0], $0xffff;
	v14 =	vadd.s32 v51, v13  }
0x10c: {  	v17 =	vadd.s32 v42, v0;
	v6 =	vand.u32 $0x7000, v6;
	v15 =	vld.idx.msk [tilespmem:v15+s22+$0x0], $0xffff;
	v14 =	vor.u32 v12, v14  }
0x10d: {  	v17 =	vor.u32 v1, v17;
	v7 =	vand.u32 $0x380, v7;
	v18 =	vadd.s32 v33, v6;
	[tilespmem:s10+$0x8640] =	vst v8  }
0x10e: {  	v8 =	vor.u32 v7, v18;
	[tilespmem:s28+$0x8230] =	vst v9;
	v9 =	vld.idx.msk [tilespmem:v16+s22+$0x0], $0xffff;
	v16 =	vadd.s32 v47, v4  }
0x10f: {  	v18 =	vadd.s32 v38, v2;
	v10 =	vld.idx.msk [tilespmem:v10+s22+$0x0], $0xffff;
	v16 =	vor.u32 v5, v16  }
0x110: {  	[tilespmem:s30+$0x8A10] =	vst v11;
	v11 =	vor.u32 v3, v18  }
0x111: {  	[tilespmem:s21+$0x8600] =	vst v15;
	v14 =	vld.idx.msk [tilespmem:v14+s22+$0x0], $0xffff;
	v15 =	vadd.s32 v52, v13  }
0x112: {  	v18 =	vadd.s32 v43, v0;
	v17 =	vld.idx.msk [tilespmem:v17+s22+$0x0], $0xffff;
	v15 =	vor.u32 v12, v15  }
0x113: {  	v19 =	vadd.s32 v34, v6;
	v18 =	vor.u32 v1, v18;
	v8 =	vld.idx.msk [tilespmem:v8+s22+$0x0], $0xffff;
	[tilespmem:s10+$0x8650] =	vst v9  }
0x114: {  	v9 =	vor.u32 v7, v19;
	[tilespmem:s28+$0x8240] =	vst v10;
	v10 =	vld.idx.msk [tilespmem:v16+s22+$0x0], $0xffff;
	v16 =	vadd.s32 v48, v4  }
0x115: {  	s16 =	simm.s32 $0x200;
	s0 =	sadd.s32 $0x200, s0;
	v19 =	vadd.s32 v39, v2;
	v11 =	vld.idx.msk [tilespmem:v11+s22+$0x0], $0xffff;
	v16 =	vor.u32 v5, v16  }
0x116: {  	s17 =	sand.u32 $0x7000, s0;
	s11 =	sand.u32 $0x380, s16;
	[tilespmem:s30+$0x8A20] =	vst v14;
	v14 =	vor.u32 v3, v19  }
0x117: {  	s29 =	sor.u32 s11, s17;
	[tilespmem:s21+$0x8610] =	vst v17;
	v15 =	vld.idx.msk [tilespmem:v15+s22+$0x0], $0xffff;
	v17 =	vadd.s32 v53, v13  }
0x118: {  	[tilespmem:s29+$0x8200] =	vst v8;
	v8 =	vld.idx.msk [tilespmem:v18+s22+$0x0], $0xffff;
	v18 =	vadd.s32 v44, v0;
	v17 =	vor.u32 v12, v17  }
0x119: {  	v19 =	vadd.s32 v35, v6;
	v9 =	vld.idx.msk [tilespmem:v9+s22+$0x0], $0xffff;
	v18 =	vor.u32 v1, v18;
	[tilespmem:s10+$0x8660] =	vst v10  }
0x11a: {  	v10 =	vor.u32 v7, v19;
	[tilespmem:s28+$0x8250] =	vst v11;
	v11 =	vld.idx.msk [tilespmem:v16+s22+$0x0], $0xffff;
	v16 =	vadd.s32 v49, v4  }
0x11b: {  	v19 =	vadd.s32 v40, v2;
	v14 =	vld.idx.msk [tilespmem:v14+s22+$0x0], $0xffff;
	v16 =	vor.u32 v5, v16  }
0x11c: {  	[tilespmem:s30+$0x8A30] =	vst v15;
	v15 =	vor.u32 v3, v19  }
0x11d: {  	[tilespmem:s21+$0x8620] =	vst v8;
	v8 =	vld.idx.msk [tilespmem:v17+s22+$0x0], $0xffff;
	v17 =	vadd.s32 v54, v13  }
0x11e: {  	[tilespmem:s29+$0x8210] =	vst v9;
	v9 =	vld.idx.msk [tilespmem:v18+s22+$0x0], $0xffff;
	v18 =	vadd.s32 v45, v0;
	v17 =	vor.u32 v12, v17  }
0x11f: {  	v19 =	vadd.s32 v36, v6;
	v10 =	vld.idx.msk [tilespmem:v10+s22+$0x0], $0xffff;
	v18 =	vor.u32 v1, v18;
	[tilespmem:s10+$0x8670] =	vst v11  }
0x120: {  	v11 =	vor.u32 v7, v19;
	[tilespmem:s28+$0x8260] =	vst v14;
	v14 =	vld.idx.msk [tilespmem:v16+s22+$0x0], $0xffff;
	v16 =	vadd.s32 v50, v4  }
0x121: {  	v19 =	vadd.s32 v41, v2;
	v15 =	vld.idx.msk [tilespmem:v15+s22+$0x0], $0xffff;
	v16 =	vor.u32 v5, v16  }
0x122: {  	[tilespmem:s30+$0x8A40] =	vst v8;
	v8 =	vor.u32 v3, v19  }
0x123: {  	v20 =	vadd.s32 v37, v6;
	[tilespmem:s21+$0x8630] =	vst v9;
	v9 =	vld.idx.msk [tilespmem:v17+s22+$0x0], $0xffff;
	v17 =	vadd.s32 v55, v13  }
0x124: {  	s23 =	sadd.s32 $0x1, s1;
	[tilespmem:s29+$0x8220] =	vst v10;
	v10 =	vld.idx.msk [tilespmem:v18+s22+$0x0], $0xffff;
	v18 =	vadd.s32 v46, v0;
	v17 =	vor.u32 v12, v17  }
0x125: {  	v20 =	vor.u32 v7, v20;
	v19 =	vmov s23;
	v11 =	vld.idx.msk [tilespmem:v11+s22+$0x0], $0xffff;
	v18 =	vor.u32 v1, v18;
	[tilespmem:s10+$0x8A00] =	vst v14  }
0x126: {  	v14 =	vshll.u32 v19, $0x7;
	[tilespmem:s28+$0x8270] =	vst v15;
	v15 =	vld.idx.msk [tilespmem:v16+s22+$0x0], $0xffff;
	v16 =	vshll.u32 v19, $0x9;
	v19 =	vadd.s32 v51, v4  }
0x127: {  	v21 =	vld.idx.msk [tilespmem:v8+s22+$0x0], $0xffff;
	v8 =	vand.u32 $0x7000, v16;
	v16 =	vadd.s32 v42, v2;
	v19 =	vor.u32 v5, v19  }
0x128: {  	[tilespmem:s30+$0x8A50] =	vst v9;
	v9 =	vand.u32 $0x380, v14;
	v14 =	vadd.s32 v33, v8;
	v16 =	vor.u32 v3, v16  }
0x129: {  	[tilespmem:s21+$0x8640] =	vst v10;
	v10 =	vld.idx.msk [tilespmem:v17+s22+$0x0], $0xffff;
	v14 =	vor.u32 v9, v14;
	v17 =	vadd.s32 v56, v13  }
0x12a: {  	[tilespmem:s29+$0x8230] =	vst v11;
	v11 =	vld.idx.msk [tilespmem:v18+s22+$0x0], $0xffff;
	v18 =	vadd.s32 v47, v0;
	v17 =	vor.u32 v12, v17  }
0x12b: {  	v22 =	vadd.s32 v38, v6;
	v20 =	vld.idx.msk [tilespmem:v20+s22+$0x0], $0xffff;
	v18 =	vor.u32 v1, v18;
	[tilespmem:s10+$0x8A10] =	vst v15  }
0x12c: {  	v15 =	vor.u32 v7, v22;
	[tilespmem:s28+$0x8600] =	vst v21;
	v19 =	vld.idx.msk [tilespmem:v19+s22+$0x0], $0xffff;
	v21 =	vadd.s32 v52, v4  }
0x12d: {  	v22 =	vadd.s32 v43, v2;
	v16 =	vld.idx.msk [tilespmem:v16+s22+$0x0], $0xffff;
	v21 =	vor.u32 v5, v21  }
0x12e: {  	v22 =	vor.u32 v3, v22;
	v14 =	vld.idx.msk [tilespmem:v14+s22+$0x0], $0xffff;
	[tilespmem:s30+$0x8A60] =	vst v10;
	v10 =	vadd.s32 v34, v8  }
0x12f: {  	[tilespmem:s21+$0x8650] =	vst v11;
	v11 =	vld.idx.msk [tilespmem:v17+s22+$0x0], $0xffff;
	v10 =	vor.u32 v9, v10;
	v17 =	vadd.s32 v57, v13  }
0x130: {  	s16 =	sadd.s32 $0x200, s0;
	s1 =	simm.s32 $0x280;
	[tilespmem:s29+$0x8240] =	vst v20;
	v20 =	vadd.s32 v48, v0;
	v18 =	vld.idx.msk [tilespmem:v18+s22+$0x0], $0xffff;
	v17 =	vor.u32 v12, v17  }
0x131: {  	s0 =	sand.u32 $0x7000, s16;
	s15 =	sand.u32 $0x380, s1;
	v23 =	vadd.s32 v39, v6;
	v15 =	vld.idx.msk [tilespmem:v15+s22+$0x0], $0xffff;
	v20 =	vor.u32 v1, v20;
	[tilespmem:s10+$0x8A20] =	vst v19  }
0x132: {  	s0 =	sor.u32 s15, s0;
	v19 =	vor.u32 v7, v23;
	[tilespmem:s28+$0x8610] =	vst v16;
	v16 =	vld.idx.msk [tilespmem:v21+s22+$0x0], $0xffff;
	v21 =	vadd.s32 v53, v4  }
0x133: {  	[tilespmem:s0+$0x8200] =	vst v14;
	v14 =	vld.idx.msk [tilespmem:v22+s22+$0x0], $0xffff;
	v22 =	vadd.s32 v44, v2;
	v21 =	vor.u32 v5, v21  }
0x134: {  	v10 =	vld.idx.msk [tilespmem:v10+s22+$0x0], $0xffff;
	[tilespmem:s30+$0x8A70] =	vst v11;
	v11 =	vadd.s32 v35, v8;
	v22 =	vor.u32 v3, v22  }
0x135: {  	[tilespmem:s21+$0x8660] =	vst v18;
	v17 =	vld.idx.msk [tilespmem:v17+s22+$0x0], $0xffff;
	v11 =	vor.u32 v9, v11;
	v18 =	vadd.s32 v58, v13  }
0x136: {  	[tilespmem:s29+$0x8250] =	vst v15;
	v15 =	vld.idx.msk [tilespmem:v20+s22+$0x0], $0xffff;
	v20 =	vadd.s32 v49, v0;
	v18 =	vor.u32 v12, v18  }
0x137: {  	v23 =	vadd.s32 v40, v6;
	v19 =	vld.idx.msk [tilespmem:v19+s22+$0x0], $0xffff;
	v20 =	vor.u32 v1, v20;
	[tilespmem:s10+$0x8A30] =	vst v16  }
0x138: {  	v16 =	vor.u32 v7, v23;
	[tilespmem:s28+$0x8620] =	vst v14;
	v14 =	vld.idx.msk [tilespmem:v21+s22+$0x0], $0xffff;
	v21 =	vadd.s32 v54, v4  }
0x139: {  	[tilespmem:s0+$0x8210] =	vst v10;
	v10 =	vld.idx.msk [tilespmem:v22+s22+$0x0], $0xffff;
	v22 =	vadd.s32 v45, v2;
	v21 =	vor.u32 v5, v21  }
0x13a: {  	v11 =	vld.idx.msk [tilespmem:v11+s22+$0x0], $0xffff;
	[tilespmem:s30+$0x8E00] =	vst v17;
	v17 =	vadd.s32 v36, v8;
	v22 =	vor.u32 v3, v22  }
0x13b: {  	[tilespmem:s21+$0x8670] =	vst v15;
	v15 =	vld.idx.msk [tilespmem:v18+s22+$0x0], $0xffff;
	v17 =	vor.u32 v9, v17;
	v18 =	vadd.s32 v59, v13  }
0x13c: {  	[tilespmem:s29+$0x8260] =	vst v19;
	v19 =	vld.idx.msk [tilespmem:v20+s22+$0x0], $0xffff;
	v20 =	vadd.s32 v50, v0;
	v18 =	vor.u32 v12, v18  }
0x13d: {  	v23 =	vadd.s32 v41, v6;
	v16 =	vld.idx.msk [tilespmem:v16+s22+$0x0], $0xffff;
	v20 =	vor.u32 v1, v20;
	[tilespmem:s10+$0x8A40] =	vst v14  }
0x13e: {  	v14 =	vor.u32 v7, v23;
	[tilespmem:s28+$0x8630] =	vst v10;
	v21 =	vld.idx.msk [tilespmem:v21+s22+$0x0], $0xffff;
	v10 =	vadd.s32 v55, v4  }
0x13f: {  	s11 =	sadd.s32 $0x1, s23;
	[tilespmem:s0+$0x8220] =	vst v11;
	v22 =	vld.idx.msk [tilespmem:v22+s22+$0x0], $0xffff;
	v11 =	vadd.s32 v46, v2;
	v23 =	vor.u32 v5, v10  }
0x140: {  	v10 =	vmov s11;
	v17 =	vld.idx.msk [tilespmem:v17+s22+$0x0], $0xffff;
	[tilespmem:s30+$0x8E10] =	vst v15;
	v15 =	vadd.s32 v37, v8;
	v24 =	vor.u32 v3, v11  }
0x141: {  	v11 =	vshll.u32 v10, $0x7;
	[tilespmem:s21+$0x8A00] =	vst v19;
	v18 =	vld.idx.msk [tilespmem:v18+s22+$0x0], $0xffff;
	v15 =	vor.u32 v9, v15;
	v19 =	vadd.s32 v60, v13  }
0x142: {  	v10 =	vshll.u32 v10, $0x9;
	[tilespmem:s29+$0x8270] =	vst v16;
	v16 =	vld.idx.msk [tilespmem:v20+s22+$0x0], $0xffff;
	v20 =	vadd.s32 v51, v0;
	v19 =	vor.u32 v12, v19  }
0x143: {  	v25 =	vadd.s32 v42, v6;
	v10 =	vand.u32 $0x7000, v10;
	v14 =	vld.idx.msk [tilespmem:v14+s22+$0x0], $0xffff;
	v20 =	vor.u32 v1, v20;
	[tilespmem:s10+$0x8A50] =	vst v21  }
0x144: {  	v25 =	vor.u32 v7, v25;
	v11 =	vand.u32 $0x380, v11;
	v21 =	vadd.s32 v33, v10;
	[tilespmem:s28+$0x8640] =	vst v22;
	v22 =	vld.idx.msk [tilespmem:v23+s22+$0x0], $0xffff  }
0x145: {  	v21 =	vor.u32 v11, v21;
	v23 =	vadd.s32 v56, v4;
	[tilespmem:s0+$0x8230] =	vst v17;
	v17 =	vld.idx.msk [tilespmem:v24+s22+$0x0], $0xffff  }
0x146: {  	v24 =	vadd.s32 v47, v2;
	v23 =	vor.u32 v5, v23;
	v15 =	vld.idx.msk [tilespmem:v15+s22+$0x0], $0xffff;
	[tilespmem:s30+$0x8E20] =	vst v18  }
0x147: {  	v18 =	vadd.s32 v38, v8;
	v24 =	vor.u32 v3, v24;
	[tilespmem:s21+$0x8A10] =	vst v16;
	v16 =	vld.idx.msk [tilespmem:v19+s22+$0x0], $0xffff  }
0x148: {  	v18 =	vor.u32 v9, v18;
	[tilespmem:s29+$0x8600] =	vst v14;
	v19 =	vadd.s32 v61, v13;
	v14 =	vld.idx.msk [tilespmem:v20+s22+$0x0], $0xffff  }
0x149: {  	v20 =	vld.idx.msk [tilespmem:v25+s22+$0x0], $0xffff;
	v25 =	vadd.s32 v52, v0;
	v19 =	vor.u32 v12, v19  }
0x14a: {  	v26 =	vadd.s32 v43, v6;
	v21 =	vld.idx.msk [tilespmem:v21+s22+$0x0], $0xffff;
	v25 =	vor.u32 v1, v25;
	[tilespmem:s10+$0x8A60] =	vst v22  }
0x14b: {  	v26 =	vor.u32 v7, v26;
	v22 =	vadd.s32 v34, v10;
	[tilespmem:s28+$0x8650] =	vst v17;
	v17 =	vld.idx.msk [tilespmem:v23+s22+$0x0], $0xffff  }
0x14c: {  	v22 =	vor.u32 v11, v22;
	v23 =	vadd.s32 v57, v4;
	[tilespmem:s0+$0x8240] =	vst v15;
	v15 =	vld.idx.msk [tilespmem:v24+s22+$0x0], $0xffff  }
0x14d: {  	s17 =	simm.s32 $0x300;
	s23 =	sadd.s32 $0x200, s16;
	v24 =	vadd.s32 v48, v2;
	v23 =	vor.u32 v5, v23;
	v18 =	vld.idx.msk [tilespmem:v18+s22+$0x0], $0xffff;
	[tilespmem:s30+$0x8E30] =	vst v16  }
0x14e: {  	s15 =	sand.u32 $0x380, s17;
	s1 =	sand.u32 $0x7000, s23;
	v16 =	vadd.s32 v39, v8;
	v24 =	vor.u32 v3, v24;
	[tilespmem:s21+$0x8A20] =	vst v14;
	v14 =	vld.idx.msk [tilespmem:v19+s22+$0x0], $0xffff  }
0x14f: {  	s1 =	sor.u32 s15, s1;
	v16 =	vor.u32 v9, v16;
	[tilespmem:s29+$0x8610] =	vst v20;
	v20 =	vadd.s32 v62, v13;
	v19 =	vld.idx.msk [tilespmem:v25+s22+$0x0], $0xffff  }
0x150: {  	[tilespmem:s1+$0x8200] =	vst v21;
	v21 =	vld.idx.msk [tilespmem:v26+s22+$0x0], $0xffff;
	v25 =	vadd.s32 v53, v0;
	v20 =	vor.u32 v12, v20  }
0x151: {  	v26 =	vadd.s32 v44, v6;
	v22 =	vld.idx.msk [tilespmem:v22+s22+$0x0], $0xffff;
	v25 =	vor.u32 v1, v25;
	[tilespmem:s10+$0x8A70] =	vst v17  }
0x152: {  	v17 =	vadd.s32 v35, v10;
	v26 =	vor.u32 v7, v26;
	[tilespmem:s28+$0x8660] =	vst v15;
	v15 =	vld.idx.msk [tilespmem:v23+s22+$0x0], $0xffff  }
0x153: {  	v17 =	vor.u32 v11, v17;
	v23 =	vadd.s32 v58, v4;
	[tilespmem:s0+$0x8250] =	vst v18;
	v18 =	vld.idx.msk [tilespmem:v24+s22+$0x0], $0xffff  }
0x154: {  	v24 =	vadd.s32 v49, v2;
	v23 =	vor.u32 v5, v23;
	v16 =	vld.idx.msk [tilespmem:v16+s22+$0x0], $0xffff;
	[tilespmem:s30+$0x8E40] =	vst v14  }
0x155: {  	v14 =	vadd.s32 v40, v8;
	v24 =	vor.u32 v3, v24;
	[tilespmem:s21+$0x8A30] =	vst v19;
	v19 =	vld.idx.msk [tilespmem:v20+s22+$0x0], $0xffff  }
0x156: {  	v14 =	vor.u32 v9, v14;
	[tilespmem:s29+$0x8620] =	vst v21;
	v21 =	vadd.s32 v63, v13;
	v20 =	vld.idx.msk [tilespmem:v25+s22+$0x0], $0xffff  }
0x157: {  	[tilespmem:s1+$0x8210] =	vst v22;
	v22 =	vld.idx.msk [tilespmem:v26+s22+$0x0], $0xffff;
	v25 =	vadd.s32 v54, v0;
	v21 =	vor.u32 v12, v21  }
0x158: {  	v26 =	vld.idx.msk [tilespmem:v17+s22+$0x0], $0xffff;
	v17 =	vadd.s32 v45, v6;
	v25 =	vor.u32 v1, v25;
	[tilespmem:s10+$0x8E00] =	vst v15  }
0x159: {  	v15 =	vadd.s32 v36, v10;
	v27 =	vor.u32 v7, v17;
	[tilespmem:s28+$0x8670] =	vst v18;
	v18 =	vld.idx.msk [tilespmem:v23+s22+$0x0], $0xffff  }
0x15a: {  	v28 =	vor.u32 v11, v15;
	v15 =	vadd.s32 v59, v4;
	[tilespmem:s0+$0x8260] =	vst v16;
	v29 =	vld.idx.msk [tilespmem:v24+s22+$0x0], $0xffff  }
0x15b: {  	v31 =	vor.u32 v5, v15;
	v30 =	vld.idx.msk [tilespmem:v14+s22+$0x0], $0xffff;
	v14 =	vadd.s32 v50, v2;
	[tilespmem:s30+$0x8E50] =	vst v19  }
0x15c: {  	v15 =	vadd.s32 v41, v8;
	v19 =	vor.u32 v3, v14;
	[tilespmem:s21+$0x8A40] =	vst v20;
	v17 =	vld.idx.msk [tilespmem:v21+s22+$0x0], $0xffff  }
0x15d: {  	v13 =	vadd.s32 v32, v13;
	v23 =	vor.u32 v9, v15;
	[tilespmem:s29+$0x8630] =	vst v22;
	v16 =	vld.idx.msk [tilespmem:v25+s22+$0x0], $0xffff  }
0x15e: {  	v15 =	vor.u32 v12, v13;
	v14 =	vadd.s32 v55, v0;
	[tilespmem:s1+$0x8220] =	vst v26;
	v21 =	vld.idx.msk [tilespmem:v27+s22+$0x0], $0xffff  }
0x15f: {  	s11 =	sadd.s32 $0x1, s11;
	v12 =	vadd.s32 v46, v6;
	v14 =	vor.u32 v1, v14;
	v24 =	vld.idx.msk [tilespmem:v28+s22+$0x0], $0xffff;
	[tilespmem:s10+$0x8E10] =	vst v18  }
0x160: {  	v13 =	vmov s11;
	v20 =	vadd.s32 v37, v10;
	v22 =	vor.u32 v7, v12;
	[tilespmem:s28+$0x8A00] =	vst v29;
	v18 =	vld.idx.msk [tilespmem:v31+s22+$0x0], $0xffff  }
0x161: {  	s16 =	simm.s32 $0x400;
	s15 =	simm.s32 $0x380;
	v12 =	vshll.u32 v13, $0x7;
	v25 =	vor.u32 v11, v20;
	v20 =	vadd.s32 v60, v4;
	[tilespmem:s0+$0x8270] =	vst v30;
	v19 =	vld.idx.msk [tilespmem:v19+s22+$0x0], $0xffff  }
.LBB2_8:
0x162: {  	p3 =	sne.s32 s16, $0xF80;
	v13 =	vshll.u32 v13, $0x9;
	v23 =	vld.idx.msk [tilespmem:v23+s22+$0x0], $0xffff;
	v26 =	vadd.s32 v51, v2;
	v20 =	vor.u32 v5, v20;
	[tilespmem:s30+$0x8E60] =	vst v17  }
0x163: {  	v17 =	vadd.s32 v42, v8;
	v13 =	vand.u32 $0x7000, v13;
	v26 =	vor.u32 v3, v26;
	[tilespmem:s21+$0x8A50] =	vst v16;
	v15 =	vld.idx.msk [tilespmem:v15+s22+$0x0], $0xffff  }
0x164: {  	v16 =	vand.u32 $0x380, v12;
	v17 =	vor.u32 v9, v17;
	v27 =	vadd.s32 v33, v13;
	[tilespmem:s29+$0x8640] =	vst v21;
	v14 =	vld.idx.msk [tilespmem:v14+s22+$0x0], $0xffff  }
0x165: {  	v12 =	vmov v8;
	v21 =	vor.u32 v16, v27;
	[tilespmem:s1+$0x8230] =	vst v24;
	v22 =	vld.idx.msk [tilespmem:v22+s22+$0x0], $0xffff;
	v24 =	vadd.s32 v56, v0  }
0x166: {  	v8 =	vmov v10;
	v27 =	vadd.s32 v47, v6;
	v25 =	vld.idx.msk [tilespmem:v25+s22+$0x0], $0xffff;
	v24 =	vor.u32 v1, v24;
	[tilespmem:s10+$0x8E20] =	vst v18  }
0x167: {  	v10 =	vmov v13;
	v18 =	vadd.s32 v38, v8;
	v27 =	vor.u32 v7, v27;
	[tilespmem:s28+$0x8A10] =	vst v19;
	v19 =	vld.idx.msk [tilespmem:v20+s22+$0x0], $0xffff  }
0x168: {  	v13 =	vor.u32 v11, v18;
	v20 =	vadd.s32 v61, v4;
	[tilespmem:s0+$0x8600] =	vst v23;
	v18 =	vld.idx.msk [tilespmem:v26+s22+$0x0], $0xffff;
	v26 =	vmov v5  }
0x169: {  	v23 =	vadd.s32 v52, v2;
	v5 =	vmov v1;
	v17 =	vld.idx.msk [tilespmem:v17+s22+$0x0], $0xffff;
	v20 =	vor.u32 v26, v20;
	[tilespmem:s30+$0x8E70] =	vst v15;
	s30 =	smov.u32 s10;
	s10 =	smov.u32 s21;
	s21 =	smov.u32 s28  }
0x16a: {  	v1 =	vmov v3;
	v23 =	vor.u32 v3, v23;
	s28 =	smov.u32 s29;
	s29 =	smov.u32 s0;
	s0 =	smov.u32 s1;
	v15 =	vld.idx.msk [tilespmem:v21+s22+$0x0], $0xffff;
	v21 =	vadd.s32 v43, v12;
	[tilespmem:s10+$0x8A60] =	vst v14  }
0x16b: {  	v3 =	vmov v7;
	v14 =	vadd.s32 v34, v10;
	v21 =	vor.u32 v9, v21;
	[tilespmem:s28+$0x8650] =	vst v22;
	v22 =	vld.idx.msk [tilespmem:v24+s22+$0x0], $0xffff  }
0x16c: {  	v7 =	vmov v9;
	v14 =	vor.u32 v16, v14;
	[tilespmem:s0+$0x8240] =	vst v25;
	v24 =	vld.idx.msk [tilespmem:v27+s22+$0x0], $0xffff;
	v25 =	vadd.s32 v57, v0  }
0x16d: {  	s23 =	sadd.s32 $0x200, s23;
	v9 =	vmov v11;
	v27 =	vadd.s32 v48, v6;
	v13 =	vld.idx.msk [tilespmem:v13+s22+$0x0], $0xffff;
	v25 =	vor.u32 v5, v25;
	[tilespmem:s30+$0x8E30] =	vst v19  }
0x16e: {  	s17 =	sand.u32 $0x380, s15;
	s15 =	smov.u32 s16;
	s1 =	sand.u32 $0x7000, s23;
	v11 =	vmov v16;
	v19 =	vadd.s32 v39, v8;
	v27 =	vor.u32 v3, v27;
	[tilespmem:s21+$0x8A20] =	vst v18;
	v18 =	vld.idx.msk [tilespmem:v20+s22+$0x0], $0xffff  }
0x16f: {  	s1 =	sor.u32 s17, s1;
	v16 =	vor.u32 v9, v19;
	v19 =	vadd.s32 v62, v4;
	[tilespmem:s29+$0x8610] =	vst v17;
	v17 =	vld.idx.msk [tilespmem:v23+s22+$0x0], $0xffff  }
0x170: {  	v20 =	vadd.s32 v53, v2;
	v19 =	vor.u32 v26, v19;
	[tilespmem:s1+$0x8200] =	vst v15;
	v15 =	vld.idx.msk [tilespmem:v21+s22+$0x0], $0xffff  }
0x171: {  	v20 =	vor.u32 v1, v20;
	v21 =	vadd.s32 v44, v12;
	v14 =	vld.idx.msk [tilespmem:v14+s22+$0x0], $0xffff;
	[tilespmem:s10+$0x8A70] =	vst v22  }
0x172: {  	v22 =	vadd.s32 v35, v10;
	v21 =	vor.u32 v7, v21;
	[tilespmem:s28+$0x8660] =	vst v24;
	v23 =	vld.idx.msk [tilespmem:v25+s22+$0x0], $0xffff  }
0x173: {  	v22 =	vor.u32 v11, v22;
	v24 =	vadd.s32 v58, v0;
	[tilespmem:s0+$0x8250] =	vst v13;
	v13 =	vld.idx.msk [tilespmem:v27+s22+$0x0], $0xffff  }
0x174: {  	v25 =	vadd.s32 v49, v6;
	v24 =	vor.u32 v5, v24;
	v16 =	vld.idx.msk [tilespmem:v16+s22+$0x0], $0xffff;
	[tilespmem:s30+$0x8E40] =	vst v18  }
0x175: {  	v25 =	vor.u32 v3, v25;
	v18 =	vadd.s32 v40, v8;
	[tilespmem:s21+$0x8A30] =	vst v17;
	v17 =	vld.idx.msk [tilespmem:v19+s22+$0x0], $0xffff  }
0x176: {  	v18 =	vor.u32 v9, v18;
	v19 =	vadd.s32 v63, v4;
	[tilespmem:s29+$0x8620] =	vst v15;
	v15 =	vld.idx.msk [tilespmem:v20+s22+$0x0], $0xffff  }
0x177: {  	v20 =	vadd.s32 v54, v2;
	v19 =	vor.u32 v26, v19;
	[tilespmem:s1+$0x8210] =	vst v14;
	v14 =	vld.idx.msk [tilespmem:v21+s22+$0x0], $0xffff  }
0x178: {  	v20 =	vor.u32 v1, v20;
	v21 =	vld.idx.msk [tilespmem:v22+s22+$0x0], $0xffff;
	v22 =	vadd.s32 v45, v12;
	[tilespmem:s10+$0x8E00] =	vst v23  }
0x179: {  	v23 =	vadd.s32 v36, v10;
	v22 =	vor.u32 v7, v22;
	[tilespmem:s28+$0x8670] =	vst v13;
	v13 =	vld.idx.msk [tilespmem:v24+s22+$0x0], $0xffff  }
0x17a: {  	v24 =	vor.u32 v11, v23;
	[tilespmem:s0+$0x8260] =	vst v16;
	v25 =	vld.idx.msk [tilespmem:v25+s22+$0x0], $0xffff;
	v16 =	vadd.s32 v59, v0  }
0x17b: {  	v27 =	vld.idx.msk [tilespmem:v18+s22+$0x0], $0xffff;
	v18 =	vadd.s32 v50, v6;
	v28 =	vor.u32 v5, v16;
	[tilespmem:s30+$0x8E50] =	vst v17  }
0x17c: {  	v16 =	vadd.s32 v41, v8;
	v29 =	vor.u32 v3, v18;
	[tilespmem:s21+$0x8A40] =	vst v15;
	v17 =	vld.idx.msk [tilespmem:v19+s22+$0x0], $0xffff  }
.Ltmp3:
0x17d: {  	v23 =	vor.u32 v9, v16;
	[tilespmem:s29+$0x8630] =	vst v14;
	v16 =	vld.idx.msk [tilespmem:v20+s22+$0x0], $0xffff;
	v14 =	vadd.s32 v32, v4;
	v4 =	vmov v0;
	(pc) =	sbr.rel @p3 .LBB2_8-.Ltmp3, $4  }
0x17e: {  	v18 =	vadd.s32 v55, v2;
	v0 =	vmov v2;
	[tilespmem:s1+$0x8220] =	vst v21;
	v21 =	vld.idx.msk [tilespmem:v22+s22+$0x0], $0xffff;
	v15 =	vor.u32 v26, v14  }
0x17f: {  	s11 =	sadd.s32 $0x1, s11;
	v19 =	vadd.s32 v46, v12;
	v2 =	vmov v6;
	v14 =	vor.u32 v1, v18;
	v24 =	vld.idx.msk [tilespmem:v24+s22+$0x0], $0xffff;
	[tilespmem:s10+$0x8E10] =	vst v13  }
0x180: {  	v20 =	vadd.s32 v37, v10;
	v6 =	vmovc v12;
	v22 =	vor.u32 v7, v19;
	v13 =	vmov s11;
	[tilespmem:s28+$0x8A00] =	vst v25;
	v18 =	vld.idx.msk [tilespmem:v28+s22+$0x0], $0xffff  }
0x181: {  	s16 =	sadd.s32 $0x80, s16;
	v12 =	vshll.u32 v13, $0x7;
	v25 =	vor.u32 v11, v20;
	v20 =	vadd.s32 v60, v4;
	[tilespmem:s0+$0x8270] =	vst v27;
	v19 =	vld.idx.msk [tilespmem:v29+s22+$0x0], $0xffff  }
0x182: {  	v13 =	vshll.u32 v13, $0x9  }
0x183: {  	v13 =	vand.u32 $0x7000, v13  }
0x184: {  	v12 =	vand.u32 $0x380, v12;
	v26 =	vadd.s32 v33, v13  }
0x185: {  	v26 =	vor.u32 v12, v26;
	_ =	sdelay $0x4  }
0x186: {  	v27 =	vadd.s32 v34, v13;
	v26 =	vld.idx.msk [tilespmem:v26+s22+$0x0], $0xffff  }
0x187: {  	v27 =	vor.u32 v12, v27  }
0x188: {  	s11 =	sadd.s32 $0x200, s23  }
0x189: {  	s15 =	sand.u32 $0x380, s15;
	s11 =	sand.u32 $0x7000, s11  }
0x18a: {  	s17 =	sor.u32 s15, s11  }
0x18b: {  	[tilespmem:s17+$0x8200] =	vst v26  }
0x18c: {  	v31 =	vadd.s32 v35, v13;
	v26 =	vld.idx.msk [tilespmem:v27+s22+$0x0], $0xffff  }
0x18d: {  	v27 =	vor.u32 v12, v31;
	_ =	sdelay $0x3  }
0x18e: {  	[tilespmem:s17+$0x8210] =	vst v26  }
0x18f: {  	v30 =	vadd.s32 v36, v13;
	v26 =	vld.idx.msk [tilespmem:v27+s22+$0x0], $0xffff  }
0x190: {  	v27 =	vor.u32 v12, v30;
	_ =	sdelay $0x3  }
0x191: {  	[tilespmem:s17+$0x8220] =	vst v26  }
0x192: {  	v31 =	vadd.s32 v37, v13;
	v26 =	vld.idx.msk [tilespmem:v27+s22+$0x0], $0xffff  }
0x193: {  	v27 =	vor.u32 v12, v31;
	_ =	sdelay $0x2  }
0x194: {  	[tilespmem:s1+$0x8230] =	vst v24  }
0x195: {  	v24 =	vld.idx.msk [tilespmem:v25+s22+$0x0], $0xffff;
	v30 =	vadd.s32 v38, v10;
	[tilespmem:s17+$0x8230] =	vst v26  }
0x196: {  	v25 =	vor.u32 v11, v30;
	v31 =	vadd.s32 v38, v13;
	v26 =	vld.idx.msk [tilespmem:v27+s22+$0x0], $0xffff  }
0x197: {  	v27 =	vor.u32 v12, v31;
	_ =	sdelay $0x2  }
0x198: {  	[tilespmem:s1+$0x8240] =	vst v24  }
0x199: {  	v30 =	vadd.s32 v39, v10;
	v24 =	vld.idx.msk [tilespmem:v25+s22+$0x0], $0xffff;
	[tilespmem:s17+$0x8240] =	vst v26  }
0x19a: {  	v25 =	vor.u32 v11, v30;
	v31 =	vadd.s32 v39, v13;
	v26 =	vld.idx.msk [tilespmem:v27+s22+$0x0], $0xffff  }
0x19b: {  	v27 =	vor.u32 v12, v31;
	_ =	sdelay $0x2  }
0x19c: {  	[tilespmem:s1+$0x8250] =	vst v24  }
0x19d: {  	v30 =	vadd.s32 v40, v10;
	v24 =	vld.idx.msk [tilespmem:v25+s22+$0x0], $0xffff;
	[tilespmem:s17+$0x8250] =	vst v26  }
0x19e: {  	v25 =	vor.u32 v11, v30;
	v31 =	vadd.s32 v40, v13;
	v26 =	vld.idx.msk [tilespmem:v27+s22+$0x0], $0xffff  }
0x19f: {  	v27 =	vor.u32 v12, v31;
	_ =	sdelay $0x2  }
0x1a0: {  	[tilespmem:s1+$0x8260] =	vst v24  }
0x1a1: {  	v29 =	vadd.s32 v41, v10;
	v24 =	vld.idx.msk [tilespmem:v25+s22+$0x0], $0xffff;
	[tilespmem:s17+$0x8260] =	vst v26  }
0x1a2: {  	v30 =	vadd.s32 v41, v13;
	v25 =	vor.u32 v11, v29;
	v26 =	vld.idx.msk [tilespmem:v27+s22+$0x0], $0xffff  }
0x1a3: {  	v27 =	vor.u32 v12, v30;
	_ =	sdelay $0x2  }
0x1a4: {  	v23 =	vld.idx.msk [tilespmem:v23+s22+$0x0], $0xffff;
	v28 =	vadd.s32 v42, v8;
	[tilespmem:s1+$0x8270] =	vst v24  }
0x1a5: {  	v24 =	vor.u32 v9, v28;
	v28 =	vadd.s32 v42, v10;
	v25 =	vld.idx.msk [tilespmem:v25+s22+$0x0], $0xffff;
	[tilespmem:s17+$0x8270] =	vst v26  }
0x1a6: {  	v26 =	vor.u32 v11, v28;
	v28 =	vadd.s32 v42, v13;
	v27 =	vld.idx.msk [tilespmem:v27+s22+$0x0], $0xffff  }
0x1a7: {  	v28 =	vor.u32 v12, v28;
	_ =	sdelay $0x1  }
0x1a8: {  	[tilespmem:s0+$0x8600] =	vst v23  }
0x1a9: {  	v31 =	vadd.s32 v43, v8;
	v23 =	vld.idx.msk [tilespmem:v24+s22+$0x0], $0xffff;
	[tilespmem:s1+$0x8600] =	vst v25  }
0x1aa: {  	v29 =	vadd.s32 v43, v10;
	v24 =	vor.u32 v9, v31;
	v25 =	vld.idx.msk [tilespmem:v26+s22+$0x0], $0xffff;
	[tilespmem:s17+$0x8600] =	vst v27  }
0x1ab: {  	v26 =	vor.u32 v11, v29;
	v27 =	vld.idx.msk [tilespmem:v28+s22+$0x0], $0xffff;
	v28 =	vadd.s32 v43, v13  }
0x1ac: {  	v28 =	vor.u32 v12, v28;
	_ =	sdelay $0x1  }
0x1ad: {  	[tilespmem:s0+$0x8610] =	vst v23  }
0x1ae: {  	v30 =	vadd.s32 v44, v8;
	v23 =	vld.idx.msk [tilespmem:v24+s22+$0x0], $0xffff;
	[tilespmem:s1+$0x8610] =	vst v25  }
0x1af: {  	v31 =	vadd.s32 v44, v10;
	v24 =	vor.u32 v9, v30;
	v25 =	vld.idx.msk [tilespmem:v26+s22+$0x0], $0xffff;
	[tilespmem:s17+$0x8610] =	vst v27  }
0x1b0: {  	v26 =	vor.u32 v11, v31;
	v27 =	vld.idx.msk [tilespmem:v28+s22+$0x0], $0xffff;
	v28 =	vadd.s32 v44, v13  }
0x1b1: {  	v28 =	vor.u32 v12, v28;
	_ =	sdelay $0x1  }
0x1b2: {  	[tilespmem:s0+$0x8620] =	vst v23  }
0x1b3: {  	v23 =	vld.idx.msk [tilespmem:v24+s22+$0x0], $0xffff;
	v29 =	vadd.s32 v45, v8;
	[tilespmem:s1+$0x8620] =	vst v25  }
0x1b4: {  	v30 =	vadd.s32 v45, v10;
	v24 =	vor.u32 v9, v29;
	v25 =	vld.idx.msk [tilespmem:v26+s22+$0x0], $0xffff;
	[tilespmem:s17+$0x8620] =	vst v27  }
0x1b5: {  	v26 =	vor.u32 v11, v30;
	v27 =	vld.idx.msk [tilespmem:v28+s22+$0x0], $0xffff;
	v28 =	vadd.s32 v45, v13  }
0x1b6: {  	v28 =	vor.u32 v12, v28;
	_ =	sdelay $0x1  }
0x1b7: {  	[tilespmem:s0+$0x8630] =	vst v23  }
0x1b8: {  	v23 =	vld.idx.msk [tilespmem:v24+s22+$0x0], $0xffff;
	v31 =	vadd.s32 v46, v8;
	[tilespmem:s1+$0x8630] =	vst v25  }
0x1b9: {  	v29 =	vadd.s32 v46, v10;
	v24 =	vor.u32 v9, v31;
	v25 =	vld.idx.msk [tilespmem:v26+s22+$0x0], $0xffff;
	[tilespmem:s17+$0x8630] =	vst v27  }
0x1ba: {  	v26 =	vor.u32 v11, v29;
	v27 =	vld.idx.msk [tilespmem:v28+s22+$0x0], $0xffff;
	v28 =	vadd.s32 v46, v13  }
0x1bb: {  	v28 =	vor.u32 v12, v28  }
0x1bc: {  	[tilespmem:s29+$0x8640] =	vst v21  }
0x1bd: {  	v21 =	vld.idx.msk [tilespmem:v22+s22+$0x0], $0xffff;
	[tilespmem:s0+$0x8640] =	vst v23;
	v30 =	vadd.s32 v47, v6  }
0x1be: {  	v31 =	vadd.s32 v47, v8;
	v23 =	vld.idx.msk [tilespmem:v24+s22+$0x0], $0xffff;
	v22 =	vor.u32 v7, v30;
	[tilespmem:s1+$0x8640] =	vst v25  }
0x1bf: {  	v24 =	vor.u32 v9, v31;
	v29 =	vadd.s32 v47, v10;
	v25 =	vld.idx.msk [tilespmem:v26+s22+$0x0], $0xffff;
	[tilespmem:s17+$0x8640] =	vst v27  }
0x1c0: {  	v26 =	vor.u32 v11, v29;
	v27 =	vld.idx.msk [tilespmem:v28+s22+$0x0], $0xffff;
	v28 =	vadd.s32 v47, v13  }
0x1c1: {  	v28 =	vor.u32 v12, v28  }
0x1c2: {  	[tilespmem:s29+$0x8650] =	vst v21  }
0x1c3: {  	v30 =	vadd.s32 v48, v6;
	[tilespmem:s0+$0x8650] =	vst v23;
	v21 =	vld.idx.msk [tilespmem:v22+s22+$0x0], $0xffff  }
0x1c4: {  	v31 =	vadd.s32 v48, v8;
	v22 =	vor.u32 v7, v30;
	v23 =	vld.idx.msk [tilespmem:v24+s22+$0x0], $0xffff;
	[tilespmem:s1+$0x8650] =	vst v25  }
0x1c5: {  	v24 =	vor.u32 v9, v31;
	v29 =	vadd.s32 v48, v10;
	v25 =	vld.idx.msk [tilespmem:v26+s22+$0x0], $0xffff;
	[tilespmem:s17+$0x8650] =	vst v27  }
0x1c6: {  	v26 =	vor.u32 v11, v29;
	v27 =	vld.idx.msk [tilespmem:v28+s22+$0x0], $0xffff;
	v28 =	vadd.s32 v48, v13  }
0x1c7: {  	v28 =	vor.u32 v12, v28  }
0x1c8: {  	[tilespmem:s29+$0x8660] =	vst v21  }
0x1c9: {  	v30 =	vadd.s32 v49, v6;
	[tilespmem:s0+$0x8660] =	vst v23;
	v21 =	vld.idx.msk [tilespmem:v22+s22+$0x0], $0xffff  }
0x1ca: {  	v31 =	vadd.s32 v49, v8;
	v22 =	vor.u32 v7, v30;
	v23 =	vld.idx.msk [tilespmem:v24+s22+$0x0], $0xffff;
	[tilespmem:s1+$0x8660] =	vst v25  }
0x1cb: {  	v24 =	vor.u32 v9, v31;
	v29 =	vadd.s32 v49, v10;
	v25 =	vld.idx.msk [tilespmem:v26+s22+$0x0], $0xffff;
	[tilespmem:s17+$0x8660] =	vst v27  }
0x1cc: {  	[tilespmem:s30+$0x8E60] =	vst v17;
	v30 =	vadd.s32 v49, v13;
	v17 =	vor.u32 v11, v29;
	v26 =	vld.idx.msk [tilespmem:v28+s22+$0x0], $0xffff  }
0x1cd: {  	[tilespmem:s21+$0x8A50] =	vst v16;
	v31 =	vor.u32 v12, v30  }
0x1ce: {  	[tilespmem:s29+$0x8670] =	vst v21  }
0x1cf: {  	[tilespmem:s0+$0x8670] =	vst v23;
	v21 =	vld.idx.msk [tilespmem:v22+s22+$0x0], $0xffff;
	v27 =	vadd.s32 v50, v6  }
0x1d0: {  	v23 =	vld.idx.msk [tilespmem:v24+s22+$0x0], $0xffff;
	v22 =	vor.u32 v7, v27;
	v28 =	vadd.s32 v50, v8;
	[tilespmem:s1+$0x8670] =	vst v25  }
0x1d1: {  	v29 =	vadd.s32 v50, v10;
	v24 =	vor.u32 v9, v28;
	v17 =	vld.idx.msk [tilespmem:v17+s22+$0x0], $0xffff;
	[tilespmem:s17+$0x8670] =	vst v26  }
0x1d2: {  	[tilespmem:s10+$0x8E20] =	vst v18;
	v30 =	vadd.s32 v50, v13;
	v18 =	vor.u32 v11, v29;
	v16 =	vld.idx.msk [tilespmem:v31+s22+$0x0], $0xffff  }
0x1d3: {  	v15 =	vld.idx.msk [tilespmem:v15+s22+$0x0], $0xffff;
	[tilespmem:s28+$0x8A10] =	vst v19;
	v19 =	vor.u32 v12, v30  }
0x1d4: {  	v20 =	vor.u32 v5, v20;
	v14 =	vld.idx.msk [tilespmem:v14+s22+$0x0], $0xffff;
	[tilespmem:s29+$0x8A00] =	vst v21;
	v31 =	vadd.s32 v51, v2  }
0x1d5: {  	[tilespmem:s0+$0x8A00] =	vst v23;
	v28 =	vadd.s32 v51, v6;
	v22 =	vld.idx.msk [tilespmem:v22+s22+$0x0], $0xffff;
	v21 =	vor.u32 v3, v31  }
0x1d6: {  	v29 =	vadd.s32 v51, v8;
	v23 =	vor.u32 v7, v28;
	v24 =	vld.idx.msk [tilespmem:v24+s22+$0x0], $0xffff;
	[tilespmem:s1+$0x8A00] =	vst v17  }
0x1d7: {  	v30 =	vadd.s32 v51, v10;
	v17 =	vor.u32 v9, v29;
	v18 =	vld.idx.msk [tilespmem:v18+s22+$0x0], $0xffff;
	[tilespmem:s17+$0x8A00] =	vst v16  }
0x1d8: {  	[tilespmem:s30+$0x8E70] =	vst v15;
	v15 =	vor.u32 v11, v30;
	v31 =	vadd.s32 v51, v13;
	v16 =	vld.idx.msk [tilespmem:v19+s22+$0x0], $0xffff  }
0x1d9: {  	v20 =	vld.idx.msk [tilespmem:v20+s22+$0x0], $0xffff;
	[tilespmem:s21+$0x8A60] =	vst v14;
	v28 =	vadd.s32 v56, v0;
	v14 =	vor.u32 v12, v31  }
0x1da: {  	v29 =	vadd.s32 v52, v2;
	[tilespmem:s29+$0x8A10] =	vst v22;
	v19 =	vor.u32 v1, v28;
	v21 =	vld.idx.msk [tilespmem:v21+s22+$0x0], $0xffff  }
0x1db: {  	v30 =	vadd.s32 v52, v6;
	v22 =	vor.u32 v3, v29;
	v23 =	vld.idx.msk [tilespmem:v23+s22+$0x0], $0xffff;
	[tilespmem:s0+$0x8A10] =	vst v24  }
0x1dc: {  	v31 =	vadd.s32 v52, v8;
	v24 =	vor.u32 v7, v30;
	v17 =	vld.idx.msk [tilespmem:v17+s22+$0x0], $0xffff;
	[tilespmem:s1+$0x8A10] =	vst v18  }
0x1dd: {  	v28 =	vadd.s32 v52, v10;
	v18 =	vor.u32 v9, v31;
	v15 =	vld.idx.msk [tilespmem:v15+s22+$0x0], $0xffff;
	[tilespmem:s17+$0x8A10] =	vst v16  }
0x1de: {  	[tilespmem:s10+$0x8E30] =	vst v20;
	v29 =	vadd.s32 v52, v13;
	v16 =	vor.u32 v11, v28;
	v14 =	vld.idx.msk [tilespmem:v14+s22+$0x0], $0xffff  }
0x1df: {  	v30 =	vadd.s32 v61, v4;
	v20 =	vor.u32 v12, v29;
	v19 =	vld.idx.msk [tilespmem:v19+s22+$0x0], $0xffff;
	[tilespmem:s28+$0x8A20] =	vst v21  }
0x1e0: {  	v31 =	vadd.s32 v53, v2;
	[tilespmem:s29+$0x8A20] =	vst v23;
	v21 =	vor.u32 v5, v30;
	v22 =	vld.idx.msk [tilespmem:v22+s22+$0x0], $0xffff  }
0x1e1: {  	v23 =	vor.u32 v3, v31;
	v24 =	vld.idx.msk [tilespmem:v24+s22+$0x0], $0xffff;
	v28 =	vadd.s32 v53, v6;
	[tilespmem:s0+$0x8A20] =	vst v17  }
0x1e2: {  	v29 =	vadd.s32 v53, v8;
	v17 =	vor.u32 v7, v28;
	v18 =	vld.idx.msk [tilespmem:v18+s22+$0x0], $0xffff;
	[tilespmem:s1+$0x8A20] =	vst v15  }
0x1e3: {  	v30 =	vadd.s32 v53, v10;
	v15 =	vor.u32 v9, v29;
	v16 =	vld.idx.msk [tilespmem:v16+s22+$0x0], $0xffff;
	[tilespmem:s17+$0x8A20] =	vst v14  }
0x1e4: {  	v31 =	vadd.s32 v53, v13;
	[tilespmem:s21+$0x8A70] =	vst v19;
	v14 =	vor.u32 v11, v30;
	v19 =	vld.idx.msk [tilespmem:v20+s22+$0x0], $0xffff  }
0x1e5: {  	v28 =	vadd.s32 v57, v0;
	v21 =	vld.idx.msk [tilespmem:v21+s22+$0x0], $0xffff;
	[tilespmem:s28+$0x8A30] =	vst v22;
	v20 =	vor.u32 v12, v31  }
0x1e6: {  	v29 =	vadd.s32 v54, v2;
	[tilespmem:s29+$0x8A30] =	vst v24;
	v22 =	vor.u32 v1, v28;
	v23 =	vld.idx.msk [tilespmem:v23+s22+$0x0], $0xffff  }
0x1e7: {  	v24 =	vor.u32 v3, v29;
	v30 =	vadd.s32 v54, v6;
	v17 =	vld.idx.msk [tilespmem:v17+s22+$0x0], $0xffff;
	[tilespmem:s0+$0x8A30] =	vst v18  }
0x1e8: {  	v31 =	vadd.s32 v54, v8;
	v18 =	vor.u32 v7, v30;
	v15 =	vld.idx.msk [tilespmem:v15+s22+$0x0], $0xffff;
	[tilespmem:s1+$0x8A30] =	vst v16  }
0x1e9: {  	v28 =	vadd.s32 v54, v10;
	v16 =	vor.u32 v9, v31;
	v14 =	vld.idx.msk [tilespmem:v14+s22+$0x0], $0xffff;
	[tilespmem:s17+$0x8A30] =	vst v19  }
0x1ea: {  	v29 =	vadd.s32 v54, v13;
	[tilespmem:s10+$0x8E40] =	vst v21;
	v19 =	vor.u32 v11, v28;
	v20 =	vld.idx.msk [tilespmem:v20+s22+$0x0], $0xffff  }
0x1eb: {  	v30 =	vadd.s32 v62, v4;
	v21 =	vor.u32 v12, v29;
	v22 =	vld.idx.msk [tilespmem:v22+s22+$0x0], $0xffff;
	[tilespmem:s28+$0x8A40] =	vst v23  }
0x1ec: {  	v31 =	vadd.s32 v55, v2;
	v23 =	vor.u32 v5, v30;
	[tilespmem:s29+$0x8A40] =	vst v17;
	v24 =	vld.idx.msk [tilespmem:v24+s22+$0x0], $0xffff  }
0x1ed: {  	v17 =	vor.u32 v3, v31;
	v28 =	vadd.s32 v55, v6;
	v18 =	vld.idx.msk [tilespmem:v18+s22+$0x0], $0xffff;
	[tilespmem:s0+$0x8A40] =	vst v15  }
0x1ee: {  	v29 =	vadd.s32 v55, v8;
	v15 =	vor.u32 v7, v28;
	v16 =	vld.idx.msk [tilespmem:v16+s22+$0x0], $0xffff;
	[tilespmem:s1+$0x8A40] =	vst v14  }
0x1ef: {  	v30 =	vadd.s32 v55, v10;
	v14 =	vor.u32 v9, v29;
	v19 =	vld.idx.msk [tilespmem:v19+s22+$0x0], $0xffff;
	[tilespmem:s17+$0x8A40] =	vst v20  }
0x1f0: {  	v31 =	vadd.s32 v55, v13;
	[tilespmem:s21+$0x8E00] =	vst v22;
	v20 =	vor.u32 v11, v30;
	v21 =	vld.idx.msk [tilespmem:v21+s22+$0x0], $0xffff  }
0x1f1: {  	v28 =	vadd.s32 v58, v0;
	v22 =	vor.u32 v12, v31;
	v23 =	vld.idx.msk [tilespmem:v23+s22+$0x0], $0xffff;
	[tilespmem:s28+$0x8A50] =	vst v24  }
0x1f2: {  	v29 =	vadd.s32 v56, v2;
	v24 =	vor.u32 v1, v28;
	[tilespmem:s29+$0x8A50] =	vst v18;
	v17 =	vld.idx.msk [tilespmem:v17+s22+$0x0], $0xffff  }
0x1f3: {  	v18 =	vor.u32 v3, v29;
	v30 =	vadd.s32 v56, v6;
	v15 =	vld.idx.msk [tilespmem:v15+s22+$0x0], $0xffff;
	[tilespmem:s0+$0x8A50] =	vst v16  }
0x1f4: {  	v31 =	vadd.s32 v56, v8;
	v16 =	vor.u32 v7, v30;
	v14 =	vld.idx.msk [tilespmem:v14+s22+$0x0], $0xffff;
	[tilespmem:s1+$0x8A50] =	vst v19  }
0x1f5: {  	v28 =	vadd.s32 v56, v10;
	v19 =	vor.u32 v9, v31;
	v20 =	vld.idx.msk [tilespmem:v20+s22+$0x0], $0xffff;
	[tilespmem:s17+$0x8A50] =	vst v21  }
0x1f6: {  	v29 =	vadd.s32 v56, v13;
	[tilespmem:s10+$0x8E50] =	vst v23;
	v21 =	vor.u32 v11, v28;
	v22 =	vld.idx.msk [tilespmem:v22+s22+$0x0], $0xffff  }
0x1f7: {  	v30 =	vadd.s32 v63, v4;
	v24 =	vld.idx.msk [tilespmem:v24+s22+$0x0], $0xffff;
	[tilespmem:s28+$0x8A60] =	vst v17;
	v17 =	vor.u32 v12, v29  }
0x1f8: {  	v23 =	vor.u32 v5, v30;
	v31 =	vadd.s32 v57, v2;
	[tilespmem:s29+$0x8A60] =	vst v15;
	v18 =	vld.idx.msk [tilespmem:v18+s22+$0x0], $0xffff  }
0x1f9: {  	v15 =	vor.u32 v3, v31;
	v28 =	vadd.s32 v57, v6;
	v16 =	vld.idx.msk [tilespmem:v16+s22+$0x0], $0xffff;
	[tilespmem:s0+$0x8A60] =	vst v14  }
0x1fa: {  	v29 =	vadd.s32 v57, v8;
	v14 =	vor.u32 v7, v28;
	v19 =	vld.idx.msk [tilespmem:v19+s22+$0x0], $0xffff;
	[tilespmem:s1+$0x8A60] =	vst v20  }
0x1fb: {  	v30 =	vadd.s32 v57, v10;
	v20 =	vor.u32 v9, v29;
	v21 =	vld.idx.msk [tilespmem:v21+s22+$0x0], $0xffff;
	[tilespmem:s17+$0x8A60] =	vst v22  }
0x1fc: {  	v31 =	vadd.s32 v57, v13;
	[tilespmem:s21+$0x8E10] =	vst v24;
	v22 =	vor.u32 v11, v30;
	v17 =	vld.idx.msk [tilespmem:v17+s22+$0x0], $0xffff  }
0x1fd: {  	v28 =	vadd.s32 v59, v0;
	v23 =	vld.idx.msk [tilespmem:v23+s22+$0x0], $0xffff;
	[tilespmem:s28+$0x8A70] =	vst v18;
	v18 =	vor.u32 v12, v31  }
0x1fe: {  	v24 =	vor.u32 v1, v28;
	v29 =	vadd.s32 v58, v2;
	[tilespmem:s29+$0x8A70] =	vst v16;
	v15 =	vld.idx.msk [tilespmem:v15+s22+$0x0], $0xffff  }
0x1ff: {  	v16 =	vor.u32 v3, v29;
	v30 =	vadd.s32 v58, v6;
	v14 =	vld.idx.msk [tilespmem:v14+s22+$0x0], $0xffff;
	[tilespmem:s0+$0x8A70] =	vst v19  }
0x200: {  	v31 =	vadd.s32 v58, v8;
	v19 =	vor.u32 v7, v30;
	v20 =	vld.idx.msk [tilespmem:v20+s22+$0x0], $0xffff;
	[tilespmem:s1+$0x8A70] =	vst v21  }
0x201: {  	v28 =	vadd.s32 v58, v10;
	v21 =	vor.u32 v9, v31;
	v22 =	vld.idx.msk [tilespmem:v22+s22+$0x0], $0xffff;
	[tilespmem:s17+$0x8A70] =	vst v17  }
0x202: {  	v29 =	vadd.s32 v58, v13;
	[tilespmem:s10+$0x8E60] =	vst v23;
	v17 =	vor.u32 v11, v28;
	v18 =	vld.idx.msk [tilespmem:v18+s22+$0x0], $0xffff  }
0x203: {  	v30 =	vadd.s32 v32, v4;
	v24 =	vld.idx.msk [tilespmem:v24+s22+$0x0], $0xffff;
	v31 =	vor.u32 v12, v29;
	[tilespmem:s28+$0x8E00] =	vst v15  }
0x204: {  	v25 =	vadd.s32 v59, v2;
	v4 =	vor.u32 v5, v30;
	[tilespmem:s29+$0x8E00] =	vst v14;
	v5 =	vld.idx.msk [tilespmem:v16+s22+$0x0], $0xffff  }
0x205: {  	v27 =	vadd.s32 v59, v6;
	v26 =	vor.u32 v3, v25;
	v16 =	vld.idx.msk [tilespmem:v19+s22+$0x0], $0xffff;
	[tilespmem:s0+$0x8E00] =	vst v20  }
0x206: {  	v28 =	vadd.s32 v59, v8;
	v19 =	vor.u32 v7, v27;
	v20 =	vld.idx.msk [tilespmem:v21+s22+$0x0], $0xffff;
	[tilespmem:s1+$0x8E00] =	vst v22  }
0x207: {  	v29 =	vadd.s32 v59, v10;
	v21 =	vor.u32 v9, v28;
	v17 =	vld.idx.msk [tilespmem:v17+s22+$0x0], $0xffff;
	[tilespmem:s17+$0x8E00] =	vst v18  }
0x208: {  	v30 =	vadd.s32 v59, v13;
	[tilespmem:s21+$0x8E20] =	vst v24;
	v18 =	vor.u32 v11, v29;
	v15 =	vld.idx.msk [tilespmem:v31+s22+$0x0], $0xffff  }
0x209: {  	v4 =	vld.idx.msk [tilespmem:v4+s22+$0x0], $0xffff;
	v24 =	vor.u32 v12, v30;
	[tilespmem:s28+$0x8E10] =	vst v5;
	v31 =	vadd.s32 v60, v0  }
0x20a: {  	[tilespmem:s29+$0x8E10] =	vst v16;
	v14 =	vld.idx.msk [tilespmem:v26+s22+$0x0], $0xffff;
	v26 =	vadd.s32 v60, v2;
	v25 =	vor.u32 v1, v31  }
0x20b: {  	v27 =	vadd.s32 v60, v6;
	v19 =	vld.idx.msk [tilespmem:v19+s22+$0x0], $0xffff;
	v16 =	vor.u32 v3, v26;
	[tilespmem:s0+$0x8E10] =	vst v20  }
0x20c: {  	v28 =	vadd.s32 v60, v8;
	v20 =	vor.u32 v7, v27;
	v21 =	vld.idx.msk [tilespmem:v21+s22+$0x0], $0xffff;
	[tilespmem:s1+$0x8E10] =	vst v17  }
0x20d: {  	v30 =	vadd.s32 v60, v10;
	v29 =	vor.u32 v9, v28;
	v18 =	vld.idx.msk [tilespmem:v18+s22+$0x0], $0xffff;
	[tilespmem:s17+$0x8E10] =	vst v15  }
0x20e: {  	[tilespmem:s10+$0x8E70] =	vst v4;
	v4 =	vor.u32 v11, v30;
	v31 =	vadd.s32 v60, v13;
	v5 =	vld.idx.msk [tilespmem:v24+s22+$0x0], $0xffff  }
0x20f: {  	[tilespmem:s28+$0x8E20] =	vst v14;
	v22 =	vld.idx.msk [tilespmem:v25+s22+$0x0], $0xffff;
	v24 =	vadd.s32 v61, v0;
	v25 =	vor.u32 v12, v31  }
0x210: {  	v27 =	vadd.s32 v61, v2;
	[tilespmem:s29+$0x8E20] =	vst v19;
	v16 =	vld.idx.msk [tilespmem:v16+s22+$0x0], $0xffff;
	v26 =	vor.u32 v1, v24  }
0x211: {  	v28 =	vadd.s32 v61, v6;
	v19 =	vor.u32 v3, v27;
	v20 =	vld.idx.msk [tilespmem:v20+s22+$0x0], $0xffff;
	[tilespmem:s0+$0x8E20] =	vst v21  }
0x212: {  	v21 =	vor.u32 v7, v28;
	v17 =	vld.idx.msk [tilespmem:v29+s22+$0x0], $0xffff;
	v29 =	vadd.s32 v61, v8;
	[tilespmem:s1+$0x8E20] =	vst v18  }
0x213: {  	v31 =	vadd.s32 v61, v10;
	v30 =	vor.u32 v9, v29;
	v4 =	vld.idx.msk [tilespmem:v4+s22+$0x0], $0xffff;
	[tilespmem:s17+$0x8E20] =	vst v5  }
0x214: {  	v24 =	vadd.s32 v61, v13;
	[tilespmem:s21+$0x8E30] =	vst v22;
	v5 =	vor.u32 v11, v31;
	v14 =	vld.idx.msk [tilespmem:v25+s22+$0x0], $0xffff  }
0x215: {  	[tilespmem:s28+$0x8E30] =	vst v16;
	v15 =	vld.idx.msk [tilespmem:v26+s22+$0x0], $0xffff;
	v25 =	vadd.s32 v62, v0;
	v26 =	vor.u32 v12, v24  }
0x216: {  	v28 =	vadd.s32 v62, v2;
	[tilespmem:s29+$0x8E30] =	vst v20;
	v19 =	vld.idx.msk [tilespmem:v19+s22+$0x0], $0xffff;
	v27 =	vor.u32 v1, v25  }
0x217: {  	v29 =	vadd.s32 v62, v6;
	v20 =	vor.u32 v3, v28;
	v21 =	vld.idx.msk [tilespmem:v21+s22+$0x0], $0xffff;
	[tilespmem:s0+$0x8E30] =	vst v17  }
0x218: {  	v17 =	vor.u32 v7, v29;
	v18 =	vld.idx.msk [tilespmem:v30+s22+$0x0], $0xffff;
	v30 =	vadd.s32 v62, v8;
	[tilespmem:s1+$0x8E30] =	vst v4  }
0x219: {  	v24 =	vadd.s32 v62, v10;
	v31 =	vor.u32 v9, v30;
	v5 =	vld.idx.msk [tilespmem:v5+s22+$0x0], $0xffff;
	[tilespmem:s17+$0x8E30] =	vst v14  }
0x21a: {  	v25 =	vor.u32 v11, v24;
	[tilespmem:s21+$0x8E40] =	vst v15;
	v15 =	vld.idx.msk [tilespmem:v26+s22+$0x0], $0xffff;
	v26 =	vadd.s32 v62, v13  }
0x21b: {  	[tilespmem:s28+$0x8E40] =	vst v19;
	v22 =	vld.idx.msk [tilespmem:v27+s22+$0x0], $0xffff;
	v27 =	vadd.s32 v63, v0;
	v16 =	vor.u32 v12, v26  }
0x21c: {  	v29 =	vadd.s32 v63, v2;
	[tilespmem:s29+$0x8E40] =	vst v21;
	v20 =	vld.idx.msk [tilespmem:v20+s22+$0x0], $0xffff;
	v28 =	vor.u32 v1, v27  }
0x21d: {  	v30 =	vadd.s32 v63, v6;
	v21 =	vor.u32 v3, v29;
	v17 =	vld.idx.msk [tilespmem:v17+s22+$0x0], $0xffff;
	[tilespmem:s0+$0x8E40] =	vst v18  }
0x21e: {  	v18 =	vor.u32 v7, v30;
	v4 =	vld.idx.msk [tilespmem:v31+s22+$0x0], $0xffff;
	v31 =	vadd.s32 v63, v8;
	[tilespmem:s1+$0x8E40] =	vst v5  }
0x21f: {  	v24 =	vor.u32 v9, v31;
	v14 =	vld.idx.msk [tilespmem:v25+s22+$0x0], $0xffff;
	v25 =	vadd.s32 v63, v10;
	[tilespmem:s17+$0x8E40] =	vst v15  }
0x220: {  	v27 =	vadd.s32 v63, v13;
	[tilespmem:s21+$0x8E50] =	vst v22;
	v26 =	vor.u32 v11, v25;
	v16 =	vld.idx.msk [tilespmem:v16+s22+$0x0], $0xffff  }
0x221: {  	v29 =	vor.u32 v12, v27;
	[tilespmem:s28+$0x8E50] =	vst v20;
	v19 =	vld.idx.msk [tilespmem:v28+s22+$0x0], $0xffff;
	v28 =	vadd.s32 v32, v0  }
0x222: {  	v31 =	vadd.s32 v32, v2;
	[tilespmem:s29+$0x8E50] =	vst v17;
	v30 =	vld.idx.msk [tilespmem:v21+s22+$0x0], $0xffff;
	v0 =	vor.u32 v1, v28  }
0x223: {  	v2 =	vor.u32 v3, v31;
	v18 =	vld.idx.msk [tilespmem:v18+s22+$0x0], $0xffff;
	v21 =	vadd.s32 v32, v6;
	[tilespmem:s0+$0x8E50] =	vst v4  }
0x224: {  	v23 =	vadd.s32 v32, v8;
	v22 =	vor.u32 v7, v21;
	v5 =	vld.idx.msk [tilespmem:v24+s22+$0x0], $0xffff;
	[tilespmem:s1+$0x8E50] =	vst v14  }
0x225: {  	v25 =	vadd.s32 v32, v10;
	v6 =	vor.u32 v9, v23;
	v24 =	vld.idx.msk [tilespmem:v26+s22+$0x0], $0xffff;
	[tilespmem:s17+$0x8E50] =	vst v16  }
0x226: {  	v27 =	vadd.s32 v32, v13;
	v8 =	vor.u32 v11, v25;
	[tilespmem:s21+$0x8E60] =	vst v19;
	v26 =	vld.idx.msk [tilespmem:v29+s22+$0x0], $0xffff  }
0x227: {  	v28 =	vor.u32 v12, v27;
	[tilespmem:s28+$0x8E60] =	vst v30;
	v0 =	vld.idx.msk [tilespmem:v0+s22+$0x0], $0xffff  }
0x228: {  	[tilespmem:s29+$0x8E60] =	vst v18;
	v2 =	vld.idx.msk [tilespmem:v2+s22+$0x0], $0xffff  }
0x229: {  	v3 =	vld.idx.msk [tilespmem:v22+s22+$0x0], $0xffff;
	[tilespmem:s0+$0x8E60] =	vst v5  }
0x22a: {  	v29 =	vld.idx.msk [tilespmem:v6+s22+$0x0], $0xffff;
	[tilespmem:s1+$0x8E60] =	vst v24  }
0x22b: {  	v30 =	vld.idx.msk [tilespmem:v8+s22+$0x0], $0xffff;
	[tilespmem:s17+$0x8E60] =	vst v26  }
0x22c: {  	[tilespmem:s21+$0x8E70] =	vst v0;
	v31 =	vld.idx.msk [tilespmem:v28+s22+$0x0], $0xffff  }
0x22d: {  	[tilespmem:s28+$0x8E70] =	vst v2  }
0x22e: {  	[tilespmem:s29+$0x8E70] =	vst v3  }
0x22f: {  	p3 =	sne.s32 s13, $0x0;
	[tilespmem:s0+$0x8E70] =	vst v29  }
0x230: {  	s0 =	sshll.u32 @!p3 s6, $0xB;
	[tilespmem:s1+$0x8E70] =	vst v30  }
0x231: {  	s10 =	simm.s32 @!p3 $0x8200;
	s0 =	sadd.s32 @!p3 s0, s12;
	s1 =	simm.s32 @!p3 $0x0;
	[tilespmem:s17+$0x8E70] =	vst v31  }
0x232: {  	[hbm4b:s0+s1] =	stream.linear.scatter @!p3 [tilespmem:s10], [sflag:$0x3], $0x4000, $0x38;
	[tilespmem:$0x10200] =	vst v63  }
0x233: {  	s0 =	sshll.u32 @p1 s6, $0xB  }
0x234: {  	s1 =	simm.s32 @p1 $0x0;
	s10 =	simm.s32 @p1 $0xC200;
	s0 =	sadd.s32 @p1 s0, s12  }
0x235: {  	[hbm4b:s0+s1] =	stream.linear.scatter @p1 [tilespmem:s10], [sflag:$0x4], $0x4000, $0x38;
	[tilespmem:$0x10200] =	vst v63  }
0x236: {  	p1 =	sgt.u32 s6, $0xD  }
0x237: {  	p3 =	sne.s32 @!p1 s13, $0x0  }
0x238: {  	s0 =	sadd.s32 $0x2, s6;
	s6 =	sadd.s32 $0x1, s6;
	p3 =	por p3, p1  }
0x239: {  	p1 =	por p1, p2;
	s1 =	sshll.u32 @!p3 s0, $0xB;
	s10 =	simm.s32 @!p3 $0x0  }
0x23a: {  	s11 =	simm.s32 @!p3 $0x200;
	s0 =	sshll.u32 @!p1 s0, $0xB;
	s1 =	sadd.s32 @!p3 s1, s4  }
0x23b: {  	[tilespmem:s11], [sflag:$0x1] =	stream.linear.gather @!p3 [hbm4b:s1+s10], $0x4000, $0x38;
	[tilespmem:$0x10200] =	vst v63  }
0x23c: {  	s0 =	sadd.s32 @!p1 s0, s4;
	s1 =	simm.s32 @!p1 $0x0;
	s10 =	simm.s32 @!p1 $0x4200  }
0x23d: {  	[tilespmem:s10], [sflag:$0x2] =	stream.linear.gather @!p1 [hbm4b:s0+s1], $0x4000, $0x38;
	[tilespmem:$0x10200] =	vst v63  }
0x23e: {  	p1 =	sne.s32 s6, $0x10  }
.Ltmp4:
0x23f: {  	_ = 	snop;
	(pc) =	sbr.rel @p1 .LBB2_7-.Ltmp4, $2  }
0x240: {  	_ =	sdelay $0x2  }
0x241: {  	p0 =	por !p0, !p0  }
0x242: {  	_ =	swait.ge [sflag:s25], $0x4000  }
0x243: {  	[sflag:s25] =	ssyncset.done $0x0  }
0x244: {  	[sflag:s25] =	ssyncadd.s32 $0xFFFFC000  }
0x245: {  	_ =	swait.ge [sflag:s26], $0x4000  }
0x246: {  	v26 =	vld [tilespmem:$0x1FE20]  }
0x247: {  	v27 =	vld [tilespmem:$0x1FE30]  }
0x248: {  	v28 =	vld [tilespmem:$0x1FE40]  }
0x249: {  	v29 =	vld [tilespmem:$0x1FE50]  }
0x24a: {  	v30 =	vld [tilespmem:$0x1FE60]  }
0x24b: {  	v31 =	vld [tilespmem:$0x1FE70]  }
0x24c: {  	v37 =	vld [tilespmem:$0x1FE80]  }
0x24d: {  	v41 =	vld [tilespmem:$0x1FE90]  }
0x24e: {  	v42 =	vld [tilespmem:$0x1FEA0]  }
0x24f: {  	v43 =	vld [tilespmem:$0x1FEB0]  }
0x250: {  	v44 =	vld [tilespmem:$0x1FEC0]  }
0x251: {  	v45 =	vld [tilespmem:$0x1FED0]  }
0x252: {  	v46 =	vld [tilespmem:$0x1FEE0]  }
0x253: {  	v47 =	vld [tilespmem:$0x1FEF0]  }
0x254: {  	v48 =	vld [tilespmem:$0x1FF00]  }
0x255: {  	v49 =	vld [tilespmem:$0x1FF10]  }
0x256: {  	v50 =	vld [tilespmem:$0x1FF20]  }
0x257: {  	v51 =	vld [tilespmem:$0x1FF30]  }
0x258: {  	v52 =	vld [tilespmem:$0x1FF40]  }
0x259: {  	v53 =	vld [tilespmem:$0x1FF50]  }
0x25a: {  	v54 =	vld [tilespmem:$0x1FF60]  }
0x25b: {  	v55 =	vld [tilespmem:$0x1FF70]  }
0x25c: {  	v56 =	vld [tilespmem:$0x1FF80]  }
0x25d: {  	s17 =	rddreg [dreg:$0x5];
	v57 =	vld [tilespmem:$0x1FF90]  }
0x25e: {  	s21 =	rddreg [dreg:$0xb];
	v58 =	vld [tilespmem:$0x1FFA0]  }
.Ltmp5:
0x25f: {  	s23 =	rddreg [dreg:$0xc];
	v59 =	vld [tilespmem:$0x1FFB0];
	(pc) =	sbr.rel .LBB2_11-.Ltmp5, $4  }
0x260: {  	s28 =	rddreg [dreg:$0xd];
	v60 =	vld [tilespmem:$0x1FFC0]  }
0x261: {  	[sflag:s26] =	ssyncset.done $0x0;
	s29 =	rddreg [dreg:$0xe];
	v61 =	vld [tilespmem:$0x1FFD0]  }
0x262: {  	v62 =	vld [tilespmem:$0x1FFE0];
	s0 =	rddreg [dreg:$0xf];
	[sflag:s26] =	ssyncadd.s32 $0xFFFFC000  }
0x263: {  	v25 =	vlaneseq.u32;
	s30 =	simm.s32 $0x9;
	v63 =	vld [tilespmem:$0x1FFF0];
	s16 =	rddreg [dreg:$0x1]  }
.LBB2_2:
0x264: {  	s0 =	simm.s32 $0x0  }
0x265: {  	[tilespmem:s22], [sflag:$0x1] =	stream.linear.gather [hbm4b:s4+s0], $0x2000, $0x38;
	[tilespmem:$0x10200] =	vst v63  }
0x266: {  	s1 =	rddreg [dreg:$0x4];
	s6 =	simm.s32 $0x2200  }
0x267: {  	[tilespmem:s6], [sflag:$0x2] =	stream.linear.gather [hbm4b:s1+s0], $0x2000, $0x38;
	[tilespmem:$0x10200] =	vst v63  }
0x268: {  	s6 =	simm.s32 $0x4200  }
0x269: {  	[tilespmem:s6], [sflag:$0x3] =	stream.linear.gather [hbm4b:s17+s0], $0x2000, $0x38;
	[tilespmem:$0x10200] =	vst v63  }
0x26a: {  	s10 =	rddreg [dreg:$0x6];
	s11 =	simm.s32 $0x6200  }
0x26b: {  	[tilespmem:s11], [sflag:$0x4] =	stream.linear.gather [hbm4b:s10+s0], $0x2000, $0x38;
	[tilespmem:$0x10200] =	vst v63  }
0x26c: {  	s13 =	rddreg [dreg:$0x7];
	s15 =	simm.s32 $0x8200  }
0x26d: {  	[tilespmem:s15], [sflag:$0x5] =	stream.linear.gather [hbm4b:s13+s0], $0x2000, $0x38;
	[tilespmem:$0x10200] =	vst v63  }
0x26e: {  	s6 =	rddreg [dreg:$0x8]  }
0x26f: {  	[tilespmem:s31], [sflag:$0x6] =	stream.linear.gather [hbm4b:s6+s0], $0x2000, $0x38;
	[tilespmem:$0x10200] =	vst v63  }
0x270: {  	s10 =	rddreg [dreg:$0x9];
	s11 =	simm.s32 $0xC200  }
0x271: {  	[tilespmem:s11], [sflag:$0x7] =	stream.linear.gather [hbm4b:s10+s0], $0x2000, $0x38;
	[tilespmem:$0x10200] =	vst v63  }
0x272: {  	s1 =	simm.s32 $0xFFFFFFF8;
	s13 =	rddreg [dreg:$0xa];
	s15 =	simm.s32 $0xE200  }
0x273: {  	[tilespmem:s15], [sflag:$0x8] =	stream.linear.gather [hbm4b:s13+s0], $0x2000, $0x38;
	[tilespmem:$0x10200] =	vst v63  }
.LBB2_3:
0x274: {  	_ =	swait.ge [sflag:s24], $0x2000  }
0x275: {  	[sflag:s24] =	ssyncset.done $0x0  }
0x276: {  	s6 =	sadd.s32 s0, s28;
	p0 =	sgt.u32 s1, $0x17;
	[sflag:s24] =	ssyncadd.s32 $0xFFFFE000  }
0x277: {  	[hbm4b:s6+s3] =	stream.linear.scatter [tilespmem:s22], [sflag:$0x1], $0x2000, $0x38;
	[tilespmem:$0x10200] =	vst v63  }
0x278: {  	s6 =	simm.s32 @!p0 $0x7  }
0x279: {  	_ =	swait.ge @!p0 [sflag:s6], $0x2000  }
0x27a: {  	s10 =	simm.s32 @!p0 $0x0;
	[sflag:s6] =	ssyncset.done @!p0 $0x0  }
0x27b: {  	s11 =	simm.s32 @!p0 $0xC200;
	[sflag:s6] =	ssyncadd.s32 @!p0 $0xFFFFE000;
	s6 =	sadd.s32 @!p0 s0, s20  }
0x27c: {  	[tilespmem:s11], [sflag:$0x7] =	stream.linear.gather @!p0 [hbm4b:s6+s10], $0x2000, $0x38;
	[tilespmem:$0x10200] =	vst v63  }
0x27d: {  	s15 =	simm.s32 $0x2200;
	_ =	swait.ge [sflag:s2], $0x2000  }
0x27e: {  	s6 =	sadd.s32 s0, s23;
	p0 =	seq.s32 s0, $0x0;
	[sflag:s2] =	ssyncset.done $0x0  }
0x27f: {  	s13 =	sadd.s32 $0x400, s6;
	s10 =	simm.s32 @!p0 $0x8;
	[sflag:s2] =	ssyncadd.s32 $0xFFFFE000  }
0x280: {  	[hbm4b:s13+s3] =	stream.linear.scatter [tilespmem:s15], [sflag:$0x2], $0x2000, $0x38;
	[tilespmem:$0x10200] =	vst v63  }
0x281: {  	_ =	swait.ge @!p0 [sflag:s10], $0x2000  }
0x282: {  	s11 =	simm.s32 @!p0 $0x0;
	[sflag:s10] =	ssyncset.done @!p0 $0x0  }
0x283: {  	s13 =	simm.s32 @!p0 $0xE200;
	[sflag:s10] =	ssyncadd.s32 @!p0 $0xFFFFE000;
	s10 =	sadd.s32 @!p0 s0, s29  }
0x284: {  	[tilespmem:s13], [sflag:$0x8] =	stream.linear.gather @!p0 [hbm4b:s10+s11], $0x2000, $0x38;
	[tilespmem:$0x10200] =	vst v63  }
0x285: {  	_ =	swait.ge [sflag:s25], $0x2000  }
0x286: {  	s15 =	simm.s32 $0x4200;
	p0 =	seq.s32 s0, $0x6000;
	[sflag:s25] =	ssyncset.done $0x0  }
0x287: {  	s13 =	sadd.s32 $0x800, s6;
	s10 =	simm.s32 @!p0 $0x1;
	[sflag:s25] =	ssyncadd.s32 $0xFFFFE000  }
0x288: {  	[hbm4b:s13+s3] =	stream.linear.scatter [tilespmem:s15], [sflag:$0x3], $0x2000, $0x38;
	[tilespmem:$0x10200] =	vst v63  }
0x289: {  	_ =	swait.ge @!p0 [sflag:s10], $0x2000  }
0x28a: {  	[sflag:s10] =	ssyncset.done @!p0 $0x0  }
0x28b: {  	[sflag:s10] =	ssyncadd.s32 @!p0 $0xFFFFE000;
	s10 =	sadd.s32 @!p0 s0, s14  }
0x28c: {  	s13 =	simm.s32 @!p0 $0x0;
	s15 =	simm.s32 @!p0 $0x200;
	s11 =	sadd.s32 @!p0 $0x2000, s10  }
0x28d: {  	[tilespmem:s15], [sflag:$0x1] =	stream.linear.gather @!p0 [hbm4b:s11+s13], $0x2000, $0x38;
	[tilespmem:$0x10200] =	vst v63  }
0x28e: {  	_ =	swait.ge [sflag:s26], $0x2000  }
0x28f: {  	[sflag:s26] =	ssyncset.done $0x0  }
0x290: {  	s11 =	sadd.s32 $0xC00, s6;
	s15 =	simm.s32 $0x6200;
	[sflag:s26] =	ssyncadd.s32 $0xFFFFE000  }
0x291: {  	[hbm4b:s11+s3] =	stream.linear.scatter [tilespmem:s15], [sflag:$0x4], $0x2000, $0x38;
	[tilespmem:$0x10200] =	vst v63  }
0x292: {  	s11 =	simm.s32 @!p0 $0x2  }
0x293: {  	_ =	swait.ge @!p0 [sflag:s11], $0x2000  }
0x294: {  	[sflag:s11] =	ssyncset.done @!p0 $0x0  }
0x295: {  	s15 =	simm.s32 @!p0 $0x2200;
	[sflag:s11] =	ssyncadd.s32 @!p0 $0xFFFFE000;
	s11 =	sadd.s32 @!p0 $0x2400, s10  }
0x296: {  	[tilespmem:s15], [sflag:$0x2] =	stream.linear.gather @!p0 [hbm4b:s11+s13], $0x2000, $0x38;
	[tilespmem:$0x10200] =	vst v63  }
0x297: {  	_ =	swait.ge [sflag:s5], $0x2000  }
0x298: {  	[sflag:s5] =	ssyncset.done $0x0  }
0x299: {  	s11 =	sadd.s32 $0x1000, s6;
	s15 =	simm.s32 $0x8200;
	[sflag:s5] =	ssyncadd.s32 $0xFFFFE000  }
0x29a: {  	[hbm4b:s11+s3] =	stream.linear.scatter [tilespmem:s15], [sflag:$0x5], $0x2000, $0x38;
	[tilespmem:$0x10200] =	vst v63  }
0x29b: {  	s11 =	simm.s32 @!p0 $0x3  }
0x29c: {  	_ =	swait.ge @!p0 [sflag:s11], $0x2000  }
0x29d: {  	[sflag:s11] =	ssyncset.done @!p0 $0x0  }
0x29e: {  	s15 =	simm.s32 @!p0 $0x4200;
	[sflag:s11] =	ssyncadd.s32 @!p0 $0xFFFFE000;
	s11 =	sadd.s32 @!p0 $0x2800, s10  }
0x29f: {  	[tilespmem:s15], [sflag:$0x3] =	stream.linear.gather @!p0 [hbm4b:s11+s13], $0x2000, $0x38;
	[tilespmem:$0x10200] =	vst v63  }
0x2a0: {  	_ =	swait.ge [sflag:s7], $0x2000  }
0x2a1: {  	[sflag:s7] =	ssyncset.done $0x0  }
0x2a2: {  	s6 =	sadd.s32 $0x1400, s6;
	[sflag:s7] =	ssyncadd.s32 $0xFFFFE000  }
0x2a3: {  	[hbm4b:s6+s3] =	stream.linear.scatter [tilespmem:s31], [sflag:$0x6], $0x2000, $0x38;
	[tilespmem:$0x10200] =	vst v63  }
0x2a4: {  	s6 =	simm.s32 @!p0 $0x4  }
0x2a5: {  	_ =	swait.ge @!p0 [sflag:s6], $0x2000  }
0x2a6: {  	[sflag:s6] =	ssyncset.done @!p0 $0x0  }
0x2a7: {  	s11 =	simm.s32 @!p0 $0x6200;
	[sflag:s6] =	ssyncadd.s32 @!p0 $0xFFFFE000;
	s6 =	sadd.s32 @!p0 $0x2C00, s10  }
0x2a8: {  	[tilespmem:s11], [sflag:$0x4] =	stream.linear.gather @!p0 [hbm4b:s6+s13], $0x2000, $0x38;
	[tilespmem:$0x10200] =	vst v63  }
0x2a9: {  	_ =	swait.ge [sflag:s8], $0x2000  }
0x2aa: {  	s15 =	simm.s32 $0xC200;
	[sflag:s8] =	ssyncset.done $0x0  }
0x2ab: {  	s11 =	sadd.s32 s0, s19;
	s6 =	simm.s32 @!p0 $0x5;
	[sflag:s8] =	ssyncadd.s32 $0xFFFFE000  }
0x2ac: {  	[hbm4b:s11+s3] =	stream.linear.scatter [tilespmem:s15], [sflag:$0x7], $0x2000, $0x38;
	[tilespmem:$0x10200] =	vst v63  }
0x2ad: {  	_ =	swait.ge @!p0 [sflag:s6], $0x2000  }
0x2ae: {  	[sflag:s6] =	ssyncset.done @!p0 $0x0  }
0x2af: {  	[sflag:s6] =	ssyncadd.s32 @!p0 $0xFFFFE000;
	s6 =	sadd.s32 @!p0 $0x3000, s10;
	s10 =	simm.s32 @!p0 $0x8200  }
0x2b0: {  	[tilespmem:s10], [sflag:$0x5] =	stream.linear.gather @!p0 [hbm4b:s6+s13], $0x2000, $0x38;
	[tilespmem:$0x10200] =	vst v63  }
.Ltmp6:
0x2b1: {  	_ = 	snop;
	(pc) =	sbr.rel @p0 .LBB2_5-.Ltmp6, $4  }
0x2b2: {  	_ =	swait.ge [sflag:s9], $0x2000  }
0x2b3: {  	[sflag:s9] =	ssyncset.done $0x0  }
0x2b4: {  	s15 =	simm.s32 $0xE200;
	s13 =	sadd.s32 s0, s18;
	[sflag:s9] =	ssyncadd.s32 $0xFFFFE000  }
0x2b5: {  	[hbm4b:s13+s3] =	stream.linear.scatter [tilespmem:s15], [sflag:$0x8], $0x2000, $0x38;
	[tilespmem:$0x10200] =	vst v63  }
.Ltmp7:
0x2b6: {  	(pc) =	sbr.rel .LBB2_3-.Ltmp7, $4  }
0x2b7: {  	_ =	swait.ge [sflag:s7], $0x2000  }
0x2b8: {  	s6 =	sadd.s32 s0, s14;
	s0 =	sadd.s32 $0x2000, s0;
	[sflag:s7] =	ssyncset.done $0x0  }
0x2b9: {  	s1 =	sadd.s32 $0x8, s1;
	s6 =	sadd.s32 $0x3400, s6;
	[sflag:s7] =	ssyncadd.s32 $0xFFFFE000  }
0x2ba: {  	[tilespmem:s31], [sflag:$0x6] =	stream.linear.gather [hbm4b:s6+s3], $0x2000, $0x38;
	[tilespmem:$0x10200] =	vst v63  }
.LBB2_12:
0x2bb: {  	_ =	sfence.sel $0x180000  }
0x2bc: {  	[bflag:$0x0] =	sbarrier.arrive $0xFFFF  }
0x2bd: {  	_ =	strace $0x90000047  }
0x2be: {  	s0 =	stileid.u32;
	[bflag:$0x2] =	sbarrier.arrive $0xFFFF  }
0x2bf: {  	p0 =	sne.s32 s0, $0x0;
	s0 =	rddreg [dreg:$0x3]  }
0x2c0: {  	s0 =	sadd.s32 @!p0 $0x100000, s0  }
0x2c1: {  	[sflag:s0] =	ssyncadd.tile.s32 @!p0 $0x1;
	_ =	shalt  }
.Lfunc_end2:
_tile_overlayer_lowered:
.L_overlay_start_2:
0x2c2: {  	(tag) =	ssettag $0x2  }
0x2c3: {  	s0 =	rddreg [dreg:$0x0];
	s2 =	stileid.u32  }
0x2c4: {  	s1 =	rddreg [dreg:$0x1];
	p0 =	sne.s32 s2, $0x0  }
0x2c5: {  	s3 =	rddreg [dreg:$0x2];
	[bflag:$0x3] =	sbarrier.arrive $0xFFFF;
	s2 =	simm.s32 @!p0 $0x1C09  }
0x2c6: {  	[timem:s3], [sflag:s2] =	dma.local @!p0 [hbm:s0], s1  }
0x2c7: {  	s0 =	simm.s32 @!p0 $0x9  }
0x2c8: {  	_ =	swait.ge @!p0 [sflag:s0], s1  }
0x2c9: {  	s1 =	ssub.s32 @!p0 $0x0, s1;
	[sflag:s0] =	ssyncset.done @!p0 $0x0  }
0x2ca: {  	[sflag:s0] =	ssyncadd.s32 @!p0 s1  }
0x2cb: {  	[bflag:$0x3] =	sbarrier.arrive $0xFFFF  }
0x2cc: {  	_ =	shalt  }

</sc_bundles>
